<compile_context>
chip_gen: v7x
topology: tpu7x:2x2x1
jax: 0.10.2.dev20260603
libtpu: 0.0.44.dev20260713+nightly
codegen_flags: <defaults>
</compile_context>

<pallas_src>
import functools

import jax
import jax.numpy as jnp
from jax import lax
from jax.experimental import pallas as pl
from jax.experimental.pallas import tpu as pltpu
from jax.experimental.pallas import tpu_sc as plsc

NC = 2
NS = 16
L = 16
NW = NC * NS


def _fast_sqrt(x):
    x = jnp.maximum(x, jnp.float32(1e-30))
    i = lax.bitcast_convert_type(x, jnp.int32)
    i = jnp.int32(0x5F3759DF) - lax.shift_right_arithmetic(i, jnp.int32(1))
    y = lax.bitcast_convert_type(i, jnp.float32)
    y = y * (jnp.float32(1.5) - jnp.float32(0.5) * x * y * y)
    y = y * (jnp.float32(1.5) - jnp.float32(0.5) * x * y * y)
    return x * y


@functools.lru_cache(maxsize=None)
def _build_sc_kernel(B, D, NR):
    BPW = B // NW
    CH = 128
    NCH = BPW // CH
    KD = D // L

    mesh = plsc.VectorSubcoreMesh(core_axis_name="c", subcore_axis_name="s")

    @functools.partial(
        pl.kernel,
        mesh=mesh,
        compiler_params=pltpu.CompilerParams(needs_layout_passes=False),
        out_type=jax.ShapeDtypeStruct((B,), jnp.float32),
        scratch_types=[
            pltpu.VMEM((NCH, CH), jnp.int32),
            pltpu.VMEM((NCH, CH), jnp.int32),
            pltpu.VMEM((NCH, CH), jnp.int32),
            pltpu.VMEM((2, CH, D), jnp.float32),
            pltpu.VMEM((2, CH, D), jnp.float32),
            pltpu.VMEM((2, CH, D), jnp.float32),
            pltpu.VMEM((BPW,), jnp.float32),
            pltpu.VMEM_SHARED((NR, D), jnp.float32),
            pltpu.SemaphoreType.DMA,
            pltpu.SemaphoreType.DMA,
            pltpu.SemaphoreType.DMA,
            pltpu.SemaphoreType.DMA,
            pltpu.SemaphoreType.DMA,
            pltpu.SemaphoreType.DMA,
        ],
    )
    def sc_kernel(head_h, rel_h, tail_h, ent_h, remb_h, out_h,
                  idx_hh, idx_rr, idx_tt, hb, rb, tb, outb, rtab,
                  sh0, sh1, sr0, sr1, st0, st1):
        sid = lax.axis_index("s")
        wid = sid * NC + lax.axis_index("c")
        cpi_h = pltpu.async_copy(head_h.at[wid], idx_hh, sh0)
        cpi_r = pltpu.async_copy(rel_h.at[wid], idx_rr, sr0)
        cpi_t = pltpu.async_copy(tail_h.at[wid], idx_tt, st0)
        @pl.when(sid == 0)
        def _():
            pltpu.sync_copy(remb_h, rtab)
        cpi_h.wait()
        cpi_r.wait()
        cpi_t.wait()
        plsc.subcore_barrier()

        sems = ((sh0, sr0, st0), (sh1, sr1, st1))
        lane = lax.iota(jnp.int32, L)

        def issue(c):
            slot = c % 2
            sh, sr, st = sems[slot]
            return (
                pltpu.async_copy(ent_h.at[idx_hh.at[c]], hb.at[slot], sh),
                pltpu.async_copy(rtab.at[idx_rr.at[c]], rb.at[slot], sr),
                pltpu.async_copy(ent_h.at[idx_tt.at[c]], tb.at[slot], st),
            )

        inflight = [None, None]
        inflight[0] = issue(0)
        for c in range(NCH):
            if c + 1 < NCH:
                inflight[(c + 1) % 2] = issue(c + 1)
            slot = c % 2
            for cp in inflight[slot]:
                cp.wait()

            def row_body(row, tot, slot=slot):
                acc0 = jnp.zeros((L,), jnp.float32)
                acc1 = jnp.zeros((L,), jnp.float32)
                for k in range(KD):
                    h = hb[slot, row, pl.ds(k * L, L)]
                    r = rb[slot, row, pl.ds(k * L, L)]
                    t = tb[slot, row, pl.ds(k * L, L)]
                    d = h + r - t
                    if k % 2 == 0:
                        acc0 = acc0 + d * d
                    else:
                        acc1 = acc1 + d * d
                s = jnp.sum(acc0 + acc1)
                return jnp.where(lane == lax.rem(row, L), s, tot)

            def group(g, _, c=c, slot=slot):
                tot = lax.fori_loop(
                    g * L, (g + 1) * L, row_body, jnp.zeros((L,), jnp.float32))
                outb[pl.ds(c * CH + g * L, L)] = _fast_sqrt(tot)
                return 0

            lax.fori_loop(0, CH // L, group, 0)

        pltpu.sync_copy(outb, out_h.at[pl.ds(wid * BPW, BPW)])

    return sc_kernel


def kernel(head, relation, tail, entity_emb, relation_emb):
    B = head.shape[0]
    D = entity_emb.shape[1]
    BPW = B // NW
    CH = 128
    NCH = BPW // CH
    sc_kernel = _build_sc_kernel(B, D, relation_emb.shape[0])
    return sc_kernel(
        head.reshape(NW, NCH, CH),
        relation.reshape(NW, NCH, CH),
        tail.reshape(NW, NCH, CH),
        entity_emb,
        relation_emb,
    )

# --- scband reference (transcript-rebuilt; emitter-appended) ---
"""Pipeline reference for scband-trans-emodel-66795331387608 (READ-ONLY COPY).

The authoritative reference and input builder live on the scoring server;
editing this copy changes nothing except your own understanding.
"""

import jax, jax.numpy as jnp
import numpy as np

NUM_ENTITIES = 1000000
NUM_RELATIONS = 1000
EMBED_DIM = 128
BATCH = 16384

def setup_inputs(seed: int = 0) -> dict:
    key = jax.random.key(seed)
    k1, k2, k3, k4, k5 = jax.random.split(key, 5)
    head = jax.random.randint(k1, (BATCH,), 0, NUM_ENTITIES, dtype=jnp.int64 if jax.config.jax_enable_x64 else jnp.int32)
    relation = jax.random.randint(k2, (BATCH,), 0, NUM_RELATIONS, dtype=jnp.int64 if jax.config.jax_enable_x64 else jnp.int32)
    tail = jax.random.randint(k3, (BATCH,), 0, NUM_ENTITIES, dtype=jnp.int64 if jax.config.jax_enable_x64 else jnp.int32)
    # Xavier uniform init: bound = sqrt(6 / (fan_in + fan_out))
    bound_e = float(np.sqrt(6.0 / (NUM_ENTITIES + EMBED_DIM)))
    bound_r = float(np.sqrt(6.0 / (NUM_RELATIONS + EMBED_DIM)))
    entity_emb = jax.random.uniform(k4, (NUM_ENTITIES, EMBED_DIM), dtype=jnp.float32, minval=-bound_e, maxval=bound_e)
    relation_emb = jax.random.uniform(k5, (NUM_RELATIONS, EMBED_DIM), dtype=jnp.float32, minval=-bound_r, maxval=bound_r)
    return {"head": head, "relation": relation, "tail": tail, "entity_emb": entity_emb, "relation_emb": relation_emb}

def reference(head, relation, tail, entity_emb, relation_emb):
    h = jnp.take(entity_emb, head, axis=0)
    r = jnp.take(relation_emb, relation, axis=0)
    t = jnp.take(entity_emb, tail, axis=0)
    diff = h + r - t
    score = jnp.sqrt(jnp.sum(diff * diff, axis=1))
    return score

if __name__ == "__main__":
    import jax
    _d = setup_inputs()
    print(jax.jit(kernel)(*tuple(_d.values())))

</pallas_src>

<mosaic_0001>
#map = affine_map<(d0, d1) -> (0, 0, 0)>
#map1 = affine_map<(d0, d1) -> (0, 0)>
#map2 = affine_map<(d0, d1) -> (0)>
module attributes {stable_mosaic.version = 14 : i64} {
  func.func @sc_kernel(%arg0: i32, %arg1: i32, %arg2: memref<32x4x128xi32, #tpu.memory_space<hbm>>, %arg3: memref<32x4x128xi32, #tpu.memory_space<hbm>>, %arg4: memref<32x4x128xi32, #tpu.memory_space<hbm>>, %arg5: memref<1000000x128xf32, #tpu.memory_space<hbm>>, %arg6: memref<1000x128xf32, #tpu.memory_space<hbm>>, %arg7: memref<16384xf32, #tpu.memory_space<hbm>>, %arg8: memref<4x128xi32, #tpu.memory_space<vmem>>, %arg9: memref<4x128xi32, #tpu.memory_space<vmem>>, %arg10: memref<4x128xi32, #tpu.memory_space<vmem>>, %arg11: memref<2x128x128xf32, #tpu.memory_space<vmem>>, %arg12: memref<2x128x128xf32, #tpu.memory_space<vmem>>, %arg13: memref<2x128x128xf32, #tpu.memory_space<vmem>>, %arg14: memref<512xf32, #tpu.memory_space<vmem>>, %arg15: memref<1000x128xf32, #tpu.memory_space<vmem_shared>>, %arg16: memref<!tpu.dma_semaphore, #tpu.memory_space<semaphore_mem>>, %arg17: memref<!tpu.dma_semaphore, #tpu.memory_space<semaphore_mem>>, %arg18: memref<!tpu.dma_semaphore, #tpu.memory_space<semaphore_mem>>, %arg19: memref<!tpu.dma_semaphore, #tpu.memory_space<semaphore_mem>>, %arg20: memref<!tpu.dma_semaphore, #tpu.memory_space<semaphore_mem>>, %arg21: memref<!tpu.dma_semaphore, #tpu.memory_space<semaphore_mem>>) attributes {dimension_semantics = [#tpu.dimension_semantics<core_parallel>, #tpu.dimension_semantics<subcore_parallel>], iteration_bounds = array<i64: 2, 16>, scalar_prefetch = 0 : i64, scratch_operands = 14 : i64, tpu.core_type = #tpu.core_type<sc_vector_subcore>, window_params = [{transform_indices = #map}, {transform_indices = #map}, {transform_indices = #map}, {transform_indices = #map1}, {transform_indices = #map1}, {transform_indices = #map2}]} {
    %mul3A = arith.constant 2 : i32
    %mul3A_0 = arith.muli %arg1, %mul3A : i32
    %add3A = arith.addi %mul3A_0, %arg0 : i32
    %dma_start3A = arith.constant 0 : i32
    %dma_start3A_1 = arith.constant 0 : i32
    %dma_start3A_2 = tpu.memref_slice %arg2[%add3A, %dma_start3A, %dma_start3A_1] : memref<32x4x128xi32, #tpu.memory_space<hbm>> -> memref<1x4x128xi32, #tpu.memory_space<hbm>>
    %dma_start3A_3 = tpu.memref_squeeze %dma_start3A_2 : memref<1x4x128xi32, #tpu.memory_space<hbm>> -> memref<4x128xi32, #tpu.memory_space<hbm>>
    %dma_start3A_4 = arith.constant 0 : i32
    %dma_start3A_5 = arith.constant 0 : i32
    %dma_start3A_6 = tpu.memref_slice %arg2[%add3A, %dma_start3A_4, %dma_start3A_5] : memref<32x4x128xi32, #tpu.memory_space<hbm>> -> memref<1x4x128xi32, #tpu.memory_space<hbm>>
    %dma_start3A_7 = tpu.memref_squeeze %dma_start3A_6 : memref<1x4x128xi32, #tpu.memory_space<hbm>> -> memref<4x128xi32, #tpu.memory_space<hbm>>
    tpu.enqueue_dma source(%dma_start3A_7 : memref<4x128xi32, #tpu.memory_space<hbm>>) target(%arg8 : memref<4x128xi32, #tpu.memory_space<vmem>>) target_semaphore(%arg16 : memref<!tpu.dma_semaphore, #tpu.memory_space<semaphore_mem>>)
    %dma_start3A_8 = arith.constant 0 : i32
    %dma_start3A_9 = arith.constant 0 : i32
    %dma_start3A_10 = tpu.memref_slice %arg3[%add3A, %dma_start3A_8, %dma_start3A_9] : memref<32x4x128xi32, #tpu.memory_space<hbm>> -> memref<1x4x128xi32, #tpu.memory_space<hbm>>
    %dma_start3A_11 = tpu.memref_squeeze %dma_start3A_10 : memref<1x4x128xi32, #tpu.memory_space<hbm>> -> memref<4x128xi32, #tpu.memory_space<hbm>>
    %dma_start3A_12 = arith.constant 0 : i32
    %dma_start3A_13 = arith.constant 0 : i32
    %dma_start3A_14 = tpu.memref_slice %arg3[%add3A, %dma_start3A_12, %dma_start3A_13] : memref<32x4x128xi32, #tpu.memory_space<hbm>> -> memref<1x4x128xi32, #tpu.memory_space<hbm>>
    %dma_start3A_15 = tpu.memref_squeeze %dma_start3A_14 : memref<1x4x128xi32, #tpu.memory_space<hbm>> -> memref<4x128xi32, #tpu.memory_space<hbm>>
    tpu.enqueue_dma source(%dma_start3A_15 : memref<4x128xi32, #tpu.memory_space<hbm>>) target(%arg9 : memref<4x128xi32, #tpu.memory_space<vmem>>) target_semaphore(%arg18 : memref<!tpu.dma_semaphore, #tpu.memory_space<semaphore_mem>>)
    %dma_start3A_16 = arith.constant 0 : i32
    %dma_start3A_17 = arith.constant 0 : i32
    %dma_start3A_18 = tpu.memref_slice %arg4[%add3A, %dma_start3A_16, %dma_start3A_17] : memref<32x4x128xi32, #tpu.memory_space<hbm>> -> memref<1x4x128xi32, #tpu.memory_space<hbm>>
    %dma_start3A_19 = tpu.memref_squeeze %dma_start3A_18 : memref<1x4x128xi32, #tpu.memory_space<hbm>> -> memref<4x128xi32, #tpu.memory_space<hbm>>
    %dma_start3A_20 = arith.constant 0 : i32
    %dma_start3A_21 = arith.constant 0 : i32
    %dma_start3A_22 = tpu.memref_slice %arg4[%add3A, %dma_start3A_20, %dma_start3A_21] : memref<32x4x128xi32, #tpu.memory_space<hbm>> -> memref<1x4x128xi32, #tpu.memory_space<hbm>>
    %dma_start3A_23 = tpu.memref_squeeze %dma_start3A_22 : memref<1x4x128xi32, #tpu.memory_space<hbm>> -> memref<4x128xi32, #tpu.memory_space<hbm>>
    tpu.enqueue_dma source(%dma_start3A_23 : memref<4x128xi32, #tpu.memory_space<hbm>>) target(%arg10 : memref<4x128xi32, #tpu.memory_space<vmem>>) target_semaphore(%arg20 : memref<!tpu.dma_semaphore, #tpu.memory_space<semaphore_mem>>)
    %eq3A = arith.constant 0 : i32
    %eq3A_24 = arith.cmpi eq, %arg1, %eq3A : i32
    %convert_element_type3A = arith.extui %eq3A_24 : i1 to i32
    %cond3A = arith.constant 0 : i32
    %cond3A_25 = arith.cmpi ne, %convert_element_type3A, %cond3A : i32
    scf.if %cond3A_25 {
      "tpu.region"() ({
        %run_scoped3A = tpu.sem_alloc : memref<!tpu.dma_semaphore, #tpu.memory_space<semaphore_mem>>
        tpu.enqueue_dma source(%arg6 : memref<1000x128xf32, #tpu.memory_space<hbm>>) target(%arg15 : memref<1000x128xf32, #tpu.memory_space<vmem_shared>>) target_semaphore(%run_scoped3A : memref<!tpu.dma_semaphore, #tpu.memory_space<semaphore_mem>>)
        tpu.wait_dma2 semaphore(%run_scoped3A : memref<!tpu.dma_semaphore, #tpu.memory_space<semaphore_mem>>) src(%arg6 : memref<1000x128xf32, #tpu.memory_space<hbm>>) dst(%arg15 : memref<1000x128xf32, #tpu.memory_space<vmem_shared>>)
        tpu.yield
      }) : () -> ()
    } else {
    }
    %dma_wait3A = arith.constant 0 : i32
    %dma_wait3A_26 = arith.constant 0 : i32
    %dma_wait3A_27 = tpu.memref_slice %arg2[%add3A, %dma_wait3A, %dma_wait3A_26] : memref<32x4x128xi32, #tpu.memory_space<hbm>> -> memref<1x4x128xi32, #tpu.memory_space<hbm>>
    %dma_wait3A_28 = tpu.memref_squeeze %dma_wait3A_27 : memref<1x4x128xi32, #tpu.memory_space<hbm>> -> memref<4x128xi32, #tpu.memory_space<hbm>>
    %dma_wait3A_29 = arith.constant 0 : i32
    %dma_wait3A_30 = arith.constant 0 : i32
    %dma_wait3A_31 = tpu.memref_slice %arg2[%add3A, %dma_wait3A_29, %dma_wait3A_30] : memref<32x4x128xi32, #tpu.memory_space<hbm>> -> memref<1x4x128xi32, #tpu.memory_space<hbm>>
    %dma_wait3A_32 = tpu.memref_squeeze %dma_wait3A_31 : memref<1x4x128xi32, #tpu.memory_space<hbm>> -> memref<4x128xi32, #tpu.memory_space<hbm>>
    tpu.wait_dma2 semaphore(%arg16 : memref<!tpu.dma_semaphore, #tpu.memory_space<semaphore_mem>>) src(%dma_wait3A_32 : memref<4x128xi32, #tpu.memory_space<hbm>>) dst(%arg8 : memref<4x128xi32, #tpu.memory_space<vmem>>)
    %dma_wait3A_33 = arith.constant 0 : i32
    %dma_wait3A_34 = arith.constant 0 : i32
    %dma_wait3A_35 = tpu.memref_slice %arg3[%add3A, %dma_wait3A_33, %dma_wait3A_34] : memref<32x4x128xi32, #tpu.memory_space<hbm>> -> memref<1x4x128xi32, #tpu.memory_space<hbm>>
    %dma_wait3A_36 = tpu.memref_squeeze %dma_wait3A_35 : memref<1x4x128xi32, #tpu.memory_space<hbm>> -> memref<4x128xi32, #tpu.memory_space<hbm>>
    %dma_wait3A_37 = arith.constant 0 : i32
    %dma_wait3A_38 = arith.constant 0 : i32
    %dma_wait3A_39 = tpu.memref_slice %arg3[%add3A, %dma_wait3A_37, %dma_wait3A_38] : memref<32x4x128xi32, #tpu.memory_space<hbm>> -> memref<1x4x128xi32, #tpu.memory_space<hbm>>
    %dma_wait3A_40 = tpu.memref_squeeze %dma_wait3A_39 : memref<1x4x128xi32, #tpu.memory_space<hbm>> -> memref<4x128xi32, #tpu.memory_space<hbm>>
    tpu.wait_dma2 semaphore(%arg18 : memref<!tpu.dma_semaphore, #tpu.memory_space<semaphore_mem>>) src(%dma_wait3A_40 : memref<4x128xi32, #tpu.memory_space<hbm>>) dst(%arg9 : memref<4x128xi32, #tpu.memory_space<vmem>>)
    %dma_wait3A_41 = arith.constant 0 : i32
    %dma_wait3A_42 = arith.constant 0 : i32
    %dma_wait3A_43 = tpu.memref_slice %arg4[%add3A, %dma_wait3A_41, %dma_wait3A_42] : memref<32x4x128xi32, #tpu.memory_space<hbm>> -> memref<1x4x128xi32, #tpu.memory_space<hbm>>
    %dma_wait3A_44 = tpu.memref_squeeze %dma_wait3A_43 : memref<1x4x128xi32, #tpu.memory_space<hbm>> -> memref<4x128xi32, #tpu.memory_space<hbm>>
    %dma_wait3A_45 = arith.constant 0 : i32
    %dma_wait3A_46 = arith.constant 0 : i32
    %dma_wait3A_47 = tpu.memref_slice %arg4[%add3A, %dma_wait3A_45, %dma_wait3A_46] : memref<32x4x128xi32, #tpu.memory_space<hbm>> -> memref<1x4x128xi32, #tpu.memory_space<hbm>>
    %dma_wait3A_48 = tpu.memref_squeeze %dma_wait3A_47 : memref<1x4x128xi32, #tpu.memory_space<hbm>> -> memref<4x128xi32, #tpu.memory_space<hbm>>
    tpu.wait_dma2 semaphore(%arg20 : memref<!tpu.dma_semaphore, #tpu.memory_space<semaphore_mem>>) src(%dma_wait3A_48 : memref<4x128xi32, #tpu.memory_space<hbm>>) dst(%arg10 : memref<4x128xi32, #tpu.memory_space<vmem>>)
    %barrier3A = arith.constant 0 : index
    tpu.barrier barrier_id(%barrier3A)
    %iota3A = tpu.iota {dimensions = array<i32: 0>} : vector<16xi32>
    %dma_start3A_49 = arith.constant 0 : i32
    %dma_start3A_50 = arith.constant 0 : i32
    %dma_start3A_51 = arith.constant 0 : i32
    %dma_start3A_52 = arith.constant 0 : i32
    %dma_start3A_53 = tpu.memref_slice %arg11[%dma_start3A_50, %dma_start3A_51, %dma_start3A_52] : memref<2x128x128xf32, #tpu.memory_space<vmem>> -> memref<1x128x128xf32, #tpu.memory_space<vmem>>
    %dma_start3A_54 = tpu.memref_squeeze %dma_start3A_53 : memref<1x128x128xf32, #tpu.memory_space<vmem>> -> memref<128x128xf32, #tpu.memory_space<vmem>>
    %dma_start3A_55 = arith.constant 0 : i32
    %dma_start3A_56 = tpu.memref_slice %arg8[%dma_start3A_49, %dma_start3A_55] : memref<4x128xi32, #tpu.memory_space<vmem>> -> memref<1x128xi32, #tpu.memory_space<vmem>>
    %dma_start3A_57 = tpu.memref_squeeze %dma_start3A_56 : memref<1x128xi32, #tpu.memory_space<vmem>> -> memref<128xi32, #tpu.memory_space<vmem>>
    %dma_start3A_58 = arith.constant 0 : i32
    %dma_start3A_59 = arith.constant 0 : i32
    %dma_start3A_60 = tpu.memref_slice %arg5[%dma_start3A_58, %dma_start3A_59] : memref<1000000x128xf32, #tpu.memory_space<hbm>> -> memref<1000000x128xf32, #tpu.memory_space<hbm>>
    tpu.enqueue_indirect_dma source(%dma_start3A_60 : memref<1000000x128xf32, #tpu.memory_space<hbm>>) target(%dma_start3A_54 : memref<128x128xf32, #tpu.memory_space<vmem>>) offsets(%dma_start3A_57 : memref<128xi32, #tpu.memory_space<vmem>>) semaphore(%arg16 : memref<!tpu.dma_semaphore, #tpu.memory_space<semaphore_mem>>)
    %dma_start3A_61 = arith.constant 0 : i32
    %dma_start3A_62 = arith.constant 0 : i32
    %dma_start3A_63 = arith.constant 0 : i32
    %dma_start3A_64 = arith.constant 0 : i32
    %dma_start3A_65 = tpu.memref_slice %arg12[%dma_start3A_62, %dma_start3A_63, %dma_start3A_64] : memref<2x128x128xf32, #tpu.memory_space<vmem>> -> memref<1x128x128xf32, #tpu.memory_space<vmem>>
    %dma_start3A_66 = tpu.memref_squeeze %dma_start3A_65 : memref<1x128x128xf32, #tpu.memory_space<vmem>> -> memref<128x128xf32, #tpu.memory_space<vmem>>
    %dma_start3A_67 = arith.constant 0 : i32
    %dma_start3A_68 = tpu.memref_slice %arg9[%dma_start3A_61, %dma_start3A_67] : memref<4x128xi32, #tpu.memory_space<vmem>> -> memref<1x128xi32, #tpu.memory_space<vmem>>
    %dma_start3A_69 = tpu.memref_squeeze %dma_start3A_68 : memref<1x128xi32, #tpu.memory_space<vmem>> -> memref<128xi32, #tpu.memory_space<vmem>>
    %dma_start3A_70 = arith.constant 0 : i32
    %dma_start3A_71 = arith.constant 0 : i32
    %dma_start3A_72 = tpu.memref_slice %arg15[%dma_start3A_70, %dma_start3A_71] : memref<1000x128xf32, #tpu.memory_space<vmem_shared>> -> memref<1000x128xf32, #tpu.memory_space<vmem_shared>>
    tpu.enqueue_indirect_dma source(%dma_start3A_72 : memref<1000x128xf32, #tpu.memory_space<vmem_shared>>) target(%dma_start3A_66 : memref<128x128xf32, #tpu.memory_space<vmem>>) offsets(%dma_start3A_69 : memref<128xi32, #tpu.memory_space<vmem>>) semaphore(%arg18 : memref<!tpu.dma_semaphore, #tpu.memory_space<semaphore_mem>>)
    %dma_start3A_73 = arith.constant 0 : i32
    %dma_start3A_74 = arith.constant 0 : i32
    %dma_start3A_75 = arith.constant 0 : i32
    %dma_start3A_76 = arith.constant 0 : i32
    %dma_start3A_77 = tpu.memref_slice %arg13[%dma_start3A_74, %dma_start3A_75, %dma_start3A_76] : memref<2x128x128xf32, #tpu.memory_space<vmem>> -> memref<1x128x128xf32, #tpu.memory_space<vmem>>
    %dma_start3A_78 = tpu.memref_squeeze %dma_start3A_77 : memref<1x128x128xf32, #tpu.memory_space<vmem>> -> memref<128x128xf32, #tpu.memory_space<vmem>>
    %dma_start3A_79 = arith.constant 0 : i32
    %dma_start3A_80 = tpu.memref_slice %arg10[%dma_start3A_73, %dma_start3A_79] : memref<4x128xi32, #tpu.memory_space<vmem>> -> memref<1x128xi32, #tpu.memory_space<vmem>>
    %dma_start3A_81 = tpu.memref_squeeze %dma_start3A_80 : memref<1x128xi32, #tpu.memory_space<vmem>> -> memref<128xi32, #tpu.memory_space<vmem>>
    %dma_start3A_82 = arith.constant 0 : i32
    %dma_start3A_83 = arith.constant 0 : i32
    %dma_start3A_84 = tpu.memref_slice %arg5[%dma_start3A_82, %dma_start3A_83] : memref<1000000x128xf32, #tpu.memory_space<hbm>> -> memref<1000000x128xf32, #tpu.memory_space<hbm>>
    tpu.enqueue_indirect_dma source(%dma_start3A_84 : memref<1000000x128xf32, #tpu.memory_space<hbm>>) target(%dma_start3A_78 : memref<128x128xf32, #tpu.memory_space<vmem>>) offsets(%dma_start3A_81 : memref<128xi32, #tpu.memory_space<vmem>>) semaphore(%arg20 : memref<!tpu.dma_semaphore, #tpu.memory_space<semaphore_mem>>)
    %dma_start3A_85 = arith.constant 1 : i32
    %dma_start3A_86 = arith.constant 1 : i32
    %dma_start3A_87 = arith.constant 0 : i32
    %dma_start3A_88 = arith.constant 0 : i32
    %dma_start3A_89 = tpu.memref_slice %arg11[%dma_start3A_86, %dma_start3A_87, %dma_start3A_88] : memref<2x128x128xf32, #tpu.memory_space<vmem>> -> memref<1x128x128xf32, #tpu.memory_space<vmem>>
    %dma_start3A_90 = tpu.memref_squeeze %dma_start3A_89 : memref<1x128x128xf32, #tpu.memory_space<vmem>> -> memref<128x128xf32, #tpu.memory_space<vmem>>
    %dma_start3A_91 = arith.constant 0 : i32
    %dma_start3A_92 = tpu.memref_slice %arg8[%dma_start3A_85, %dma_start3A_91] : memref<4x128xi32, #tpu.memory_space<vmem>> -> memref<1x128xi32, #tpu.memory_space<vmem>>
    %dma_start3A_93 = tpu.memref_squeeze %dma_start3A_92 : memref<1x128xi32, #tpu.memory_space<vmem>> -> memref<128xi32, #tpu.memory_space<vmem>>
    %dma_start3A_94 = arith.constant 0 : i32
    %dma_start3A_95 = arith.constant 0 : i32
    %dma_start3A_96 = tpu.memref_slice %arg5[%dma_start3A_94, %dma_start3A_95] : memref<1000000x128xf32, #tpu.memory_space<hbm>> -> memref<1000000x128xf32, #tpu.memory_space<hbm>>
    tpu.enqueue_indirect_dma source(%dma_start3A_96 : memref<1000000x128xf32, #tpu.memory_space<hbm>>) target(%dma_start3A_90 : memref<128x128xf32, #tpu.memory_space<vmem>>) offsets(%dma_start3A_93 : memref<128xi32, #tpu.memory_space<vmem>>) semaphore(%arg17 : memref<!tpu.dma_semaphore, #tpu.memory_space<semaphore_mem>>)
    %dma_start3A_97 = arith.constant 1 : i32
    %dma_start3A_98 = arith.constant 1 : i32
    %dma_start3A_99 = arith.constant 0 : i32
    %dma_start3A_100 = arith.constant 0 : i32
    %dma_start3A_101 = tpu.memref_slice %arg12[%dma_start3A_98, %dma_start3A_99, %dma_start3A_100] : memref<2x128x128xf32, #tpu.memory_space<vmem>> -> memref<1x128x128xf32, #tpu.memory_space<vmem>>
    %dma_start3A_102 = tpu.memref_squeeze %dma_start3A_101 : memref<1x128x128xf32, #tpu.memory_space<vmem>> -> memref<128x128xf32, #tpu.memory_space<vmem>>
    %dma_start3A_103 = arith.constant 0 : i32
    %dma_start3A_104 = tpu.memref_slice %arg9[%dma_start3A_97, %dma_start3A_103] : memref<4x128xi32, #tpu.memory_space<vmem>> -> memref<1x128xi32, #tpu.memory_space<vmem>>
    %dma_start3A_105 = tpu.memref_squeeze %dma_start3A_104 : memref<1x128xi32, #tpu.memory_space<vmem>> -> memref<128xi32, #tpu.memory_space<vmem>>
    %dma_start3A_106 = arith.constant 0 : i32
    %dma_start3A_107 = arith.constant 0 : i32
    %dma_start3A_108 = tpu.memref_slice %arg15[%dma_start3A_106, %dma_start3A_107] : memref<1000x128xf32, #tpu.memory_space<vmem_shared>> -> memref<1000x128xf32, #tpu.memory_space<vmem_shared>>
    tpu.enqueue_indirect_dma source(%dma_start3A_108 : memref<1000x128xf32, #tpu.memory_space<vmem_shared>>) target(%dma_start3A_102 : memref<128x128xf32, #tpu.memory_space<vmem>>) offsets(%dma_start3A_105 : memref<128xi32, #tpu.memory_space<vmem>>) semaphore(%arg19 : memref<!tpu.dma_semaphore, #tpu.memory_space<semaphore_mem>>)
    %dma_start3A_109 = arith.constant 1 : i32
    %dma_start3A_110 = arith.constant 1 : i32
    %dma_start3A_111 = arith.constant 0 : i32
    %dma_start3A_112 = arith.constant 0 : i32
    %dma_start3A_113 = tpu.memref_slice %arg13[%dma_start3A_110, %dma_start3A_111, %dma_start3A_112] : memref<2x128x128xf32, #tpu.memory_space<vmem>> -> memref<1x128x128xf32, #tpu.memory_space<vmem>>
    %dma_start3A_114 = tpu.memref_squeeze %dma_start3A_113 : memref<1x128x128xf32, #tpu.memory_space<vmem>> -> memref<128x128xf32, #tpu.memory_space<vmem>>
    %dma_start3A_115 = arith.constant 0 : i32
    %dma_start3A_116 = tpu.memref_slice %arg10[%dma_start3A_109, %dma_start3A_115] : memref<4x128xi32, #tpu.memory_space<vmem>> -> memref<1x128xi32, #tpu.memory_space<vmem>>
    %dma_start3A_117 = tpu.memref_squeeze %dma_start3A_116 : memref<1x128xi32, #tpu.memory_space<vmem>> -> memref<128xi32, #tpu.memory_space<vmem>>
    %dma_start3A_118 = arith.constant 0 : i32
    %dma_start3A_119 = arith.constant 0 : i32
    %dma_start3A_120 = tpu.memref_slice %arg5[%dma_start3A_118, %dma_start3A_119] : memref<1000000x128xf32, #tpu.memory_space<hbm>> -> memref<1000000x128xf32, #tpu.memory_space<hbm>>
    tpu.enqueue_indirect_dma source(%dma_start3A_120 : memref<1000000x128xf32, #tpu.memory_space<hbm>>) target(%dma_start3A_114 : memref<128x128xf32, #tpu.memory_space<vmem>>) offsets(%dma_start3A_117 : memref<128xi32, #tpu.memory_space<vmem>>) semaphore(%arg21 : memref<!tpu.dma_semaphore, #tpu.memory_space<semaphore_mem>>)
    %dma_wait3A_121 = arith.constant 0 : i32
    %dma_wait3A_122 = arith.constant 0 : i32
    %dma_wait3A_123 = arith.constant 0 : i32
    %dma_wait3A_124 = arith.constant 0 : i32
    %dma_wait3A_125 = tpu.memref_slice %arg11[%dma_wait3A_122, %dma_wait3A_123, %dma_wait3A_124] : memref<2x128x128xf32, #tpu.memory_space<vmem>> -> memref<1x128x128xf32, #tpu.memory_space<vmem>>
    %dma_wait3A_126 = tpu.memref_squeeze %dma_wait3A_125 : memref<1x128x128xf32, #tpu.memory_space<vmem>> -> memref<128x128xf32, #tpu.memory_space<vmem>>
    %dma_wait3A_127 = arith.constant 0 : i32
    %dma_wait3A_128 = tpu.memref_slice %arg8[%dma_wait3A_121, %dma_wait3A_127] : memref<4x128xi32, #tpu.memory_space<vmem>> -> memref<1x128xi32, #tpu.memory_space<vmem>>
    %dma_wait3A_129 = tpu.memref_squeeze %dma_wait3A_128 : memref<1x128xi32, #tpu.memory_space<vmem>> -> memref<128xi32, #tpu.memory_space<vmem>>
    %dma_wait3A_130 = arith.constant 0 : i32
    %dma_wait3A_131 = arith.constant 0 : i32
    %dma_wait3A_132 = tpu.memref_slice %arg5[%dma_wait3A_130, %dma_wait3A_131] : memref<1000000x128xf32, #tpu.memory_space<hbm>> -> memref<1000000x128xf32, #tpu.memory_space<hbm>>
    tpu.wait_indirect_dma semaphore(%arg16 : memref<!tpu.dma_semaphore, #tpu.memory_space<semaphore_mem>>) src(%dma_wait3A_132 : memref<1000000x128xf32, #tpu.memory_space<hbm>>) dst(%dma_wait3A_126 : memref<128x128xf32, #tpu.memory_space<vmem>>)
    %dma_wait3A_133 = arith.constant 0 : i32
    %dma_wait3A_134 = arith.constant 0 : i32
    %dma_wait3A_135 = arith.constant 0 : i32
    %dma_wait3A_136 = arith.constant 0 : i32
    %dma_wait3A_137 = tpu.memref_slice %arg12[%dma_wait3A_134, %dma_wait3A_135, %dma_wait3A_136] : memref<2x128x128xf32, #tpu.memory_space<vmem>> -> memref<1x128x128xf32, #tpu.memory_space<vmem>>
    %dma_wait3A_138 = tpu.memref_squeeze %dma_wait3A_137 : memref<1x128x128xf32, #tpu.memory_space<vmem>> -> memref<128x128xf32, #tpu.memory_space<vmem>>
    %dma_wait3A_139 = arith.constant 0 : i32
    %dma_wait3A_140 = tpu.memref_slice %arg9[%dma_wait3A_133, %dma_wait3A_139] : memref<4x128xi32, #tpu.memory_space<vmem>> -> memref<1x128xi32, #tpu.memory_space<vmem>>
    %dma_wait3A_141 = tpu.memref_squeeze %dma_wait3A_140 : memref<1x128xi32, #tpu.memory_space<vmem>> -> memref<128xi32, #tpu.memory_space<vmem>>
    %dma_wait3A_142 = arith.constant 0 : i32
    %dma_wait3A_143 = arith.constant 0 : i32
    %dma_wait3A_144 = tpu.memref_slice %arg15[%dma_wait3A_142, %dma_wait3A_143] : memref<1000x128xf32, #tpu.memory_space<vmem_shared>> -> memref<1000x128xf32, #tpu.memory_space<vmem_shared>>
    tpu.wait_indirect_dma semaphore(%arg18 : memref<!tpu.dma_semaphore, #tpu.memory_space<semaphore_mem>>) src(%dma_wait3A_144 : memref<1000x128xf32, #tpu.memory_space<vmem_shared>>) dst(%dma_wait3A_138 : memref<128x128xf32, #tpu.memory_space<vmem>>)
    %dma_wait3A_145 = arith.constant 0 : i32
    %dma_wait3A_146 = arith.constant 0 : i32
    %dma_wait3A_147 = arith.constant 0 : i32
    %dma_wait3A_148 = arith.constant 0 : i32
    %dma_wait3A_149 = tpu.memref_slice %arg13[%dma_wait3A_146, %dma_wait3A_147, %dma_wait3A_148] : memref<2x128x128xf32, #tpu.memory_space<vmem>> -> memref<1x128x128xf32, #tpu.memory_space<vmem>>
    %dma_wait3A_150 = tpu.memref_squeeze %dma_wait3A_149 : memref<1x128x128xf32, #tpu.memory_space<vmem>> -> memref<128x128xf32, #tpu.memory_space<vmem>>
    %dma_wait3A_151 = arith.constant 0 : i32
    %dma_wait3A_152 = tpu.memref_slice %arg10[%dma_wait3A_145, %dma_wait3A_151] : memref<4x128xi32, #tpu.memory_space<vmem>> -> memref<1x128xi32, #tpu.memory_space<vmem>>
    %dma_wait3A_153 = tpu.memref_squeeze %dma_wait3A_152 : memref<1x128xi32, #tpu.memory_space<vmem>> -> memref<128xi32, #tpu.memory_space<vmem>>
    %dma_wait3A_154 = arith.constant 0 : i32
    %dma_wait3A_155 = arith.constant 0 : i32
    %dma_wait3A_156 = tpu.memref_slice %arg5[%dma_wait3A_154, %dma_wait3A_155] : memref<1000000x128xf32, #tpu.memory_space<hbm>> -> memref<1000000x128xf32, #tpu.memory_space<hbm>>
    tpu.wait_indirect_dma semaphore(%arg20 : memref<!tpu.dma_semaphore, #tpu.memory_space<semaphore_mem>>) src(%dma_wait3A_156 : memref<1000000x128xf32, #tpu.memory_space<hbm>>) dst(%dma_wait3A_150 : memref<128x128xf32, #tpu.memory_space<vmem>>)
    %scan3A = arith.constant 0 : i32
    %scan3A_157 = arith.constant 0 : i32
    %scan3A_158 = arith.constant 8 : i32
    %scan3A_159 = arith.addi %scan3A_157, %scan3A_158 : i32
    %scan3A_160 = arith.constant 1 : i32
    %scan3A_161 = scf.for %scan3A_366 = %scan3A_157 to %scan3A_159 step %scan3A_160 iter_args(%scan3A_367 = %scan3A) -> (i32)  : i32 {
      %mul3A_368 = arith.constant 16 : i32
      %mul3A_369 = arith.muli %scan3A_366, %mul3A_368 : i32
      %add3A_370 = arith.constant 1 : i32
      %add3A_371 = arith.addi %scan3A_366, %add3A_370 : i32
      %mul3A_372 = arith.constant 16 : i32
      %mul3A_373 = arith.muli %add3A_371, %mul3A_372 : i32
      %broadcast_in_dim3A = arith.constant 0.000000e+00 : f32
      %broadcast_in_dim3A_374 = vector.broadcast %broadcast_in_dim3A : f32 to vector<16xf32>
      %while3A = arith.subi %mul3A_373, %mul3A_369 : i32
      %while3A_375 = arith.addi %mul3A_369, %while3A : i32
      %while3A_376 = arith.constant 1 : i32
      %while3A_377 = arith.divsi %while3A, %while3A_376 : i32
      %while3A_378 = arith.muli %while3A_377, %while3A_376 : i32
      %while3A_379 = arith.addi %mul3A_369, %while3A_378 : i32
      %while3A_380 = arith.constant 1 : i32
      %while3A_381 = scf.for %while3A_416 = %mul3A_369 to %while3A_379 step %while3A_380 iter_args(%while3A_417 = %broadcast_in_dim3A_374) -> (vector<16xf32>)  : i32 {
        %broadcast_in_dim3A_418 = arith.constant 0.000000e+00 : f32
        %broadcast_in_dim3A_419 = vector.broadcast %broadcast_in_dim3A_418 : f32 to vector<16xf32>
        %broadcast_in_dim3A_420 = arith.constant 0.000000e+00 : f32
        %broadcast_in_dim3A_421 = vector.broadcast %broadcast_in_dim3A_420 : f32 to vector<16xf32>
        %get3A = arith.constant 0 : i32
        %get3A_422 = arith.index_cast %get3A : i32 to index
        %get3A_423 = arith.index_cast %while3A_416 : i32 to index
        %get3A_424 = arith.constant 0 : index
        %get3A_425 = tpu.vector_load %arg11[%get3A_422, %get3A_423, %get3A_424] {strides = array<i32>} : memref<2x128x128xf32, #tpu.memory_space<vmem>>, vector<16xf32>,
        %get3A_426 = arith.constant 0 : i32
        %get3A_427 = arith.index_cast %get3A_426 : i32 to index
        %get3A_428 = arith.index_cast %while3A_416 : i32 to index
        %get3A_429 = arith.constant 0 : index
        %get3A_430 = tpu.vector_load %arg12[%get3A_427, %get3A_428, %get3A_429] {strides = array<i32>} : memref<2x128x128xf32, #tpu.memory_space<vmem>>, vector<16xf32>,
        %get3A_431 = arith.constant 0 : i32
        %get3A_432 = arith.index_cast %get3A_431 : i32 to index
        %get3A_433 = arith.index_cast %while3A_416 : i32 to index
        %get3A_434 = arith.constant 0 : index
        %get3A_435 = tpu.vector_load %arg13[%get3A_432, %get3A_433, %get3A_434] {strides = array<i32>} : memref<2x128x128xf32, #tpu.memory_space<vmem>>, vector<16xf32>,
        %add3A_436 = arith.addf %get3A_425, %get3A_430 : vector<16xf32>
        %sub3A_437 = arith.subf %add3A_436, %get3A_435 : vector<16xf32>
        %mul3A_438 = arith.mulf %sub3A_437, %sub3A_437 : vector<16xf32>
        %add3A_439 = arith.addf %broadcast_in_dim3A_419, %mul3A_438 : vector<16xf32>
        %get3A_440 = arith.constant 0 : i32
        %get3A_441 = arith.index_cast %get3A_440 : i32 to index
        %get3A_442 = arith.index_cast %while3A_416 : i32 to index
        %get3A_443 = arith.constant 16 : index
        %get3A_444 = tpu.vector_load %arg11[%get3A_441, %get3A_442, %get3A_443] {strides = array<i32>} : memref<2x128x128xf32, #tpu.memory_space<vmem>>, vector<16xf32>,
        %get3A_445 = arith.constant 0 : i32
        %get3A_446 = arith.index_cast %get3A_445 : i32 to index
        %get3A_447 = arith.index_cast %while3A_416 : i32 to index
        %get3A_448 = arith.constant 16 : index
        %get3A_449 = tpu.vector_load %arg12[%get3A_446, %get3A_447, %get3A_448] {strides = array<i32>} : memref<2x128x128xf32, #tpu.memory_space<vmem>>, vector<16xf32>,
        %get3A_450 = arith.constant 0 : i32
        %get3A_451 = arith.index_cast %get3A_450 : i32 to index
        %get3A_452 = arith.index_cast %while3A_416 : i32 to index
        %get3A_453 = arith.constant 16 : index
        %get3A_454 = tpu.vector_load %arg13[%get3A_451, %get3A_452, %get3A_453] {strides = array<i32>} : memref<2x128x128xf32, #tpu.memory_space<vmem>>, vector<16xf32>,
        %add3A_455 = arith.addf %get3A_444, %get3A_449 : vector<16xf32>
        %sub3A_456 = arith.subf %add3A_455, %get3A_454 : vector<16xf32>
        %mul3A_457 = arith.mulf %sub3A_456, %sub3A_456 : vector<16xf32>
        %add3A_458 = arith.addf %broadcast_in_dim3A_421, %mul3A_457 : vector<16xf32>
        %get3A_459 = arith.constant 0 : i32
        %get3A_460 = arith.index_cast %get3A_459 : i32 to index
        %get3A_461 = arith.index_cast %while3A_416 : i32 to index
        %get3A_462 = arith.constant 32 : index
        %get3A_463 = tpu.vector_load %arg11[%get3A_460, %get3A_461, %get3A_462] {strides = array<i32>} : memref<2x128x128xf32, #tpu.memory_space<vmem>>, vector<16xf32>,
        %get3A_464 = arith.constant 0 : i32
        %get3A_465 = arith.index_cast %get3A_464 : i32 to index
        %get3A_466 = arith.index_cast %while3A_416 : i32 to index
        %get3A_467 = arith.constant 32 : index
        %get3A_468 = tpu.vector_load %arg12[%get3A_465, %get3A_466, %get3A_467] {strides = array<i32>} : memref<2x128x128xf32, #tpu.memory_space<vmem>>, vector<16xf32>,
        %get3A_469 = arith.constant 0 : i32
        %get3A_470 = arith.index_cast %get3A_469 : i32 to index
        %get3A_471 = arith.index_cast %while3A_416 : i32 to index
        %get3A_472 = arith.constant 32 : index
        %get3A_473 = tpu.vector_load %arg13[%get3A_470, %get3A_471, %get3A_472] {strides = array<i32>} : memref<2x128x128xf32, #tpu.memory_space<vmem>>, vector<16xf32>,
        %add3A_474 = arith.addf %get3A_463, %get3A_468 : vector<16xf32>
        %sub3A_475 = arith.subf %add3A_474, %get3A_473 : vector<16xf32>
        %mul3A_476 = arith.mulf %sub3A_475, %sub3A_475 : vector<16xf32>
        %add3A_477 = arith.addf %add3A_439, %mul3A_476 : vector<16xf32>
        %get3A_478 = arith.constant 0 : i32
        %get3A_479 = arith.index_cast %get3A_478 : i32 to index
        %get3A_480 = arith.index_cast %while3A_416 : i32 to index
        %get3A_481 = arith.constant 48 : index
        %get3A_482 = tpu.vector_load %arg11[%get3A_479, %get3A_480, %get3A_481] {strides = array<i32>} : memref<2x128x128xf32, #tpu.memory_space<vmem>>, vector<16xf32>,
        %get3A_483 = arith.constant 0 : i32
        %get3A_484 = arith.index_cast %get3A_483 : i32 to index
        %get3A_485 = arith.index_cast %while3A_416 : i32 to index
        %get3A_486 = arith.constant 48 : index
        %get3A_487 = tpu.vector_load %arg12[%get3A_484, %get3A_485, %get3A_486] {strides = array<i32>} : memref<2x128x128xf32, #tpu.memory_space<vmem>>, vector<16xf32>,
        %get3A_488 = arith.constant 0 : i32
        %get3A_489 = arith.index_cast %get3A_488 : i32 to index
        %get3A_490 = arith.index_cast %while3A_416 : i32 to index
        %get3A_491 = arith.constant 48 : index
        %get3A_492 = tpu.vector_load %arg13[%get3A_489, %get3A_490, %get3A_491] {strides = array<i32>} : memref<2x128x128xf32, #tpu.memory_space<vmem>>, vector<16xf32>,
        %add3A_493 = arith.addf %get3A_482, %get3A_487 : vector<16xf32>
        %sub3A_494 = arith.subf %add3A_493, %get3A_492 : vector<16xf32>
        %mul3A_495 = arith.mulf %sub3A_494, %sub3A_494 : vector<16xf32>
        %add3A_496 = arith.addf %add3A_458, %mul3A_495 : vector<16xf32>
        %get3A_497 = arith.constant 0 : i32
        %get3A_498 = arith.index_cast %get3A_497 : i32 to index
        %get3A_499 = arith.index_cast %while3A_416 : i32 to index
        %get3A_500 = arith.constant 64 : index
        %get3A_501 = tpu.vector_load %arg11[%get3A_498, %get3A_499, %get3A_500] {strides = array<i32>} : memref<2x128x128xf32, #tpu.memory_space<vmem>>, vector<16xf32>,
        %get3A_502 = arith.constant 0 : i32
        %get3A_503 = arith.index_cast %get3A_502 : i32 to index
        %get3A_504 = arith.index_cast %while3A_416 : i32 to index
        %get3A_505 = arith.constant 64 : index
        %get3A_506 = tpu.vector_load %arg12[%get3A_503, %get3A_504, %get3A_505] {strides = array<i32>} : memref<2x128x128xf32, #tpu.memory_space<vmem>>, vector<16xf32>,
        %get3A_507 = arith.constant 0 : i32
        %get3A_508 = arith.index_cast %get3A_507 : i32 to index
        %get3A_509 = arith.index_cast %while3A_416 : i32 to index
        %get3A_510 = arith.constant 64 : index
        %get3A_511 = tpu.vector_load %arg13[%get3A_508, %get3A_509, %get3A_510] {strides = array<i32>} : memref<2x128x128xf32, #tpu.memory_space<vmem>>, vector<16xf32>,
        %add3A_512 = arith.addf %get3A_501, %get3A_506 : vector<16xf32>
        %sub3A_513 = arith.subf %add3A_512, %get3A_511 : vector<16xf32>
        %mul3A_514 = arith.mulf %sub3A_513, %sub3A_513 : vector<16xf32>
        %add3A_515 = arith.addf %add3A_477, %mul3A_514 : vector<16xf32>
        %get3A_516 = arith.constant 0 : i32
        %get3A_517 = arith.index_cast %get3A_516 : i32 to index
        %get3A_518 = arith.index_cast %while3A_416 : i32 to index
        %get3A_519 = arith.constant 80 : index
        %get3A_520 = tpu.vector_load %arg11[%get3A_517, %get3A_518, %get3A_519] {strides = array<i32>} : memref<2x128x128xf32, #tpu.memory_space<vmem>>, vector<16xf32>,
        %get3A_521 = arith.constant 0 : i32
        %get3A_522 = arith.index_cast %get3A_521 : i32 to index
        %get3A_523 = arith.index_cast %while3A_416 : i32 to index
        %get3A_524 = arith.constant 80 : index
        %get3A_525 = tpu.vector_load %arg12[%get3A_522, %get3A_523, %get3A_524] {strides = array<i32>} : memref<2x128x128xf32, #tpu.memory_space<vmem>>, vector<16xf32>,
        %get3A_526 = arith.constant 0 : i32
        %get3A_527 = arith.index_cast %get3A_526 : i32 to index
        %get3A_528 = arith.index_cast %while3A_416 : i32 to index
        %get3A_529 = arith.constant 80 : index
        %get3A_530 = tpu.vector_load %arg13[%get3A_527, %get3A_528, %get3A_529] {strides = array<i32>} : memref<2x128x128xf32, #tpu.memory_space<vmem>>, vector<16xf32>,
        %add3A_531 = arith.addf %get3A_520, %get3A_525 : vector<16xf32>
        %sub3A_532 = arith.subf %add3A_531, %get3A_530 : vector<16xf32>
        %mul3A_533 = arith.mulf %sub3A_532, %sub3A_532 : vector<16xf32>
        %add3A_534 = arith.addf %add3A_496, %mul3A_533 : vector<16xf32>
        %get3A_535 = arith.constant 0 : i32
        %get3A_536 = arith.index_cast %get3A_535 : i32 to index
        %get3A_537 = arith.index_cast %while3A_416 : i32 to index
        %get3A_538 = arith.constant 96 : index
        %get3A_539 = tpu.vector_load %arg11[%get3A_536, %get3A_537, %get3A_538] {strides = array<i32>} : memref<2x128x128xf32, #tpu.memory_space<vmem>>, vector<16xf32>,
        %get3A_540 = arith.constant 0 : i32
        %get3A_541 = arith.index_cast %get3A_540 : i32 to index
        %get3A_542 = arith.index_cast %while3A_416 : i32 to index
        %get3A_543 = arith.constant 96 : index
        %get3A_544 = tpu.vector_load %arg12[%get3A_541, %get3A_542, %get3A_543] {strides = array<i32>} : memref<2x128x128xf32, #tpu.memory_space<vmem>>, vector<16xf32>,
        %get3A_545 = arith.constant 0 : i32
        %get3A_546 = arith.index_cast %get3A_545 : i32 to index
        %get3A_547 = arith.index_cast %while3A_416 : i32 to index
        %get3A_548 = arith.constant 96 : index
        %get3A_549 = tpu.vector_load %arg13[%get3A_546, %get3A_547, %get3A_548] {strides = array<i32>} : memref<2x128x128xf32, #tpu.memory_space<vmem>>, vector<16xf32>,
        %add3A_550 = arith.addf %get3A_539, %get3A_544 : vector<16xf32>
        %sub3A_551 = arith.subf %add3A_550, %get3A_549 : vector<16xf32>
        %mul3A_552 = arith.mulf %sub3A_551, %sub3A_551 : vector<16xf32>
        %add3A_553 = arith.addf %add3A_515, %mul3A_552 : vector<16xf32>
        %get3A_554 = arith.constant 0 : i32
        %get3A_555 = arith.index_cast %get3A_554 : i32 to index
        %get3A_556 = arith.index_cast %while3A_416 : i32 to index
        %get3A_557 = arith.constant 112 : index
        %get3A_558 = tpu.vector_load %arg11[%get3A_555, %get3A_556, %get3A_557] {strides = array<i32>} : memref<2x128x128xf32, #tpu.memory_space<vmem>>, vector<16xf32>,
        %get3A_559 = arith.constant 0 : i32
        %get3A_560 = arith.index_cast %get3A_559 : i32 to index
        %get3A_561 = arith.index_cast %while3A_416 : i32 to index
        %get3A_562 = arith.constant 112 : index
        %get3A_563 = tpu.vector_load %arg12[%get3A_560, %get3A_561, %get3A_562] {strides = array<i32>} : memref<2x128x128xf32, #tpu.memory_space<vmem>>, vector<16xf32>,
        %get3A_564 = arith.constant 0 : i32
        %get3A_565 = arith.index_cast %get3A_564 : i32 to index
        %get3A_566 = arith.index_cast %while3A_416 : i32 to index
        %get3A_567 = arith.constant 112 : index
        %get3A_568 = tpu.vector_load %arg13[%get3A_565, %get3A_566, %get3A_567] {strides = array<i32>} : memref<2x128x128xf32, #tpu.memory_space<vmem>>, vector<16xf32>,
        %add3A_569 = arith.addf %get3A_558, %get3A_563 : vector<16xf32>
        %sub3A_570 = arith.subf %add3A_569, %get3A_568 : vector<16xf32>
        %mul3A_571 = arith.mulf %sub3A_570, %sub3A_570 : vector<16xf32>
        %add3A_572 = arith.addf %add3A_534, %mul3A_571 : vector<16xf32>
        %add3A_573 = arith.addf %add3A_553, %add3A_572 : vector<16xf32>
        %reduce_sum3A = arith.constant true
        %reduce_sum3A_574 = vector.broadcast %reduce_sum3A : i1 to vector<16xi1>
        %reduce_sum3A_575 = tpu.scan <sum>, %add3A_573 masked %reduce_sum3A_574 : vector<16xf32>, vector<16xi1> -> vector<16xf32>
        %reduce_sum3A_576 = vector.extract %reduce_sum3A_575[15] : f32 from vector<16xf32>
        %rem3A = arith.constant 16 : i32
        %rem3A_577 = arith.remsi %while3A_416, %rem3A : i32
        %eq3A_578 = vector.broadcast %rem3A_577 : i32 to vector<16xi32>
        %eq3A_579 = arith.cmpi eq, %iota3A, %eq3A_578 : vector<16xi32>
        %broadcast_in_dim3A_580 = vector.broadcast %reduce_sum3A_576 : f32 to vector<16xf32>
        %select_n3A = arith.select %eq3A_579, %broadcast_in_dim3A_580, %while3A_417 : vector<16xi1>, vector<16xf32>
        scf.yield %select_n3A : vector<16xf32>
      }
      %while3A_382 = arith.constant 1 : i32
      %while3A_383 = scf.for %while3A_416 = %while3A_379 to %while3A_375 step %while3A_382 iter_args(%while3A_417 = %while3A_381) -> (vector<16xf32>)  : i32 {
        %broadcast_in_dim3A_418 = arith.constant 0.000000e+00 : f32
        %broadcast_in_dim3A_419 = vector.broadcast %broadcast_in_dim3A_418 : f32 to vector<16xf32>
        %broadcast_in_dim3A_420 = arith.constant 0.000000e+00 : f32
        %broadcast_in_dim3A_421 = vector.broadcast %broadcast_in_dim3A_420 : f32 to vector<16xf32>
        %get3A = arith.constant 0 : i32
        %get3A_422 = arith.index_cast %get3A : i32 to index
        %get3A_423 = arith.index_cast %while3A_416 : i32 to index
        %get3A_424 = arith.constant 0 : index
        %get3A_425 = tpu.vector_load %arg11[%get3A_422, %get3A_423, %get3A_424] {strides = array<i32>} : memref<2x128x128xf32, #tpu.memory_space<vmem>>, vector<16xf32>,
        %get3A_426 = arith.constant 0 : i32
        %get3A_427 = arith.index_cast %get3A_426 : i32 to index
        %get3A_428 = arith.index_cast %while3A_416 : i32 to index
        %get3A_429 = arith.constant 0 : index
        %get3A_430 = tpu.vector_load %arg12[%get3A_427, %get3A_428, %get3A_429] {strides = array<i32>} : memref<2x128x128xf32, #tpu.memory_space<vmem>>, vector<16xf32>,
        %get3A_431 = arith.constant 0 : i32
        %get3A_432 = arith.index_cast %get3A_431 : i32 to index
        %get3A_433 = arith.index_cast %while3A_416 : i32 to index
        %get3A_434 = arith.constant 0 : index
        %get3A_435 = tpu.vector_load %arg13[%get3A_432, %get3A_433, %get3A_434] {strides = array<i32>} : memref<2x128x128xf32, #tpu.memory_space<vmem>>, vector<16xf32>,
        %add3A_436 = arith.addf %get3A_425, %get3A_430 : vector<16xf32>
        %sub3A_437 = arith.subf %add3A_436, %get3A_435 : vector<16xf32>
        %mul3A_438 = arith.mulf %sub3A_437, %sub3A_437 : vector<16xf32>
        %add3A_439 = arith.addf %broadcast_in_dim3A_419, %mul3A_438 : vector<16xf32>
        %get3A_440 = arith.constant 0 : i32
        %get3A_441 = arith.index_cast %get3A_440 : i32 to index
        %get3A_442 = arith.index_cast %while3A_416 : i32 to index
        %get3A_443 = arith.constant 16 : index
        %get3A_444 = tpu.vector_load %arg11[%get3A_441, %get3A_442, %get3A_443] {strides = array<i32>} : memref<2x128x128xf32, #tpu.memory_space<vmem>>, vector<16xf32>,
        %get3A_445 = arith.constant 0 : i32
        %get3A_446 = arith.index_cast %get3A_445 : i32 to index
        %get3A_447 = arith.index_cast %while3A_416 : i32 to index
        %get3A_448 = arith.constant 16 : index
        %get3A_449 = tpu.vector_load %arg12[%get3A_446, %get3A_447, %get3A_448] {strides = array<i32>} : memref<2x128x128xf32, #tpu.memory_space<vmem>>, vector<16xf32>,
        %get3A_450 = arith.constant 0 : i32
        %get3A_451 = arith.index_cast %get3A_450 : i32 to index
        %get3A_452 = arith.index_cast %while3A_416 : i32 to index
        %get3A_453 = arith.constant 16 : index
        %get3A_454 = tpu.vector_load %arg13[%get3A_451, %get3A_452, %get3A_453] {strides = array<i32>} : memref<2x128x128xf32, #tpu.memory_space<vmem>>, vector<16xf32>,
        %add3A_455 = arith.addf %get3A_444, %get3A_449 : vector<16xf32>
        %sub3A_456 = arith.subf %add3A_455, %get3A_454 : vector<16xf32>
        %mul3A_457 = arith.mulf %sub3A_456, %sub3A_456 : vector<16xf32>
        %add3A_458 = arith.addf %broadcast_in_dim3A_421, %mul3A_457 : vector<16xf32>
        %get3A_459 = arith.constant 0 : i32
        %get3A_460 = arith.index_cast %get3A_459 : i32 to index
        %get3A_461 = arith.index_cast %while3A_416 : i32 to index
        %get3A_462 = arith.constant 32 : index
        %get3A_463 = tpu.vector_load %arg11[%get3A_460, %get3A_461, %get3A_462] {strides = array<i32>} : memref<2x128x128xf32, #tpu.memory_space<vmem>>, vector<16xf32>,
        %get3A_464 = arith.constant 0 : i32
        %get3A_465 = arith.index_cast %get3A_464 : i32 to index
        %get3A_466 = arith.index_cast %while3A_416 : i32 to index
        %get3A_467 = arith.constant 32 : index
        %get3A_468 = tpu.vector_load %arg12[%get3A_465, %get3A_466, %get3A_467] {strides = array<i32>} : memref<2x128x128xf32, #tpu.memory_space<vmem>>, vector<16xf32>,
        %get3A_469 = arith.constant 0 : i32
        %get3A_470 = arith.index_cast %get3A_469 : i32 to index
        %get3A_471 = arith.index_cast %while3A_416 : i32 to index
        %get3A_472 = arith.constant 32 : index
        %get3A_473 = tpu.vector_load %arg13[%get3A_470, %get3A_471, %get3A_472] {strides = array<i32>} : memref<2x128x128xf32, #tpu.memory_space<vmem>>, vector<16xf32>,
        %add3A_474 = arith.addf %get3A_463, %get3A_468 : vector<16xf32>
        %sub3A_475 = arith.subf %add3A_474, %get3A_473 : vector<16xf32>
        %mul3A_476 = arith.mulf %sub3A_475, %sub3A_475 : vector<16xf32>
        %add3A_477 = arith.addf %add3A_439, %mul3A_476 : vector<16xf32>
        %get3A_478 = arith.constant 0 : i32
        %get3A_479 = arith.index_cast %get3A_478 : i32 to index
        %get3A_480 = arith.index_cast %while3A_416 : i32 to index
        %get3A_481 = arith.constant 48 : index
        %get3A_482 = tpu.vector_load %arg11[%get3A_479, %get3A_480, %get3A_481] {strides = array<i32>} : memref<2x128x128xf32, #tpu.memory_space<vmem>>, vector<16xf32>,
        %get3A_483 = arith.constant 0 : i32
        %get3A_484 = arith.index_cast %get3A_483 : i32 to index
        %get3A_485 = arith.index_cast %while3A_416 : i32 to index
        %get3A_486 = arith.constant 48 : index
        %get3A_487 = tpu.vector_load %arg12[%get3A_484, %get3A_485, %get3A_486] {strides = array<i32>} : memref<2x128x128xf32, #tpu.memory_space<vmem>>, vector<16xf32>,
        %get3A_488 = arith.constant 0 : i32
        %get3A_489 = arith.index_cast %get3A_488 : i32 to index
        %get3A_490 = arith.index_cast %while3A_416 : i32 to index
        %get3A_491 = arith.constant 48 : index
        %get3A_492 = tpu.vector_load %arg13[%get3A_489, %get3A_490, %get3A_491] {strides = array<i32>} : memref<2x128x128xf32, #tpu.memory_space<vmem>>, vector<16xf32>,
        %add3A_493 = arith.addf %get3A_482, %get3A_487 : vector<16xf32>
        %sub3A_494 = arith.subf %add3A_493, %get3A_492 : vector<16xf32>
        %mul3A_495 = arith.mulf %sub3A_494, %sub3A_494 : vector<16xf32>
        %add3A_496 = arith.addf %add3A_458, %mul3A_495 : vector<16xf32>
        %get3A_497 = arith.constant 0 : i32
        %get3A_498 = arith.index_cast %get3A_497 : i32 to index
        %get3A_499 = arith.index_cast %while3A_416 : i32 to index
        %get3A_500 = arith.constant 64 : index
        %get3A_501 = tpu.vector_load %arg11[%get3A_498, %get3A_499, %get3A_500] {strides = array<i32>} : memref<2x128x128xf32, #tpu.memory_space<vmem>>, vector<16xf32>,
        %get3A_502 = arith.constant 0 : i32
        %get3A_503 = arith.index_cast %get3A_502 : i32 to index
        %get3A_504 = arith.index_cast %while3A_416 : i32 to index
        %get3A_505 = arith.constant 64 : index
        %get3A_506 = tpu.vector_load %arg12[%get3A_503, %get3A_504, %get3A_505] {strides = array<i32>} : memref<2x128x128xf32, #tpu.memory_space<vmem>>, vector<16xf32>,
        %get3A_507 = arith.constant 0 : i32
        %get3A_508 = arith.index_cast %get3A_507 : i32 to index
        %get3A_509 = arith.index_cast %while3A_416 : i32 to index
        %get3A_510 = arith.constant 64 : index
        %get3A_511 = tpu.vector_load %arg13[%get3A_508, %get3A_509, %get3A_510] {strides = array<i32>} : memref<2x128x128xf32, #tpu.memory_space<vmem>>, vector<16xf32>,
        %add3A_512 = arith.addf %get3A_501, %get3A_506 : vector<16xf32>
        %sub3A_513 = arith.subf %add3A_512, %get3A_511 : vector<16xf32>
        %mul3A_514 = arith.mulf %sub3A_513, %sub3A_513 : vector<16xf32>
        %add3A_515 = arith.addf %add3A_477, %mul3A_514 : vector<16xf32>
        %get3A_516 = arith.constant 0 : i32
        %get3A_517 = arith.index_cast %get3A_516 : i32 to index
        %get3A_518 = arith.index_cast %while3A_416 : i32 to index
        %get3A_519 = arith.constant 80 : index
        %get3A_520 = tpu.vector_load %arg11[%get3A_517, %get3A_518, %get3A_519] {strides = array<i32>} : memref<2x128x128xf32, #tpu.memory_space<vmem>>, vector<16xf32>,
        %get3A_521 = arith.constant 0 : i32
        %get3A_522 = arith.index_cast %get3A_521 : i32 to index
        %get3A_523 = arith.index_cast %while3A_416 : i32 to index
        %get3A_524 = arith.constant 80 : index
        %get3A_525 = tpu.vector_load %arg12[%get3A_522, %get3A_523, %get3A_524] {strides = array<i32>} : memref<2x128x128xf32, #tpu.memory_space<vmem>>, vector<16xf32>,
        %get3A_526 = arith.constant 0 : i32
        %get3A_527 = arith.index_cast %get3A_526 : i32 to index
        %get3A_528 = arith.index_cast %while3A_416 : i32 to index
        %get3A_529 = arith.constant 80 : index
        %get3A_530 = tpu.vector_load %arg13[%get3A_527, %get3A_528, %get3A_529] {strides = array<i32>} : memref<2x128x128xf32, #tpu.memory_space<vmem>>, vector<16xf32>,
        %add3A_531 = arith.addf %get3A_520, %get3A_525 : vector<16xf32>
        %sub3A_532 = arith.subf %add3A_531, %get3A_530 : vector<16xf32>
        %mul3A_533 = arith.mulf %sub3A_532, %sub3A_532 : vector<16xf32>
        %add3A_534 = arith.addf %add3A_496, %mul3A_533 : vector<16xf32>
        %get3A_535 = arith.constant 0 : i32
        %get3A_536 = arith.index_cast %get3A_535 : i32 to index
        %get3A_537 = arith.index_cast %while3A_416 : i32 to index
        %get3A_538 = arith.constant 96 : index
        %get3A_539 = tpu.vector_load %arg11[%get3A_536, %get3A_537, %get3A_538] {strides = array<i32>} : memref<2x128x128xf32, #tpu.memory_space<vmem>>, vector<16xf32>,
        %get3A_540 = arith.constant 0 : i32
        %get3A_541 = arith.index_cast %get3A_540 : i32 to index
        %get3A_542 = arith.index_cast %while3A_416 : i32 to index
        %get3A_543 = arith.constant 96 : index
        %get3A_544 = tpu.vector_load %arg12[%get3A_541, %get3A_542, %get3A_543] {strides = array<i32>} : memref<2x128x128xf32, #tpu.memory_space<vmem>>, vector<16xf32>,
        %get3A_545 = arith.constant 0 : i32
        %get3A_546 = arith.index_cast %get3A_545 : i32 to index
        %get3A_547 = arith.index_cast %while3A_416 : i32 to index
        %get3A_548 = arith.constant 96 : index
        %get3A_549 = tpu.vector_load %arg13[%get3A_546, %get3A_547, %get3A_548] {strides = array<i32>} : memref<2x128x128xf32, #tpu.memory_space<vmem>>, vector<16xf32>,
        %add3A_550 = arith.addf %get3A_539, %get3A_544 : vector<16xf32>
        %sub3A_551 = arith.subf %add3A_550, %get3A_549 : vector<16xf32>
        %mul3A_552 = arith.mulf %sub3A_551, %sub3A_551 : vector<16xf32>
        %add3A_553 = arith.addf %add3A_515, %mul3A_552 : vector<16xf32>
        %get3A_554 = arith.constant 0 : i32
        %get3A_555 = arith.index_cast %get3A_554 : i32 to index
        %get3A_556 = arith.index_cast %while3A_416 : i32 to index
        %get3A_557 = arith.constant 112 : index
        %get3A_558 = tpu.vector_load %arg11[%get3A_555, %get3A_556, %get3A_557] {strides = array<i32>} : memref<2x128x128xf32, #tpu.memory_space<vmem>>, vector<16xf32>,
        %get3A_559 = arith.constant 0 : i32
        %get3A_560 = arith.index_cast %get3A_559 : i32 to index
        %get3A_561 = arith.index_cast %while3A_416 : i32 to index
        %get3A_562 = arith.constant 112 : index
        %get3A_563 = tpu.vector_load %arg12[%get3A_560, %get3A_561, %get3A_562] {strides = array<i32>} : memref<2x128x128xf32, #tpu.memory_space<vmem>>, vector<16xf32>,
        %get3A_564 = arith.constant 0 : i32
        %get3A_565 = arith.index_cast %get3A_564 : i32 to index
        %get3A_566 = arith.index_cast %while3A_416 : i32 to index
        %get3A_567 = arith.constant 112 : index
        %get3A_568 = tpu.vector_load %arg13[%get3A_565, %get3A_566, %get3A_567] {strides = array<i32>} : memref<2x128x128xf32, #tpu.memory_space<vmem>>, vector<16xf32>,
        %add3A_569 = arith.addf %get3A_558, %get3A_563 : vector<16xf32>
        %sub3A_570 = arith.subf %add3A_569, %get3A_568 : vector<16xf32>
        %mul3A_571 = arith.mulf %sub3A_570, %sub3A_570 : vector<16xf32>
        %add3A_572 = arith.addf %add3A_534, %mul3A_571 : vector<16xf32>
        %add3A_573 = arith.addf %add3A_553, %add3A_572 : vector<16xf32>
        %reduce_sum3A = arith.constant true
        %reduce_sum3A_574 = vector.broadcast %reduce_sum3A : i1 to vector<16xi1>
        %reduce_sum3A_575 = tpu.scan <sum>, %add3A_573 masked %reduce_sum3A_574 : vector<16xf32>, vector<16xi1> -> vector<16xf32>
        %reduce_sum3A_576 = vector.extract %reduce_sum3A_575[15] : f32 from vector<16xf32>
        %rem3A = arith.constant 16 : i32
        %rem3A_577 = arith.remsi %while3A_416, %rem3A : i32
        %eq3A_578 = vector.broadcast %rem3A_577 : i32 to vector<16xi32>
        %eq3A_579 = arith.cmpi eq, %iota3A, %eq3A_578 : vector<16xi32>
        %broadcast_in_dim3A_580 = vector.broadcast %reduce_sum3A_576 : f32 to vector<16xf32>
        %select_n3A = arith.select %eq3A_579, %broadcast_in_dim3A_580, %while3A_417 : vector<16xi1>, vector<16xf32>
        scf.yield %select_n3A : vector<16xf32>
      }
      %max3A = arith.constant 1.000000e-30 : f32
      %max3A_384 = vector.broadcast %max3A : f32 to vector<16xf32>
      %max3A_385 = arith.maximumf %while3A_383, %max3A_384 : vector<16xf32>
      %bitcast_convert_type3A = tpu.bitcast %max3A_385 : vector<16xf32> -> vector<16xi32>
      %shift_right_arithmetic3A = arith.constant 1 : i32
      %shift_right_arithmetic3A_386 = vector.broadcast %shift_right_arithmetic3A : i32 to vector<16xi32>
      %shift_right_arithmetic3A_387 = arith.shrsi %bitcast_convert_type3A, %shift_right_arithmetic3A_386 : vector<16xi32>
      %sub3A = arith.constant 1597463007 : i32
      %sub3A_388 = vector.broadcast %sub3A : i32 to vector<16xi32>
      %sub3A_389 = arith.subi %sub3A_388, %shift_right_arithmetic3A_387 : vector<16xi32>
      %bitcast_convert_type3A_390 = tpu.bitcast %sub3A_389 : vector<16xi32> -> vector<16xf32>
      %mul3A_391 = arith.constant 5.000000e-01 : f32
      %mul3A_392 = vector.broadcast %mul3A_391 : f32 to vector<16xf32>
      %mul3A_393 = arith.mulf %mul3A_392, %max3A_385 : vector<16xf32>
      %mul3A_394 = arith.mulf %mul3A_393, %bitcast_convert_type3A_390 : vector<16xf32>
      %mul3A_395 = arith.mulf %mul3A_394, %bitcast_convert_type3A_390 : vector<16xf32>
      %sub3A_396 = arith.constant 1.500000e+00 : f32
      %sub3A_397 = vector.broadcast %sub3A_396 : f32 to vector<16xf32>
      %sub3A_398 = arith.subf %sub3A_397, %mul3A_395 : vector<16xf32>
      %mul3A_399 = arith.mulf %bitcast_convert_type3A_390, %sub3A_398 : vector<16xf32>
      %mul3A_400 = arith.constant 5.000000e-01 : f32
      %mul3A_401 = vector.broadcast %mul3A_400 : f32 to vector<16xf32>
      %mul3A_402 = arith.mulf %mul3A_401, %max3A_385 : vector<16xf32>
      %mul3A_403 = arith.mulf %mul3A_402, %mul3A_399 : vector<16xf32>
      %mul3A_404 = arith.mulf %mul3A_403, %mul3A_399 : vector<16xf32>
      %sub3A_405 = arith.constant 1.500000e+00 : f32
      %sub3A_406 = vector.broadcast %sub3A_405 : f32 to vector<16xf32>
      %sub3A_407 = arith.subf %sub3A_406, %mul3A_404 : vector<16xf32>
      %mul3A_408 = arith.mulf %mul3A_399, %sub3A_407 : vector<16xf32>
      %mul3A_409 = arith.mulf %max3A_385, %mul3A_408 : vector<16xf32>
      %mul3A_410 = arith.constant 16 : i32
      %mul3A_411 = arith.muli %scan3A_366, %mul3A_410 : i32
      %add3A_412 = arith.constant 0 : i32
      %add3A_413 = arith.addi %add3A_412, %mul3A_411 : i32
      %swap3A = arith.index_cast %add3A_413 : i32 to index
      %swap3A_414 = tpu.vector_load %arg14[%swap3A] {strides = array<i32>} : memref<512xf32, #tpu.memory_space<vmem>>, vector<16xf32>,
      tpu.vector_store %arg14[%swap3A], %mul3A_409 {strides = array<i32>} : memref<512xf32, #tpu.memory_space<vmem>>, vector<16xf32>,
      %scan3A_415 = arith.constant 0 : i32
      scf.yield %scan3A_415 : i32
    }
    %scan3A_162 = arith.constant 8 : i32
    %dma_start3A_163 = arith.constant 2 : i32
    %dma_start3A_164 = arith.constant 0 : i32
    %dma_start3A_165 = arith.constant 0 : i32
    %dma_start3A_166 = arith.constant 0 : i32
    %dma_start3A_167 = tpu.memref_slice %arg11[%dma_start3A_164, %dma_start3A_165, %dma_start3A_166] : memref<2x128x128xf32, #tpu.memory_space<vmem>> -> memref<1x128x128xf32, #tpu.memory_space<vmem>>
    %dma_start3A_168 = tpu.memref_squeeze %dma_start3A_167 : memref<1x128x128xf32, #tpu.memory_space<vmem>> -> memref<128x128xf32, #tpu.memory_space<vmem>>
    %dma_start3A_169 = arith.constant 0 : i32
    %dma_start3A_170 = tpu.memref_slice %arg8[%dma_start3A_163, %dma_start3A_169] : memref<4x128xi32, #tpu.memory_space<vmem>> -> memref<1x128xi32, #tpu.memory_space<vmem>>
    %dma_start3A_171 = tpu.memref_squeeze %dma_start3A_170 : memref<1x128xi32, #tpu.memory_space<vmem>> -> memref<128xi32, #tpu.memory_space<vmem>>
    %dma_start3A_172 = arith.constant 0 : i32
    %dma_start3A_173 = arith.constant 0 : i32
    %dma_start3A_174 = tpu.memref_slice %arg5[%dma_start3A_172, %dma_start3A_173] : memref<1000000x128xf32, #tpu.memory_space<hbm>> -> memref<1000000x128xf32, #tpu.memory_space<hbm>>
    tpu.enqueue_indirect_dma source(%dma_start3A_174 : memref<1000000x128xf32, #tpu.memory_space<hbm>>) target(%dma_start3A_168 : memref<128x128xf32, #tpu.memory_space<vmem>>) offsets(%dma_start3A_171 : memref<128xi32, #tpu.memory_space<vmem>>) semaphore(%arg16 : memref<!tpu.dma_semaphore, #tpu.memory_space<semaphore_mem>>)
    %dma_start3A_175 = arith.constant 2 : i32
    %dma_start3A_176 = arith.constant 0 : i32
    %dma_start3A_177 = arith.constant 0 : i32
    %dma_start3A_178 = arith.constant 0 : i32
    %dma_start3A_179 = tpu.memref_slice %arg12[%dma_start3A_176, %dma_start3A_177, %dma_start3A_178] : memref<2x128x128xf32, #tpu.memory_space<vmem>> -> memref<1x128x128xf32, #tpu.memory_space<vmem>>
    %dma_start3A_180 = tpu.memref_squeeze %dma_start3A_179 : memref<1x128x128xf32, #tpu.memory_space<vmem>> -> memref<128x128xf32, #tpu.memory_space<vmem>>
    %dma_start3A_181 = arith.constant 0 : i32
    %dma_start3A_182 = tpu.memref_slice %arg9[%dma_start3A_175, %dma_start3A_181] : memref<4x128xi32, #tpu.memory_space<vmem>> -> memref<1x128xi32, #tpu.memory_space<vmem>>
    %dma_start3A_183 = tpu.memref_squeeze %dma_start3A_182 : memref<1x128xi32, #tpu.memory_space<vmem>> -> memref<128xi32, #tpu.memory_space<vmem>>
    %dma_start3A_184 = arith.constant 0 : i32
    %dma_start3A_185 = arith.constant 0 : i32
    %dma_start3A_186 = tpu.memref_slice %arg15[%dma_start3A_184, %dma_start3A_185] : memref<1000x128xf32, #tpu.memory_space<vmem_shared>> -> memref<1000x128xf32, #tpu.memory_space<vmem_shared>>
    tpu.enqueue_indirect_dma source(%dma_start3A_186 : memref<1000x128xf32, #tpu.memory_space<vmem_shared>>) target(%dma_start3A_180 : memref<128x128xf32, #tpu.memory_space<vmem>>) offsets(%dma_start3A_183 : memref<128xi32, #tpu.memory_space<vmem>>) semaphore(%arg18 : memref<!tpu.dma_semaphore, #tpu.memory_space<semaphore_mem>>)
    %dma_start3A_187 = arith.constant 2 : i32
    %dma_start3A_188 = arith.constant 0 : i32
    %dma_start3A_189 = arith.constant 0 : i32
    %dma_start3A_190 = arith.constant 0 : i32
    %dma_start3A_191 = tpu.memref_slice %arg13[%dma_start3A_188, %dma_start3A_189, %dma_start3A_190] : memref<2x128x128xf32, #tpu.memory_space<vmem>> -> memref<1x128x128xf32, #tpu.memory_space<vmem>>
    %dma_start3A_192 = tpu.memref_squeeze %dma_start3A_191 : memref<1x128x128xf32, #tpu.memory_space<vmem>> -> memref<128x128xf32, #tpu.memory_space<vmem>>
    %dma_start3A_193 = arith.constant 0 : i32
    %dma_start3A_194 = tpu.memref_slice %arg10[%dma_start3A_187, %dma_start3A_193] : memref<4x128xi32, #tpu.memory_space<vmem>> -> memref<1x128xi32, #tpu.memory_space<vmem>>
    %dma_start3A_195 = tpu.memref_squeeze %dma_start3A_194 : memref<1x128xi32, #tpu.memory_space<vmem>> -> memref<128xi32, #tpu.memory_space<vmem>>
    %dma_start3A_196 = arith.constant 0 : i32
    %dma_start3A_197 = arith.constant 0 : i32
    %dma_start3A_198 = tpu.memref_slice %arg5[%dma_start3A_196, %dma_start3A_197] : memref<1000000x128xf32, #tpu.memory_space<hbm>> -> memref<1000000x128xf32, #tpu.memory_space<hbm>>
    tpu.enqueue_indirect_dma source(%dma_start3A_198 : memref<1000000x128xf32, #tpu.memory_space<hbm>>) target(%dma_start3A_192 : memref<128x128xf32, #tpu.memory_space<vmem>>) offsets(%dma_start3A_195 : memref<128xi32, #tpu.memory_space<vmem>>) semaphore(%arg20 : memref<!tpu.dma_semaphore, #tpu.memory_space<semaphore_mem>>)
    %dma_wait3A_199 = arith.constant 1 : i32
    %dma_wait3A_200 = arith.constant 1 : i32
    %dma_wait3A_201 = arith.constant 0 : i32
    %dma_wait3A_202 = arith.constant 0 : i32
    %dma_wait3A_203 = tpu.memref_slice %arg11[%dma_wait3A_200, %dma_wait3A_201, %dma_wait3A_202] : memref<2x128x128xf32, #tpu.memory_space<vmem>> -> memref<1x128x128xf32, #tpu.memory_space<vmem>>
    %dma_wait3A_204 = tpu.memref_squeeze %dma_wait3A_203 : memref<1x128x128xf32, #tpu.memory_space<vmem>> -> memref<128x128xf32, #tpu.memory_space<vmem>>
    %dma_wait3A_205 = arith.constant 0 : i32
    %dma_wait3A_206 = tpu.memref_slice %arg8[%dma_wait3A_199, %dma_wait3A_205] : memref<4x128xi32, #tpu.memory_space<vmem>> -> memref<1x128xi32, #tpu.memory_space<vmem>>
    %dma_wait3A_207 = tpu.memref_squeeze %dma_wait3A_206 : memref<1x128xi32, #tpu.memory_space<vmem>> -> memref<128xi32, #tpu.memory_space<vmem>>
    %dma_wait3A_208 = arith.constant 0 : i32
    %dma_wait3A_209 = arith.constant 0 : i32
    %dma_wait3A_210 = tpu.memref_slice %arg5[%dma_wait3A_208, %dma_wait3A_209] : memref<1000000x128xf32, #tpu.memory_space<hbm>> -> memref<1000000x128xf32, #tpu.memory_space<hbm>>
    tpu.wait_indirect_dma semaphore(%arg17 : memref<!tpu.dma_semaphore, #tpu.memory_space<semaphore_mem>>) src(%dma_wait3A_210 : memref<1000000x128xf32, #tpu.memory_space<hbm>>) dst(%dma_wait3A_204 : memref<128x128xf32, #tpu.memory_space<vmem>>)
    %dma_wait3A_211 = arith.constant 1 : i32
    %dma_wait3A_212 = arith.constant 1 : i32
    %dma_wait3A_213 = arith.constant 0 : i32
    %dma_wait3A_214 = arith.constant 0 : i32
    %dma_wait3A_215 = tpu.memref_slice %arg12[%dma_wait3A_212, %dma_wait3A_213, %dma_wait3A_214] : memref<2x128x128xf32, #tpu.memory_space<vmem>> -> memref<1x128x128xf32, #tpu.memory_space<vmem>>
    %dma_wait3A_216 = tpu.memref_squeeze %dma_wait3A_215 : memref<1x128x128xf32, #tpu.memory_space<vmem>> -> memref<128x128xf32, #tpu.memory_space<vmem>>
    %dma_wait3A_217 = arith.constant 0 : i32
    %dma_wait3A_218 = tpu.memref_slice %arg9[%dma_wait3A_211, %dma_wait3A_217] : memref<4x128xi32, #tpu.memory_space<vmem>> -> memref<1x128xi32, #tpu.memory_space<vmem>>
    %dma_wait3A_219 = tpu.memref_squeeze %dma_wait3A_218 : memref<1x128xi32, #tpu.memory_space<vmem>> -> memref<128xi32, #tpu.memory_space<vmem>>
    %dma_wait3A_220 = arith.constant 0 : i32
    %dma_wait3A_221 = arith.constant 0 : i32
    %dma_wait3A_222 = tpu.memref_slice %arg15[%dma_wait3A_220, %dma_wait3A_221] : memref<1000x128xf32, #tpu.memory_space<vmem_shared>> -> memref<1000x128xf32, #tpu.memory_space<vmem_shared>>
    tpu.wait_indirect_dma semaphore(%arg19 : memref<!tpu.dma_semaphore, #tpu.memory_space<semaphore_mem>>) src(%dma_wait3A_222 : memref<1000x128xf32, #tpu.memory_space<vmem_shared>>) dst(%dma_wait3A_216 : memref<128x128xf32, #tpu.memory_space<vmem>>)
    %dma_wait3A_223 = arith.constant 1 : i32
    %dma_wait3A_224 = arith.constant 1 : i32
    %dma_wait3A_225 = arith.constant 0 : i32
    %dma_wait3A_226 = arith.constant 0 : i32
    %dma_wait3A_227 = tpu.memref_slice %arg13[%dma_wait3A_224, %dma_wait3A_225, %dma_wait3A_226] : memref<2x128x128xf32, #tpu.memory_space<vmem>> -> memref<1x128x128xf32, #tpu.memory_space<vmem>>
    %dma_wait3A_228 = tpu.memref_squeeze %dma_wait3A_227 : memref<1x128x128xf32, #tpu.memory_space<vmem>> -> memref<128x128xf32, #tpu.memory_space<vmem>>
    %dma_wait3A_229 = arith.constant 0 : i32
    %dma_wait3A_230 = tpu.memref_slice %arg10[%dma_wait3A_223, %dma_wait3A_229] : memref<4x128xi32, #tpu.memory_space<vmem>> -> memref<1x128xi32, #tpu.memory_space<vmem>>
    %dma_wait3A_231 = tpu.memref_squeeze %dma_wait3A_230 : memref<1x128xi32, #tpu.memory_space<vmem>> -> memref<128xi32, #tpu.memory_space<vmem>>
    %dma_wait3A_232 = arith.constant 0 : i32
    %dma_wait3A_233 = arith.constant 0 : i32
    %dma_wait3A_234 = tpu.memref_slice %arg5[%dma_wait3A_232, %dma_wait3A_233] : memref<1000000x128xf32, #tpu.memory_space<hbm>> -> memref<1000000x128xf32, #tpu.memory_space<hbm>>
    tpu.wait_indirect_dma semaphore(%arg21 : memref<!tpu.dma_semaphore, #tpu.memory_space<semaphore_mem>>) src(%dma_wait3A_234 : memref<1000000x128xf32, #tpu.memory_space<hbm>>) dst(%dma_wait3A_228 : memref<128x128xf32, #tpu.memory_space<vmem>>)
    %scan3A_235 = arith.constant 0 : i32
    %scan3A_236 = arith.constant 0 : i32
    %scan3A_237 = arith.constant 8 : i32
    %scan3A_238 = arith.addi %scan3A_236, %scan3A_237 : i32
    %scan3A_239 = arith.constant 1 : i32
    %scan3A_240 = scf.for %scan3A_366 = %scan3A_236 to %scan3A_238 step %scan3A_239 iter_args(%scan3A_367 = %scan3A_235) -> (i32)  : i32 {
      %mul3A_368 = arith.constant 16 : i32
      %mul3A_369 = arith.muli %scan3A_366, %mul3A_368 : i32
      %add3A_370 = arith.constant 1 : i32
      %add3A_371 = arith.addi %scan3A_366, %add3A_370 : i32
      %mul3A_372 = arith.constant 16 : i32
      %mul3A_373 = arith.muli %add3A_371, %mul3A_372 : i32
      %broadcast_in_dim3A = arith.constant 0.000000e+00 : f32
      %broadcast_in_dim3A_374 = vector.broadcast %broadcast_in_dim3A : f32 to vector<16xf32>
      %while3A = arith.subi %mul3A_373, %mul3A_369 : i32
      %while3A_375 = arith.addi %mul3A_369, %while3A : i32
      %while3A_376 = arith.constant 1 : i32
      %while3A_377 = arith.divsi %while3A, %while3A_376 : i32
      %while3A_378 = arith.muli %while3A_377, %while3A_376 : i32
      %while3A_379 = arith.addi %mul3A_369, %while3A_378 : i32
      %while3A_380 = arith.constant 1 : i32
      %while3A_381 = scf.for %while3A_416 = %mul3A_369 to %while3A_379 step %while3A_380 iter_args(%while3A_417 = %broadcast_in_dim3A_374) -> (vector<16xf32>)  : i32 {
        %broadcast_in_dim3A_418 = arith.constant 0.000000e+00 : f32
        %broadcast_in_dim3A_419 = vector.broadcast %broadcast_in_dim3A_418 : f32 to vector<16xf32>
        %broadcast_in_dim3A_420 = arith.constant 0.000000e+00 : f32
        %broadcast_in_dim3A_421 = vector.broadcast %broadcast_in_dim3A_420 : f32 to vector<16xf32>
        %get3A = arith.constant 1 : i32
        %get3A_422 = arith.index_cast %get3A : i32 to index
        %get3A_423 = arith.index_cast %while3A_416 : i32 to index
        %get3A_424 = arith.constant 0 : index
        %get3A_425 = tpu.vector_load %arg11[%get3A_422, %get3A_423, %get3A_424] {strides = array<i32>} : memref<2x128x128xf32, #tpu.memory_space<vmem>>, vector<16xf32>,
        %get3A_426 = arith.constant 1 : i32
        %get3A_427 = arith.index_cast %get3A_426 : i32 to index
        %get3A_428 = arith.index_cast %while3A_416 : i32 to index
        %get3A_429 = arith.constant 0 : index
        %get3A_430 = tpu.vector_load %arg12[%get3A_427, %get3A_428, %get3A_429] {strides = array<i32>} : memref<2x128x128xf32, #tpu.memory_space<vmem>>, vector<16xf32>,
        %get3A_431 = arith.constant 1 : i32
        %get3A_432 = arith.index_cast %get3A_431 : i32 to index
        %get3A_433 = arith.index_cast %while3A_416 : i32 to index
        %get3A_434 = arith.constant 0 : index
        %get3A_435 = tpu.vector_load %arg13[%get3A_432, %get3A_433, %get3A_434] {strides = array<i32>} : memref<2x128x128xf32, #tpu.memory_space<vmem>>, vector<16xf32>,
        %add3A_436 = arith.addf %get3A_425, %get3A_430 : vector<16xf32>
        %sub3A_437 = arith.subf %add3A_436, %get3A_435 : vector<16xf32>
        %mul3A_438 = arith.mulf %sub3A_437, %sub3A_437 : vector<16xf32>
        %add3A_439 = arith.addf %broadcast_in_dim3A_419, %mul3A_438 : vector<16xf32>
        %get3A_440 = arith.constant 1 : i32
        %get3A_441 = arith.index_cast %get3A_440 : i32 to index
        %get3A_442 = arith.index_cast %while3A_416 : i32 to index
        %get3A_443 = arith.constant 16 : index
        %get3A_444 = tpu.vector_load %arg11[%get3A_441, %get3A_442, %get3A_443] {strides = array<i32>} : memref<2x128x128xf32, #tpu.memory_space<vmem>>, vector<16xf32>,
        %get3A_445 = arith.constant 1 : i32
        %get3A_446 = arith.index_cast %get3A_445 : i32 to index
        %get3A_447 = arith.index_cast %while3A_416 : i32 to index
        %get3A_448 = arith.constant 16 : index
        %get3A_449 = tpu.vector_load %arg12[%get3A_446, %get3A_447, %get3A_448] {strides = array<i32>} : memref<2x128x128xf32, #tpu.memory_space<vmem>>, vector<16xf32>,
        %get3A_450 = arith.constant 1 : i32
        %get3A_451 = arith.index_cast %get3A_450 : i32 to index
        %get3A_452 = arith.index_cast %while3A_416 : i32 to index
        %get3A_453 = arith.constant 16 : index
        %get3A_454 = tpu.vector_load %arg13[%get3A_451, %get3A_452, %get3A_453] {strides = array<i32>} : memref<2x128x128xf32, #tpu.memory_space<vmem>>, vector<16xf32>,
        %add3A_455 = arith.addf %get3A_444, %get3A_449 : vector<16xf32>
        %sub3A_456 = arith.subf %add3A_455, %get3A_454 : vector<16xf32>
        %mul3A_457 = arith.mulf %sub3A_456, %sub3A_456 : vector<16xf32>
        %add3A_458 = arith.addf %broadcast_in_dim3A_421, %mul3A_457 : vector<16xf32>
        %get3A_459 = arith.constant 1 : i32
        %get3A_460 = arith.index_cast %get3A_459 : i32 to index
        %get3A_461 = arith.index_cast %while3A_416 : i32 to index
        %get3A_462 = arith.constant 32 : index
        %get3A_463 = tpu.vector_load %arg11[%get3A_460, %get3A_461, %get3A_462] {strides = array<i32>} : memref<2x128x128xf32, #tpu.memory_space<vmem>>, vector<16xf32>,
        %get3A_464 = arith.constant 1 : i32
        %get3A_465 = arith.index_cast %get3A_464 : i32 to index
        %get3A_466 = arith.index_cast %while3A_416 : i32 to index
        %get3A_467 = arith.constant 32 : index
        %get3A_468 = tpu.vector_load %arg12[%get3A_465, %get3A_466, %get3A_467] {strides = array<i32>} : memref<2x128x128xf32, #tpu.memory_space<vmem>>, vector<16xf32>,
        %get3A_469 = arith.constant 1 : i32
        %get3A_470 = arith.index_cast %get3A_469 : i32 to index
        %get3A_471 = arith.index_cast %while3A_416 : i32 to index
        %get3A_472 = arith.constant 32 : index
        %get3A_473 = tpu.vector_load %arg13[%get3A_470, %get3A_471, %get3A_472] {strides = array<i32>} : memref<2x128x128xf32, #tpu.memory_space<vmem>>, vector<16xf32>,
        %add3A_474 = arith.addf %get3A_463, %get3A_468 : vector<16xf32>
        %sub3A_475 = arith.subf %add3A_474, %get3A_473 : vector<16xf32>
        %mul3A_476 = arith.mulf %sub3A_475, %sub3A_475 : vector<16xf32>
        %add3A_477 = arith.addf %add3A_439, %mul3A_476 : vector<16xf32>
        %get3A_478 = arith.constant 1 : i32
        %get3A_479 = arith.index_cast %get3A_478 : i32 to index
        %get3A_480 = arith.index_cast %while3A_416 : i32 to index
        %get3A_481 = arith.constant 48 : index
        %get3A_482 = tpu.vector_load %arg11[%get3A_479, %get3A_480, %get3A_481] {strides = array<i32>} : memref<2x128x128xf32, #tpu.memory_space<vmem>>, vector<16xf32>,
        %get3A_483 = arith.constant 1 : i32
        %get3A_484 = arith.index_cast %get3A_483 : i32 to index
        %get3A_485 = arith.index_cast %while3A_416 : i32 to index
        %get3A_486 = arith.constant 48 : index
        %get3A_487 = tpu.vector_load %arg12[%get3A_484, %get3A_485, %get3A_486] {strides = array<i32>} : memref<2x128x128xf32, #tpu.memory_space<vmem>>, vector<16xf32>,
        %get3A_488 = arith.constant 1 : i32
        %get3A_489 = arith.index_cast %get3A_488 : i32 to index
        %get3A_490 = arith.index_cast %while3A_416 : i32 to index
        %get3A_491 = arith.constant 48 : index
        %get3A_492 = tpu.vector_load %arg13[%get3A_489, %get3A_490, %get3A_491] {strides = array<i32>} : memref<2x128x128xf32, #tpu.memory_space<vmem>>, vector<16xf32>,
        %add3A_493 = arith.addf %get3A_482, %get3A_487 : vector<16xf32>
        %sub3A_494 = arith.subf %add3A_493, %get3A_492 : vector<16xf32>
        %mul3A_495 = arith.mulf %sub3A_494, %sub3A_494 : vector<16xf32>
        %add3A_496 = arith.addf %add3A_458, %mul3A_495 : vector<16xf32>
        %get3A_497 = arith.constant 1 : i32
        %get3A_498 = arith.index_cast %get3A_497 : i32 to index
        %get3A_499 = arith.index_cast %while3A_416 : i32 to index
        %get3A_500 = arith.constant 64 : index
        %get3A_501 = tpu.vector_load %arg11[%get3A_498, %get3A_499, %get3A_500] {strides = array<i32>} : memref<2x128x128xf32, #tpu.memory_space<vmem>>, vector<16xf32>,
        %get3A_502 = arith.constant 1 : i32
        %get3A_503 = arith.index_cast %get3A_502 : i32 to index
        %get3A_504 = arith.index_cast %while3A_416 : i32 to index
        %get3A_505 = arith.constant 64 : index
        %get3A_506 = tpu.vector_load %arg12[%get3A_503, %get3A_504, %get3A_505] {strides = array<i32>} : memref<2x128x128xf32, #tpu.memory_space<vmem>>, vector<16xf32>,
        %get3A_507 = arith.constant 1 : i32
        %get3A_508 = arith.index_cast %get3A_507 : i32 to index
        %get3A_509 = arith.index_cast %while3A_416 : i32 to index
        %get3A_510 = arith.constant 64 : index
        %get3A_511 = tpu.vector_load %arg13[%get3A_508, %get3A_509, %get3A_510] {strides = array<i32>} : memref<2x128x128xf32, #tpu.memory_space<vmem>>, vector<16xf32>,
        %add3A_512 = arith.addf %get3A_501, %get3A_506 : vector<16xf32>
        %sub3A_513 = arith.subf %add3A_512, %get3A_511 : vector<16xf32>
        %mul3A_514 = arith.mulf %sub3A_513, %sub3A_513 : vector<16xf32>
        %add3A_515 = arith.addf %add3A_477, %mul3A_514 : vector<16xf32>
        %get3A_516 = arith.constant 1 : i32
        %get3A_517 = arith.index_cast %get3A_516 : i32 to index
        %get3A_518 = arith.index_cast %while3A_416 : i32 to index
        %get3A_519 = arith.constant 80 : index
        %get3A_520 = tpu.vector_load %arg11[%get3A_517, %get3A_518, %get3A_519] {strides = array<i32>} : memref<2x128x128xf32, #tpu.memory_space<vmem>>, vector<16xf32>,
        %get3A_521 = arith.constant 1 : i32
        %get3A_522 = arith.index_cast %get3A_521 : i32 to index
        %get3A_523 = arith.index_cast %while3A_416 : i32 to index
        %get3A_524 = arith.constant 80 : index
        %get3A_525 = tpu.vector_load %arg12[%get3A_522, %get3A_523, %get3A_524] {strides = array<i32>} : memref<2x128x128xf32, #tpu.memory_space<vmem>>, vector<16xf32>,
        %get3A_526 = arith.constant 1 : i32
        %get3A_527 = arith.index_cast %get3A_526 : i32 to index
        %get3A_528 = arith.index_cast %while3A_416 : i32 to index
        %get3A_529 = arith.constant 80 : index
        %get3A_530 = tpu.vector_load %arg13[%get3A_527, %get3A_528, %get3A_529] {strides = array<i32>} : memref<2x128x128xf32, #tpu.memory_space<vmem>>, vector<16xf32>,
        %add3A_531 = arith.addf %get3A_520, %get3A_525 : vector<16xf32>
        %sub3A_532 = arith.subf %add3A_531, %get3A_530 : vector<16xf32>
        %mul3A_533 = arith.mulf %sub3A_532, %sub3A_532 : vector<16xf32>
        %add3A_534 = arith.addf %add3A_496, %mul3A_533 : vector<16xf32>
        %get3A_535 = arith.constant 1 : i32
        %get3A_536 = arith.index_cast %get3A_535 : i32 to index
        %get3A_537 = arith.index_cast %while3A_416 : i32 to index
        %get3A_538 = arith.constant 96 : index
        %get3A_539 = tpu.vector_load %arg11[%get3A_536, %get3A_537, %get3A_538] {strides = array<i32>} : memref<2x128x128xf32, #tpu.memory_space<vmem>>, vector<16xf32>,
        %get3A_540 = arith.constant 1 : i32
        %get3A_541 = arith.index_cast %get3A_540 : i32 to index
        %get3A_542 = arith.index_cast %while3A_416 : i32 to index
        %get3A_543 = arith.constant 96 : index
        %get3A_544 = tpu.vector_load %arg12[%get3A_541, %get3A_542, %get3A_543] {strides = array<i32>} : memref<2x128x128xf32, #tpu.memory_space<vmem>>, vector<16xf32>,
        %get3A_545 = arith.constant 1 : i32
        %get3A_546 = arith.index_cast %get3A_545 : i32 to index
        %get3A_547 = arith.index_cast %while3A_416 : i32 to index
        %get3A_548 = arith.constant 96 : index
        %get3A_549 = tpu.vector_load %arg13[%get3A_546, %get3A_547, %get3A_548] {strides = array<i32>} : memref<2x128x128xf32, #tpu.memory_space<vmem>>, vector<16xf32>,
        %add3A_550 = arith.addf %get3A_539, %get3A_544 : vector<16xf32>
        %sub3A_551 = arith.subf %add3A_550, %get3A_549 : vector<16xf32>
        %mul3A_552 = arith.mulf %sub3A_551, %sub3A_551 : vector<16xf32>
        %add3A_553 = arith.addf %add3A_515, %mul3A_552 : vector<16xf32>
        %get3A_554 = arith.constant 1 : i32
        %get3A_555 = arith.index_cast %get3A_554 : i32 to index
        %get3A_556 = arith.index_cast %while3A_416 : i32 to index
        %get3A_557 = arith.constant 112 : index
        %get3A_558 = tpu.vector_load %arg11[%get3A_555, %get3A_556, %get3A_557] {strides = array<i32>} : memref<2x128x128xf32, #tpu.memory_space<vmem>>, vector<16xf32>,
        %get3A_559 = arith.constant 1 : i32
        %get3A_560 = arith.index_cast %get3A_559 : i32 to index
        %get3A_561 = arith.index_cast %while3A_416 : i32 to index
        %get3A_562 = arith.constant 112 : index
        %get3A_563 = tpu.vector_load %arg12[%get3A_560, %get3A_561, %get3A_562] {strides = array<i32>} : memref<2x128x128xf32, #tpu.memory_space<vmem>>, vector<16xf32>,
        %get3A_564 = arith.constant 1 : i32
        %get3A_565 = arith.index_cast %get3A_564 : i32 to index
        %get3A_566 = arith.index_cast %while3A_416 : i32 to index
        %get3A_567 = arith.constant 112 : index
        %get3A_568 = tpu.vector_load %arg13[%get3A_565, %get3A_566, %get3A_567] {strides = array<i32>} : memref<2x128x128xf32, #tpu.memory_space<vmem>>, vector<16xf32>,
        %add3A_569 = arith.addf %get3A_558, %get3A_563 : vector<16xf32>
        %sub3A_570 = arith.subf %add3A_569, %get3A_568 : vector<16xf32>
        %mul3A_571 = arith.mulf %sub3A_570, %sub3A_570 : vector<16xf32>
        %add3A_572 = arith.addf %add3A_534, %mul3A_571 : vector<16xf32>
        %add3A_573 = arith.addf %add3A_553, %add3A_572 : vector<16xf32>
        %reduce_sum3A = arith.constant true
        %reduce_sum3A_574 = vector.broadcast %reduce_sum3A : i1 to vector<16xi1>
        %reduce_sum3A_575 = tpu.scan <sum>, %add3A_573 masked %reduce_sum3A_574 : vector<16xf32>, vector<16xi1> -> vector<16xf32>
        %reduce_sum3A_576 = vector.extract %reduce_sum3A_575[15] : f32 from vector<16xf32>
        %rem3A = arith.constant 16 : i32
        %rem3A_577 = arith.remsi %while3A_416, %rem3A : i32
        %eq3A_578 = vector.broadcast %rem3A_577 : i32 to vector<16xi32>
        %eq3A_579 = arith.cmpi eq, %iota3A, %eq3A_578 : vector<16xi32>
        %broadcast_in_dim3A_580 = vector.broadcast %reduce_sum3A_576 : f32 to vector<16xf32>
        %select_n3A = arith.select %eq3A_579, %broadcast_in_dim3A_580, %while3A_417 : vector<16xi1>, vector<16xf32>
        scf.yield %select_n3A : vector<16xf32>
      }
      %while3A_382 = arith.constant 1 : i32
      %while3A_383 = scf.for %while3A_416 = %while3A_379 to %while3A_375 step %while3A_382 iter_args(%while3A_417 = %while3A_381) -> (vector<16xf32>)  : i32 {
        %broadcast_in_dim3A_418 = arith.constant 0.000000e+00 : f32
        %broadcast_in_dim3A_419 = vector.broadcast %broadcast_in_dim3A_418 : f32 to vector<16xf32>
        %broadcast_in_dim3A_420 = arith.constant 0.000000e+00 : f32
        %broadcast_in_dim3A_421 = vector.broadcast %broadcast_in_dim3A_420 : f32 to vector<16xf32>
        %get3A = arith.constant 1 : i32
        %get3A_422 = arith.index_cast %get3A : i32 to index
        %get3A_423 = arith.index_cast %while3A_416 : i32 to index
        %get3A_424 = arith.constant 0 : index
        %get3A_425 = tpu.vector_load %arg11[%get3A_422, %get3A_423, %get3A_424] {strides = array<i32>} : memref<2x128x128xf32, #tpu.memory_space<vmem>>, vector<16xf32>,
        %get3A_426 = arith.constant 1 : i32
        %get3A_427 = arith.index_cast %get3A_426 : i32 to index
        %get3A_428 = arith.index_cast %while3A_416 : i32 to index
        %get3A_429 = arith.constant 0 : index
        %get3A_430 = tpu.vector_load %arg12[%get3A_427, %get3A_428, %get3A_429] {strides = array<i32>} : memref<2x128x128xf32, #tpu.memory_space<vmem>>, vector<16xf32>,
        %get3A_431 = arith.constant 1 : i32
        %get3A_432 = arith.index_cast %get3A_431 : i32 to index
        %get3A_433 = arith.index_cast %while3A_416 : i32 to index
        %get3A_434 = arith.constant 0 : index
        %get3A_435 = tpu.vector_load %arg13[%get3A_432, %get3A_433, %get3A_434] {strides = array<i32>} : memref<2x128x128xf32, #tpu.memory_space<vmem>>, vector<16xf32>,
        %add3A_436 = arith.addf %get3A_425, %get3A_430 : vector<16xf32>
        %sub3A_437 = arith.subf %add3A_436, %get3A_435 : vector<16xf32>
        %mul3A_438 = arith.mulf %sub3A_437, %sub3A_437 : vector<16xf32>
        %add3A_439 = arith.addf %broadcast_in_dim3A_419, %mul3A_438 : vector<16xf32>
        %get3A_440 = arith.constant 1 : i32
        %get3A_441 = arith.index_cast %get3A_440 : i32 to index
        %get3A_442 = arith.index_cast %while3A_416 : i32 to index
        %get3A_443 = arith.constant 16 : index
        %get3A_444 = tpu.vector_load %arg11[%get3A_441, %get3A_442, %get3A_443] {strides = array<i32>} : memref<2x128x128xf32, #tpu.memory_space<vmem>>, vector<16xf32>,
        %get3A_445 = arith.constant 1 : i32
        %get3A_446 = arith.index_cast %get3A_445 : i32 to index
        %get3A_447 = arith.index_cast %while3A_416 : i32 to index
        %get3A_448 = arith.constant 16 : index
        %get3A_449 = tpu.vector_load %arg12[%get3A_446, %get3A_447, %get3A_448] {strides = array<i32>} : memref<2x128x128xf32, #tpu.memory_space<vmem>>, vector<16xf32>,
        %get3A_450 = arith.constant 1 : i32
        %get3A_451 = arith.index_cast %get3A_450 : i32 to index
        %get3A_452 = arith.index_cast %while3A_416 : i32 to index
        %get3A_453 = arith.constant 16 : index
        %get3A_454 = tpu.vector_load %arg13[%get3A_451, %get3A_452, %get3A_453] {strides = array<i32>} : memref<2x128x128xf32, #tpu.memory_space<vmem>>, vector<16xf32>,
        %add3A_455 = arith.addf %get3A_444, %get3A_449 : vector<16xf32>
        %sub3A_456 = arith.subf %add3A_455, %get3A_454 : vector<16xf32>
        %mul3A_457 = arith.mulf %sub3A_456, %sub3A_456 : vector<16xf32>
        %add3A_458 = arith.addf %broadcast_in_dim3A_421, %mul3A_457 : vector<16xf32>
        %get3A_459 = arith.constant 1 : i32
        %get3A_460 = arith.index_cast %get3A_459 : i32 to index
        %get3A_461 = arith.index_cast %while3A_416 : i32 to index
        %get3A_462 = arith.constant 32 : index
        %get3A_463 = tpu.vector_load %arg11[%get3A_460, %get3A_461, %get3A_462] {strides = array<i32>} : memref<2x128x128xf32, #tpu.memory_space<vmem>>, vector<16xf32>,
        %get3A_464 = arith.constant 1 : i32
        %get3A_465 = arith.index_cast %get3A_464 : i32 to index
        %get3A_466 = arith.index_cast %while3A_416 : i32 to index
        %get3A_467 = arith.constant 32 : index
        %get3A_468 = tpu.vector_load %arg12[%get3A_465, %get3A_466, %get3A_467] {strides = array<i32>} : memref<2x128x128xf32, #tpu.memory_space<vmem>>, vector<16xf32>,
        %get3A_469 = arith.constant 1 : i32
        %get3A_470 = arith.index_cast %get3A_469 : i32 to index
        %get3A_471 = arith.index_cast %while3A_416 : i32 to index
        %get3A_472 = arith.constant 32 : index
        %get3A_473 = tpu.vector_load %arg13[%get3A_470, %get3A_471, %get3A_472] {strides = array<i32>} : memref<2x128x128xf32, #tpu.memory_space<vmem>>, vector<16xf32>,
        %add3A_474 = arith.addf %get3A_463, %get3A_468 : vector<16xf32>
        %sub3A_475 = arith.subf %add3A_474, %get3A_473 : vector<16xf32>
        %mul3A_476 = arith.mulf %sub3A_475, %sub3A_475 : vector<16xf32>
        %add3A_477 = arith.addf %add3A_439, %mul3A_476 : vector<16xf32>
        %get3A_478 = arith.constant 1 : i32
        %get3A_479 = arith.index_cast %get3A_478 : i32 to index
        %get3A_480 = arith.index_cast %while3A_416 : i32 to index
        %get3A_481 = arith.constant 48 : index
        %get3A_482 = tpu.vector_load %arg11[%get3A_479, %get3A_480, %get3A_481] {strides = array<i32>} : memref<2x128x128xf32, #tpu.memory_space<vmem>>, vector<16xf32>,
        %get3A_483 = arith.constant 1 : i32
        %get3A_484 = arith.index_cast %get3A_483 : i32 to index
        %get3A_485 = arith.index_cast %while3A_416 : i32 to index
        %get3A_486 = arith.constant 48 : index
        %get3A_487 = tpu.vector_load %arg12[%get3A_484, %get3A_485, %get3A_486] {strides = array<i32>} : memref<2x128x128xf32, #tpu.memory_space<vmem>>, vector<16xf32>,
        %get3A_488 = arith.constant 1 : i32
        %get3A_489 = arith.index_cast %get3A_488 : i32 to index
        %get3A_490 = arith.index_cast %while3A_416 : i32 to index
        %get3A_491 = arith.constant 48 : index
        %get3A_492 = tpu.vector_load %arg13[%get3A_489, %get3A_490, %get3A_491] {strides = array<i32>} : memref<2x128x128xf32, #tpu.memory_space<vmem>>, vector<16xf32>,
        %add3A_493 = arith.addf %get3A_482, %get3A_487 : vector<16xf32>
        %sub3A_494 = arith.subf %add3A_493, %get3A_492 : vector<16xf32>
        %mul3A_495 = arith.mulf %sub3A_494, %sub3A_494 : vector<16xf32>
        %add3A_496 = arith.addf %add3A_458, %mul3A_495 : vector<16xf32>
        %get3A_497 = arith.constant 1 : i32
        %get3A_498 = arith.index_cast %get3A_497 : i32 to index
        %get3A_499 = arith.index_cast %while3A_416 : i32 to index
        %get3A_500 = arith.constant 64 : index
        %get3A_501 = tpu.vector_load %arg11[%get3A_498, %get3A_499, %get3A_500] {strides = array<i32>} : memref<2x128x128xf32, #tpu.memory_space<vmem>>, vector<16xf32>,
        %get3A_502 = arith.constant 1 : i32
        %get3A_503 = arith.index_cast %get3A_502 : i32 to index
        %get3A_504 = arith.index_cast %while3A_416 : i32 to index
        %get3A_505 = arith.constant 64 : index
        %get3A_506 = tpu.vector_load %arg12[%get3A_503, %get3A_504, %get3A_505] {strides = array<i32>} : memref<2x128x128xf32, #tpu.memory_space<vmem>>, vector<16xf32>,
        %get3A_507 = arith.constant 1 : i32
        %get3A_508 = arith.index_cast %get3A_507 : i32 to index
        %get3A_509 = arith.index_cast %while3A_416 : i32 to index
        %get3A_510 = arith.constant 64 : index
        %get3A_511 = tpu.vector_load %arg13[%get3A_508, %get3A_509, %get3A_510] {strides = array<i32>} : memref<2x128x128xf32, #tpu.memory_space<vmem>>, vector<16xf32>,
        %add3A_512 = arith.addf %get3A_501, %get3A_506 : vector<16xf32>
        %sub3A_513 = arith.subf %add3A_512, %get3A_511 : vector<16xf32>
        %mul3A_514 = arith.mulf %sub3A_513, %sub3A_513 : vector<16xf32>
        %add3A_515 = arith.addf %add3A_477, %mul3A_514 : vector<16xf32>
        %get3A_516 = arith.constant 1 : i32
        %get3A_517 = arith.index_cast %get3A_516 : i32 to index
        %get3A_518 = arith.index_cast %while3A_416 : i32 to index
        %get3A_519 = arith.constant 80 : index
        %get3A_520 = tpu.vector_load %arg11[%get3A_517, %get3A_518, %get3A_519] {strides = array<i32>} : memref<2x128x128xf32, #tpu.memory_space<vmem>>, vector<16xf32>,
        %get3A_521 = arith.constant 1 : i32
        %get3A_522 = arith.index_cast %get3A_521 : i32 to index
        %get3A_523 = arith.index_cast %while3A_416 : i32 to index
        %get3A_524 = arith.constant 80 : index
        %get3A_525 = tpu.vector_load %arg12[%get3A_522, %get3A_523, %get3A_524] {strides = array<i32>} : memref<2x128x128xf32, #tpu.memory_space<vmem>>, vector<16xf32>,
        %get3A_526 = arith.constant 1 : i32
        %get3A_527 = arith.index_cast %get3A_526 : i32 to index
        %get3A_528 = arith.index_cast %while3A_416 : i32 to index
        %get3A_529 = arith.constant 80 : index
        %get3A_530 = tpu.vector_load %arg13[%get3A_527, %get3A_528, %get3A_529] {strides = array<i32>} : memref<2x128x128xf32, #tpu.memory_space<vmem>>, vector<16xf32>,
        %add3A_531 = arith.addf %get3A_520, %get3A_525 : vector<16xf32>
        %sub3A_532 = arith.subf %add3A_531, %get3A_530 : vector<16xf32>
        %mul3A_533 = arith.mulf %sub3A_532, %sub3A_532 : vector<16xf32>
        %add3A_534 = arith.addf %add3A_496, %mul3A_533 : vector<16xf32>
        %get3A_535 = arith.constant 1 : i32
        %get3A_536 = arith.index_cast %get3A_535 : i32 to index
        %get3A_537 = arith.index_cast %while3A_416 : i32 to index
        %get3A_538 = arith.constant 96 : index
        %get3A_539 = tpu.vector_load %arg11[%get3A_536, %get3A_537, %get3A_538] {strides = array<i32>} : memref<2x128x128xf32, #tpu.memory_space<vmem>>, vector<16xf32>,
        %get3A_540 = arith.constant 1 : i32
        %get3A_541 = arith.index_cast %get3A_540 : i32 to index
        %get3A_542 = arith.index_cast %while3A_416 : i32 to index
        %get3A_543 = arith.constant 96 : index
        %get3A_544 = tpu.vector_load %arg12[%get3A_541, %get3A_542, %get3A_543] {strides = array<i32>} : memref<2x128x128xf32, #tpu.memory_space<vmem>>, vector<16xf32>,
        %get3A_545 = arith.constant 1 : i32
        %get3A_546 = arith.index_cast %get3A_545 : i32 to index
        %get3A_547 = arith.index_cast %while3A_416 : i32 to index
        %get3A_548 = arith.constant 96 : index
        %get3A_549 = tpu.vector_load %arg13[%get3A_546, %get3A_547, %get3A_548] {strides = array<i32>} : memref<2x128x128xf32, #tpu.memory_space<vmem>>, vector<16xf32>,
        %add3A_550 = arith.addf %get3A_539, %get3A_544 : vector<16xf32>
        %sub3A_551 = arith.subf %add3A_550, %get3A_549 : vector<16xf32>
        %mul3A_552 = arith.mulf %sub3A_551, %sub3A_551 : vector<16xf32>
        %add3A_553 = arith.addf %add3A_515, %mul3A_552 : vector<16xf32>
        %get3A_554 = arith.constant 1 : i32
        %get3A_555 = arith.index_cast %get3A_554 : i32 to index
        %get3A_556 = arith.index_cast %while3A_416 : i32 to index
        %get3A_557 = arith.constant 112 : index
        %get3A_558 = tpu.vector_load %arg11[%get3A_555, %get3A_556, %get3A_557] {strides = array<i32>} : memref<2x128x128xf32, #tpu.memory_space<vmem>>, vector<16xf32>,
        %get3A_559 = arith.constant 1 : i32
        %get3A_560 = arith.index_cast %get3A_559 : i32 to index
        %get3A_561 = arith.index_cast %while3A_416 : i32 to index
        %get3A_562 = arith.constant 112 : index
        %get3A_563 = tpu.vector_load %arg12[%get3A_560, %get3A_561, %get3A_562] {strides = array<i32>} : memref<2x128x128xf32, #tpu.memory_space<vmem>>, vector<16xf32>,
        %get3A_564 = arith.constant 1 : i32
        %get3A_565 = arith.index_cast %get3A_564 : i32 to index
        %get3A_566 = arith.index_cast %while3A_416 : i32 to index
        %get3A_567 = arith.constant 112 : index
        %get3A_568 = tpu.vector_load %arg13[%get3A_565, %get3A_566, %get3A_567] {strides = array<i32>} : memref<2x128x128xf32, #tpu.memory_space<vmem>>, vector<16xf32>,
        %add3A_569 = arith.addf %get3A_558, %get3A_563 : vector<16xf32>
        %sub3A_570 = arith.subf %add3A_569, %get3A_568 : vector<16xf32>
        %mul3A_571 = arith.mulf %sub3A_570, %sub3A_570 : vector<16xf32>
        %add3A_572 = arith.addf %add3A_534, %mul3A_571 : vector<16xf32>
        %add3A_573 = arith.addf %add3A_553, %add3A_572 : vector<16xf32>
        %reduce_sum3A = arith.constant true
        %reduce_sum3A_574 = vector.broadcast %reduce_sum3A : i1 to vector<16xi1>
        %reduce_sum3A_575 = tpu.scan <sum>, %add3A_573 masked %reduce_sum3A_574 : vector<16xf32>, vector<16xi1> -> vector<16xf32>
        %reduce_sum3A_576 = vector.extract %reduce_sum3A_575[15] : f32 from vector<16xf32>
        %rem3A = arith.constant 16 : i32
        %rem3A_577 = arith.remsi %while3A_416, %rem3A : i32
        %eq3A_578 = vector.broadcast %rem3A_577 : i32 to vector<16xi32>
        %eq3A_579 = arith.cmpi eq, %iota3A, %eq3A_578 : vector<16xi32>
        %broadcast_in_dim3A_580 = vector.broadcast %reduce_sum3A_576 : f32 to vector<16xf32>
        %select_n3A = arith.select %eq3A_579, %broadcast_in_dim3A_580, %while3A_417 : vector<16xi1>, vector<16xf32>
        scf.yield %select_n3A : vector<16xf32>
      }
      %max3A = arith.constant 1.000000e-30 : f32
      %max3A_384 = vector.broadcast %max3A : f32 to vector<16xf32>
      %max3A_385 = arith.maximumf %while3A_383, %max3A_384 : vector<16xf32>
      %bitcast_convert_type3A = tpu.bitcast %max3A_385 : vector<16xf32> -> vector<16xi32>
      %shift_right_arithmetic3A = arith.constant 1 : i32
      %shift_right_arithmetic3A_386 = vector.broadcast %shift_right_arithmetic3A : i32 to vector<16xi32>
      %shift_right_arithmetic3A_387 = arith.shrsi %bitcast_convert_type3A, %shift_right_arithmetic3A_386 : vector<16xi32>
      %sub3A = arith.constant 1597463007 : i32
      %sub3A_388 = vector.broadcast %sub3A : i32 to vector<16xi32>
      %sub3A_389 = arith.subi %sub3A_388, %shift_right_arithmetic3A_387 : vector<16xi32>
      %bitcast_convert_type3A_390 = tpu.bitcast %sub3A_389 : vector<16xi32> -> vector<16xf32>
      %mul3A_391 = arith.constant 5.000000e-01 : f32
      %mul3A_392 = vector.broadcast %mul3A_391 : f32 to vector<16xf32>
      %mul3A_393 = arith.mulf %mul3A_392, %max3A_385 : vector<16xf32>
      %mul3A_394 = arith.mulf %mul3A_393, %bitcast_convert_type3A_390 : vector<16xf32>
      %mul3A_395 = arith.mulf %mul3A_394, %bitcast_convert_type3A_390 : vector<16xf32>
      %sub3A_396 = arith.constant 1.500000e+00 : f32
      %sub3A_397 = vector.broadcast %sub3A_396 : f32 to vector<16xf32>
      %sub3A_398 = arith.subf %sub3A_397, %mul3A_395 : vector<16xf32>
      %mul3A_399 = arith.mulf %bitcast_convert_type3A_390, %sub3A_398 : vector<16xf32>
      %mul3A_400 = arith.constant 5.000000e-01 : f32
      %mul3A_401 = vector.broadcast %mul3A_400 : f32 to vector<16xf32>
      %mul3A_402 = arith.mulf %mul3A_401, %max3A_385 : vector<16xf32>
      %mul3A_403 = arith.mulf %mul3A_402, %mul3A_399 : vector<16xf32>
      %mul3A_404 = arith.mulf %mul3A_403, %mul3A_399 : vector<16xf32>
      %sub3A_405 = arith.constant 1.500000e+00 : f32
      %sub3A_406 = vector.broadcast %sub3A_405 : f32 to vector<16xf32>
      %sub3A_407 = arith.subf %sub3A_406, %mul3A_404 : vector<16xf32>
      %mul3A_408 = arith.mulf %mul3A_399, %sub3A_407 : vector<16xf32>
      %mul3A_409 = arith.mulf %max3A_385, %mul3A_408 : vector<16xf32>
      %mul3A_410 = arith.constant 16 : i32
      %mul3A_411 = arith.muli %scan3A_366, %mul3A_410 : i32
      %add3A_412 = arith.constant 128 : i32
      %add3A_413 = arith.addi %add3A_412, %mul3A_411 : i32
      %swap3A = arith.index_cast %add3A_413 : i32 to index
      %swap3A_414 = tpu.vector_load %arg14[%swap3A] {strides = array<i32>} : memref<512xf32, #tpu.memory_space<vmem>>, vector<16xf32>,
      tpu.vector_store %arg14[%swap3A], %mul3A_409 {strides = array<i32>} : memref<512xf32, #tpu.memory_space<vmem>>, vector<16xf32>,
      %scan3A_415 = arith.constant 0 : i32
      scf.yield %scan3A_415 : i32
    }
    %scan3A_241 = arith.constant 8 : i32
    %dma_start3A_242 = arith.constant 3 : i32
    %dma_start3A_243 = arith.constant 1 : i32
    %dma_start3A_244 = arith.constant 0 : i32
    %dma_start3A_245 = arith.constant 0 : i32
    %dma_start3A_246 = tpu.memref_slice %arg11[%dma_start3A_243, %dma_start3A_244, %dma_start3A_245] : memref<2x128x128xf32, #tpu.memory_space<vmem>> -> memref<1x128x128xf32, #tpu.memory_space<vmem>>
    %dma_start3A_247 = tpu.memref_squeeze %dma_start3A_246 : memref<1x128x128xf32, #tpu.memory_space<vmem>> -> memref<128x128xf32, #tpu.memory_space<vmem>>
    %dma_start3A_248 = arith.constant 0 : i32
    %dma_start3A_249 = tpu.memref_slice %arg8[%dma_start3A_242, %dma_start3A_248] : memref<4x128xi32, #tpu.memory_space<vmem>> -> memref<1x128xi32, #tpu.memory_space<vmem>>
    %dma_start3A_250 = tpu.memref_squeeze %dma_start3A_249 : memref<1x128xi32, #tpu.memory_space<vmem>> -> memref<128xi32, #tpu.memory_space<vmem>>
    %dma_start3A_251 = arith.constant 0 : i32
    %dma_start3A_252 = arith.constant 0 : i32
    %dma_start3A_253 = tpu.memref_slice %arg5[%dma_start3A_251, %dma_start3A_252] : memref<1000000x128xf32, #tpu.memory_space<hbm>> -> memref<1000000x128xf32, #tpu.memory_space<hbm>>
    tpu.enqueue_indirect_dma source(%dma_start3A_253 : memref<1000000x128xf32, #tpu.memory_space<hbm>>) target(%dma_start3A_247 : memref<128x128xf32, #tpu.memory_space<vmem>>) offsets(%dma_start3A_250 : memref<128xi32, #tpu.memory_space<vmem>>) semaphore(%arg17 : memref<!tpu.dma_semaphore, #tpu.memory_space<semaphore_mem>>)
    %dma_start3A_254 = arith.constant 3 : i32
    %dma_start3A_255 = arith.constant 1 : i32
    %dma_start3A_256 = arith.constant 0 : i32
    %dma_start3A_257 = arith.constant 0 : i32
    %dma_start3A_258 = tpu.memref_slice %arg12[%dma_start3A_255, %dma_start3A_256, %dma_start3A_257] : memref<2x128x128xf32, #tpu.memory_space<vmem>> -> memref<1x128x128xf32, #tpu.memory_space<vmem>>
    %dma_start3A_259 = tpu.memref_squeeze %dma_start3A_258 : memref<1x128x128xf32, #tpu.memory_space<vmem>> -> memref<128x128xf32, #tpu.memory_space<vmem>>
    %dma_start3A_260 = arith.constant 0 : i32
    %dma_start3A_261 = tpu.memref_slice %arg9[%dma_start3A_254, %dma_start3A_260] : memref<4x128xi32, #tpu.memory_space<vmem>> -> memref<1x128xi32, #tpu.memory_space<vmem>>
    %dma_start3A_262 = tpu.memref_squeeze %dma_start3A_261 : memref<1x128xi32, #tpu.memory_space<vmem>> -> memref<128xi32, #tpu.memory_space<vmem>>
    %dma_start3A_263 = arith.constant 0 : i32
    %dma_start3A_264 = arith.constant 0 : i32
    %dma_start3A_265 = tpu.memref_slice %arg15[%dma_start3A_263, %dma_start3A_264] : memref<1000x128xf32, #tpu.memory_space<vmem_shared>> -> memref<1000x128xf32, #tpu.memory_space<vmem_shared>>
    tpu.enqueue_indirect_dma source(%dma_start3A_265 : memref<1000x128xf32, #tpu.memory_space<vmem_shared>>) target(%dma_start3A_259 : memref<128x128xf32, #tpu.memory_space<vmem>>) offsets(%dma_start3A_262 : memref<128xi32, #tpu.memory_space<vmem>>) semaphore(%arg19 : memref<!tpu.dma_semaphore, #tpu.memory_space<semaphore_mem>>)
    %dma_start3A_266 = arith.constant 3 : i32
    %dma_start3A_267 = arith.constant 1 : i32
    %dma_start3A_268 = arith.constant 0 : i32
    %dma_start3A_269 = arith.constant 0 : i32
    %dma_start3A_270 = tpu.memref_slice %arg13[%dma_start3A_267, %dma_start3A_268, %dma_start3A_269] : memref<2x128x128xf32, #tpu.memory_space<vmem>> -> memref<1x128x128xf32, #tpu.memory_space<vmem>>
    %dma_start3A_271 = tpu.memref_squeeze %dma_start3A_270 : memref<1x128x128xf32, #tpu.memory_space<vmem>> -> memref<128x128xf32, #tpu.memory_space<vmem>>
    %dma_start3A_272 = arith.constant 0 : i32
    %dma_start3A_273 = tpu.memref_slice %arg10[%dma_start3A_266, %dma_start3A_272] : memref<4x128xi32, #tpu.memory_space<vmem>> -> memref<1x128xi32, #tpu.memory_space<vmem>>
    %dma_start3A_274 = tpu.memref_squeeze %dma_start3A_273 : memref<1x128xi32, #tpu.memory_space<vmem>> -> memref<128xi32, #tpu.memory_space<vmem>>
    %dma_start3A_275 = arith.constant 0 : i32
    %dma_start3A_276 = arith.constant 0 : i32
    %dma_start3A_277 = tpu.memref_slice %arg5[%dma_start3A_275, %dma_start3A_276] : memref<1000000x128xf32, #tpu.memory_space<hbm>> -> memref<1000000x128xf32, #tpu.memory_space<hbm>>
    tpu.enqueue_indirect_dma source(%dma_start3A_277 : memref<1000000x128xf32, #tpu.memory_space<hbm>>) target(%dma_start3A_271 : memref<128x128xf32, #tpu.memory_space<vmem>>) offsets(%dma_start3A_274 : memref<128xi32, #tpu.memory_space<vmem>>) semaphore(%arg21 : memref<!tpu.dma_semaphore, #tpu.memory_space<semaphore_mem>>)
    %dma_wait3A_278 = arith.constant 2 : i32
    %dma_wait3A_279 = arith.constant 0 : i32
    %dma_wait3A_280 = arith.constant 0 : i32
    %dma_wait3A_281 = arith.constant 0 : i32
    %dma_wait3A_282 = tpu.memref_slice %arg11[%dma_wait3A_279, %dma_wait3A_280, %dma_wait3A_281] : memref<2x128x128xf32, #tpu.memory_space<vmem>> -> memref<1x128x128xf32, #tpu.memory_space<vmem>>
    %dma_wait3A_283 = tpu.memref_squeeze %dma_wait3A_282 : memref<1x128x128xf32, #tpu.memory_space<vmem>> -> memref<128x128xf32, #tpu.memory_space<vmem>>
    %dma_wait3A_284 = arith.constant 0 : i32
    %dma_wait3A_285 = tpu.memref_slice %arg8[%dma_wait3A_278, %dma_wait3A_284] : memref<4x128xi32, #tpu.memory_space<vmem>> -> memref<1x128xi32, #tpu.memory_space<vmem>>
    %dma_wait3A_286 = tpu.memref_squeeze %dma_wait3A_285 : memref<1x128xi32, #tpu.memory_space<vmem>> -> memref<128xi32, #tpu.memory_space<vmem>>
    %dma_wait3A_287 = arith.constant 0 : i32
    %dma_wait3A_288 = arith.constant 0 : i32
    %dma_wait3A_289 = tpu.memref_slice %arg5[%dma_wait3A_287, %dma_wait3A_288] : memref<1000000x128xf32, #tpu.memory_space<hbm>> -> memref<1000000x128xf32, #tpu.memory_space<hbm>>
    tpu.wait_indirect_dma semaphore(%arg16 : memref<!tpu.dma_semaphore, #tpu.memory_space<semaphore_mem>>) src(%dma_wait3A_289 : memref<1000000x128xf32, #tpu.memory_space<hbm>>) dst(%dma_wait3A_283 : memref<128x128xf32, #tpu.memory_space<vmem>>)
    %dma_wait3A_290 = arith.constant 2 : i32
    %dma_wait3A_291 = arith.constant 0 : i32
    %dma_wait3A_292 = arith.constant 0 : i32
    %dma_wait3A_293 = arith.constant 0 : i32
    %dma_wait3A_294 = tpu.memref_slice %arg12[%dma_wait3A_291, %dma_wait3A_292, %dma_wait3A_293] : memref<2x128x128xf32, #tpu.memory_space<vmem>> -> memref<1x128x128xf32, #tpu.memory_space<vmem>>
    %dma_wait3A_295 = tpu.memref_squeeze %dma_wait3A_294 : memref<1x128x128xf32, #tpu.memory_space<vmem>> -> memref<128x128xf32, #tpu.memory_space<vmem>>
    %dma_wait3A_296 = arith.constant 0 : i32
    %dma_wait3A_297 = tpu.memref_slice %arg9[%dma_wait3A_290, %dma_wait3A_296] : memref<4x128xi32, #tpu.memory_space<vmem>> -> memref<1x128xi32, #tpu.memory_space<vmem>>
    %dma_wait3A_298 = tpu.memref_squeeze %dma_wait3A_297 : memref<1x128xi32, #tpu.memory_space<vmem>> -> memref<128xi32, #tpu.memory_space<vmem>>
    %dma_wait3A_299 = arith.constant 0 : i32
    %dma_wait3A_300 = arith.constant 0 : i32
    %dma_wait3A_301 = tpu.memref_slice %arg15[%dma_wait3A_299, %dma_wait3A_300] : memref<1000x128xf32, #tpu.memory_space<vmem_shared>> -> memref<1000x128xf32, #tpu.memory_space<vmem_shared>>
    tpu.wait_indirect_dma semaphore(%arg18 : memref<!tpu.dma_semaphore, #tpu.memory_space<semaphore_mem>>) src(%dma_wait3A_301 : memref<1000x128xf32, #tpu.memory_space<vmem_shared>>) dst(%dma_wait3A_295 : memref<128x128xf32, #tpu.memory_space<vmem>>)
    %dma_wait3A_302 = arith.constant 2 : i32
    %dma_wait3A_303 = arith.constant 0 : i32
    %dma_wait3A_304 = arith.constant 0 : i32
    %dma_wait3A_305 = arith.constant 0 : i32
    %dma_wait3A_306 = tpu.memref_slice %arg13[%dma_wait3A_303, %dma_wait3A_304, %dma_wait3A_305] : memref<2x128x128xf32, #tpu.memory_space<vmem>> -> memref<1x128x128xf32, #tpu.memory_space<vmem>>
    %dma_wait3A_307 = tpu.memref_squeeze %dma_wait3A_306 : memref<1x128x128xf32, #tpu.memory_space<vmem>> -> memref<128x128xf32, #tpu.memory_space<vmem>>
    %dma_wait3A_308 = arith.constant 0 : i32
    %dma_wait3A_309 = tpu.memref_slice %arg10[%dma_wait3A_302, %dma_wait3A_308] : memref<4x128xi32, #tpu.memory_space<vmem>> -> memref<1x128xi32, #tpu.memory_space<vmem>>
    %dma_wait3A_310 = tpu.memref_squeeze %dma_wait3A_309 : memref<1x128xi32, #tpu.memory_space<vmem>> -> memref<128xi32, #tpu.memory_space<vmem>>
    %dma_wait3A_311 = arith.constant 0 : i32
    %dma_wait3A_312 = arith.constant 0 : i32
    %dma_wait3A_313 = tpu.memref_slice %arg5[%dma_wait3A_311, %dma_wait3A_312] : memref<1000000x128xf32, #tpu.memory_space<hbm>> -> memref<1000000x128xf32, #tpu.memory_space<hbm>>
    tpu.wait_indirect_dma semaphore(%arg20 : memref<!tpu.dma_semaphore, #tpu.memory_space<semaphore_mem>>) src(%dma_wait3A_313 : memref<1000000x128xf32, #tpu.memory_space<hbm>>) dst(%dma_wait3A_307 : memref<128x128xf32, #tpu.memory_space<vmem>>)
    %scan3A_314 = arith.constant 0 : i32
    %scan3A_315 = arith.constant 0 : i32
    %scan3A_316 = arith.constant 8 : i32
    %scan3A_317 = arith.addi %scan3A_315, %scan3A_316 : i32
    %scan3A_318 = arith.constant 1 : i32
    %scan3A_319 = scf.for %scan3A_366 = %scan3A_315 to %scan3A_317 step %scan3A_318 iter_args(%scan3A_367 = %scan3A_314) -> (i32)  : i32 {
      %mul3A_368 = arith.constant 16 : i32
      %mul3A_369 = arith.muli %scan3A_366, %mul3A_368 : i32
      %add3A_370 = arith.constant 1 : i32
      %add3A_371 = arith.addi %scan3A_366, %add3A_370 : i32
      %mul3A_372 = arith.constant 16 : i32
      %mul3A_373 = arith.muli %add3A_371, %mul3A_372 : i32
      %broadcast_in_dim3A = arith.constant 0.000000e+00 : f32
      %broadcast_in_dim3A_374 = vector.broadcast %broadcast_in_dim3A : f32 to vector<16xf32>
      %while3A = arith.subi %mul3A_373, %mul3A_369 : i32
      %while3A_375 = arith.addi %mul3A_369, %while3A : i32
      %while3A_376 = arith.constant 1 : i32
      %while3A_377 = arith.divsi %while3A, %while3A_376 : i32
      %while3A_378 = arith.muli %while3A_377, %while3A_376 : i32
      %while3A_379 = arith.addi %mul3A_369, %while3A_378 : i32
      %while3A_380 = arith.constant 1 : i32
      %while3A_381 = scf.for %while3A_416 = %mul3A_369 to %while3A_379 step %while3A_380 iter_args(%while3A_417 = %broadcast_in_dim3A_374) -> (vector<16xf32>)  : i32 {
        %broadcast_in_dim3A_418 = arith.constant 0.000000e+00 : f32
        %broadcast_in_dim3A_419 = vector.broadcast %broadcast_in_dim3A_418 : f32 to vector<16xf32>
        %broadcast_in_dim3A_420 = arith.constant 0.000000e+00 : f32
        %broadcast_in_dim3A_421 = vector.broadcast %broadcast_in_dim3A_420 : f32 to vector<16xf32>
        %get3A = arith.constant 0 : i32
        %get3A_422 = arith.index_cast %get3A : i32 to index
        %get3A_423 = arith.index_cast %while3A_416 : i32 to index
        %get3A_424 = arith.constant 0 : index
        %get3A_425 = tpu.vector_load %arg11[%get3A_422, %get3A_423, %get3A_424] {strides = array<i32>} : memref<2x128x128xf32, #tpu.memory_space<vmem>>, vector<16xf32>,
        %get3A_426 = arith.constant 0 : i32
        %get3A_427 = arith.index_cast %get3A_426 : i32 to index
        %get3A_428 = arith.index_cast %while3A_416 : i32 to index
        %get3A_429 = arith.constant 0 : index
        %get3A_430 = tpu.vector_load %arg12[%get3A_427, %get3A_428, %get3A_429] {strides = array<i32>} : memref<2x128x128xf32, #tpu.memory_space<vmem>>, vector<16xf32>,
        %get3A_431 = arith.constant 0 : i32
        %get3A_432 = arith.index_cast %get3A_431 : i32 to index
        %get3A_433 = arith.index_cast %while3A_416 : i32 to index
        %get3A_434 = arith.constant 0 : index
        %get3A_435 = tpu.vector_load %arg13[%get3A_432, %get3A_433, %get3A_434] {strides = array<i32>} : memref<2x128x128xf32, #tpu.memory_space<vmem>>, vector<16xf32>,
        %add3A_436 = arith.addf %get3A_425, %get3A_430 : vector<16xf32>
        %sub3A_437 = arith.subf %add3A_436, %get3A_435 : vector<16xf32>
        %mul3A_438 = arith.mulf %sub3A_437, %sub3A_437 : vector<16xf32>
        %add3A_439 = arith.addf %broadcast_in_dim3A_419, %mul3A_438 : vector<16xf32>
        %get3A_440 = arith.constant 0 : i32
        %get3A_441 = arith.index_cast %get3A_440 : i32 to index
        %get3A_442 = arith.index_cast %while3A_416 : i32 to index
        %get3A_443 = arith.constant 16 : index
        %get3A_444 = tpu.vector_load %arg11[%get3A_441, %get3A_442, %get3A_443] {strides = array<i32>} : memref<2x128x128xf32, #tpu.memory_space<vmem>>, vector<16xf32>,
        %get3A_445 = arith.constant 0 : i32
        %get3A_446 = arith.index_cast %get3A_445 : i32 to index
        %get3A_447 = arith.index_cast %while3A_416 : i32 to index
        %get3A_448 = arith.constant 16 : index
        %get3A_449 = tpu.vector_load %arg12[%get3A_446, %get3A_447, %get3A_448] {strides = array<i32>} : memref<2x128x128xf32, #tpu.memory_space<vmem>>, vector<16xf32>,
        %get3A_450 = arith.constant 0 : i32
        %get3A_451 = arith.index_cast %get3A_450 : i32 to index
        %get3A_452 = arith.index_cast %while3A_416 : i32 to index
        %get3A_453 = arith.constant 16 : index
        %get3A_454 = tpu.vector_load %arg13[%get3A_451, %get3A_452, %get3A_453] {strides = array<i32>} : memref<2x128x128xf32, #tpu.memory_space<vmem>>, vector<16xf32>,
        %add3A_455 = arith.addf %get3A_444, %get3A_449 : vector<16xf32>
        %sub3A_456 = arith.subf %add3A_455, %get3A_454 : vector<16xf32>
        %mul3A_457 = arith.mulf %sub3A_456, %sub3A_456 : vector<16xf32>
        %add3A_458 = arith.addf %broadcast_in_dim3A_421, %mul3A_457 : vector<16xf32>
        %get3A_459 = arith.constant 0 : i32
        %get3A_460 = arith.index_cast %get3A_459 : i32 to index
        %get3A_461 = arith.index_cast %while3A_416 : i32 to index
        %get3A_462 = arith.constant 32 : index
        %get3A_463 = tpu.vector_load %arg11[%get3A_460, %get3A_461, %get3A_462] {strides = array<i32>} : memref<2x128x128xf32, #tpu.memory_space<vmem>>, vector<16xf32>,
        %get3A_464 = arith.constant 0 : i32
        %get3A_465 = arith.index_cast %get3A_464 : i32 to index
        %get3A_466 = arith.index_cast %while3A_416 : i32 to index
        %get3A_467 = arith.constant 32 : index
        %get3A_468 = tpu.vector_load %arg12[%get3A_465, %get3A_466, %get3A_467] {strides = array<i32>} : memref<2x128x128xf32, #tpu.memory_space<vmem>>, vector<16xf32>,
        %get3A_469 = arith.constant 0 : i32
        %get3A_470 = arith.index_cast %get3A_469 : i32 to index
        %get3A_471 = arith.index_cast %while3A_416 : i32 to index
        %get3A_472 = arith.constant 32 : index
        %get3A_473 = tpu.vector_load %arg13[%get3A_470, %get3A_471, %get3A_472] {strides = array<i32>} : memref<2x128x128xf32, #tpu.memory_space<vmem>>, vector<16xf32>,
        %add3A_474 = arith.addf %get3A_463, %get3A_468 : vector<16xf32>
        %sub3A_475 = arith.subf %add3A_474, %get3A_473 : vector<16xf32>
        %mul3A_476 = arith.mulf %sub3A_475, %sub3A_475 : vector<16xf32>
        %add3A_477 = arith.addf %add3A_439, %mul3A_476 : vector<16xf32>
        %get3A_478 = arith.constant 0 : i32
        %get3A_479 = arith.index_cast %get3A_478 : i32 to index
        %get3A_480 = arith.index_cast %while3A_416 : i32 to index
        %get3A_481 = arith.constant 48 : index
        %get3A_482 = tpu.vector_load %arg11[%get3A_479, %get3A_480, %get3A_481] {strides = array<i32>} : memref<2x128x128xf32, #tpu.memory_space<vmem>>, vector<16xf32>,
        %get3A_483 = arith.constant 0 : i32
        %get3A_484 = arith.index_cast %get3A_483 : i32 to index
        %get3A_485 = arith.index_cast %while3A_416 : i32 to index
        %get3A_486 = arith.constant 48 : index
        %get3A_487 = tpu.vector_load %arg12[%get3A_484, %get3A_485, %get3A_486] {strides = array<i32>} : memref<2x128x128xf32, #tpu.memory_space<vmem>>, vector<16xf32>,
        %get3A_488 = arith.constant 0 : i32
        %get3A_489 = arith.index_cast %get3A_488 : i32 to index
        %get3A_490 = arith.index_cast %while3A_416 : i32 to index
        %get3A_491 = arith.constant 48 : index
        %get3A_492 = tpu.vector_load %arg13[%get3A_489, %get3A_490, %get3A_491] {strides = array<i32>} : memref<2x128x128xf32, #tpu.memory_space<vmem>>, vector<16xf32>,
        %add3A_493 = arith.addf %get3A_482, %get3A_487 : vector<16xf32>
        %sub3A_494 = arith.subf %add3A_493, %get3A_492 : vector<16xf32>
        %mul3A_495 = arith.mulf %sub3A_494, %sub3A_494 : vector<16xf32>
        %add3A_496 = arith.addf %add3A_458, %mul3A_495 : vector<16xf32>
        %get3A_497 = arith.constant 0 : i32
        %get3A_498 = arith.index_cast %get3A_497 : i32 to index
        %get3A_499 = arith.index_cast %while3A_416 : i32 to index
        %get3A_500 = arith.constant 64 : index
        %get3A_501 = tpu.vector_load %arg11[%get3A_498, %get3A_499, %get3A_500] {strides = array<i32>} : memref<2x128x128xf32, #tpu.memory_space<vmem>>, vector<16xf32>,
        %get3A_502 = arith.constant 0 : i32
        %get3A_503 = arith.index_cast %get3A_502 : i32 to index
        %get3A_504 = arith.index_cast %while3A_416 : i32 to index
        %get3A_505 = arith.constant 64 : index
        %get3A_506 = tpu.vector_load %arg12[%get3A_503, %get3A_504, %get3A_505] {strides = array<i32>} : memref<2x128x128xf32, #tpu.memory_space<vmem>>, vector<16xf32>,
        %get3A_507 = arith.constant 0 : i32
        %get3A_508 = arith.index_cast %get3A_507 : i32 to index
        %get3A_509 = arith.index_cast %while3A_416 : i32 to index
        %get3A_510 = arith.constant 64 : index
        %get3A_511 = tpu.vector_load %arg13[%get3A_508, %get3A_509, %get3A_510] {strides = array<i32>} : memref<2x128x128xf32, #tpu.memory_space<vmem>>, vector<16xf32>,
        %add3A_512 = arith.addf %get3A_501, %get3A_506 : vector<16xf32>
        %sub3A_513 = arith.subf %add3A_512, %get3A_511 : vector<16xf32>
        %mul3A_514 = arith.mulf %sub3A_513, %sub3A_513 : vector<16xf32>
        %add3A_515 = arith.addf %add3A_477, %mul3A_514 : vector<16xf32>
        %get3A_516 = arith.constant 0 : i32
        %get3A_517 = arith.index_cast %get3A_516 : i32 to index
        %get3A_518 = arith.index_cast %while3A_416 : i32 to index
        %get3A_519 = arith.constant 80 : index
        %get3A_520 = tpu.vector_load %arg11[%get3A_517, %get3A_518, %get3A_519] {strides = array<i32>} : memref<2x128x128xf32, #tpu.memory_space<vmem>>, vector<16xf32>,
        %get3A_521 = arith.constant 0 : i32
        %get3A_522 = arith.index_cast %get3A_521 : i32 to index
        %get3A_523 = arith.index_cast %while3A_416 : i32 to index
        %get3A_524 = arith.constant 80 : index
        %get3A_525 = tpu.vector_load %arg12[%get3A_522, %get3A_523, %get3A_524] {strides = array<i32>} : memref<2x128x128xf32, #tpu.memory_space<vmem>>, vector<16xf32>,
        %get3A_526 = arith.constant 0 : i32
        %get3A_527 = arith.index_cast %get3A_526 : i32 to index
        %get3A_528 = arith.index_cast %while3A_416 : i32 to index
        %get3A_529 = arith.constant 80 : index
        %get3A_530 = tpu.vector_load %arg13[%get3A_527, %get3A_528, %get3A_529] {strides = array<i32>} : memref<2x128x128xf32, #tpu.memory_space<vmem>>, vector<16xf32>,
        %add3A_531 = arith.addf %get3A_520, %get3A_525 : vector<16xf32>
        %sub3A_532 = arith.subf %add3A_531, %get3A_530 : vector<16xf32>
        %mul3A_533 = arith.mulf %sub3A_532, %sub3A_532 : vector<16xf32>
        %add3A_534 = arith.addf %add3A_496, %mul3A_533 : vector<16xf32>
        %get3A_535 = arith.constant 0 : i32
        %get3A_536 = arith.index_cast %get3A_535 : i32 to index
        %get3A_537 = arith.index_cast %while3A_416 : i32 to index
        %get3A_538 = arith.constant 96 : index
        %get3A_539 = tpu.vector_load %arg11[%get3A_536, %get3A_537, %get3A_538] {strides = array<i32>} : memref<2x128x128xf32, #tpu.memory_space<vmem>>, vector<16xf32>,
        %get3A_540 = arith.constant 0 : i32
        %get3A_541 = arith.index_cast %get3A_540 : i32 to index
        %get3A_542 = arith.index_cast %while3A_416 : i32 to index
        %get3A_543 = arith.constant 96 : index
        %get3A_544 = tpu.vector_load %arg12[%get3A_541, %get3A_542, %get3A_543] {strides = array<i32>} : memref<2x128x128xf32, #tpu.memory_space<vmem>>, vector<16xf32>,
        %get3A_545 = arith.constant 0 : i32
        %get3A_546 = arith.index_cast %get3A_545 : i32 to index
        %get3A_547 = arith.index_cast %while3A_416 : i32 to index
        %get3A_548 = arith.constant 96 : index
        %get3A_549 = tpu.vector_load %arg13[%get3A_546, %get3A_547, %get3A_548] {strides = array<i32>} : memref<2x128x128xf32, #tpu.memory_space<vmem>>, vector<16xf32>,
        %add3A_550 = arith.addf %get3A_539, %get3A_544 : vector<16xf32>
        %sub3A_551 = arith.subf %add3A_550, %get3A_549 : vector<16xf32>
        %mul3A_552 = arith.mulf %sub3A_551, %sub3A_551 : vector<16xf32>
        %add3A_553 = arith.addf %add3A_515, %mul3A_552 : vector<16xf32>
        %get3A_554 = arith.constant 0 : i32
        %get3A_555 = arith.index_cast %get3A_554 : i32 to index
        %get3A_556 = arith.index_cast %while3A_416 : i32 to index
        %get3A_557 = arith.constant 112 : index
        %get3A_558 = tpu.vector_load %arg11[%get3A_555, %get3A_556, %get3A_557] {strides = array<i32>} : memref<2x128x128xf32, #tpu.memory_space<vmem>>, vector<16xf32>,
        %get3A_559 = arith.constant 0 : i32
        %get3A_560 = arith.index_cast %get3A_559 : i32 to index
        %get3A_561 = arith.index_cast %while3A_416 : i32 to index
        %get3A_562 = arith.constant 112 : index
        %get3A_563 = tpu.vector_load %arg12[%get3A_560, %get3A_561, %get3A_562] {strides = array<i32>} : memref<2x128x128xf32, #tpu.memory_space<vmem>>, vector<16xf32>,
        %get3A_564 = arith.constant 0 : i32
        %get3A_565 = arith.index_cast %get3A_564 : i32 to index
        %get3A_566 = arith.index_cast %while3A_416 : i32 to index
        %get3A_567 = arith.constant 112 : index
        %get3A_568 = tpu.vector_load %arg13[%get3A_565, %get3A_566, %get3A_567] {strides = array<i32>} : memref<2x128x128xf32, #tpu.memory_space<vmem>>, vector<16xf32>,
        %add3A_569 = arith.addf %get3A_558, %get3A_563 : vector<16xf32>
        %sub3A_570 = arith.subf %add3A_569, %get3A_568 : vector<16xf32>
        %mul3A_571 = arith.mulf %sub3A_570, %sub3A_570 : vector<16xf32>
        %add3A_572 = arith.addf %add3A_534, %mul3A_571 : vector<16xf32>
        %add3A_573 = arith.addf %add3A_553, %add3A_572 : vector<16xf32>
        %reduce_sum3A = arith.constant true
        %reduce_sum3A_574 = vector.broadcast %reduce_sum3A : i1 to vector<16xi1>
        %reduce_sum3A_575 = tpu.scan <sum>, %add3A_573 masked %reduce_sum3A_574 : vector<16xf32>, vector<16xi1> -> vector<16xf32>
        %reduce_sum3A_576 = vector.extract %reduce_sum3A_575[15] : f32 from vector<16xf32>
        %rem3A = arith.constant 16 : i32
        %rem3A_577 = arith.remsi %while3A_416, %rem3A : i32
        %eq3A_578 = vector.broadcast %rem3A_577 : i32 to vector<16xi32>
        %eq3A_579 = arith.cmpi eq, %iota3A, %eq3A_578 : vector<16xi32>
        %broadcast_in_dim3A_580 = vector.broadcast %reduce_sum3A_576 : f32 to vector<16xf32>
        %select_n3A = arith.select %eq3A_579, %broadcast_in_dim3A_580, %while3A_417 : vector<16xi1>, vector<16xf32>
        scf.yield %select_n3A : vector<16xf32>
      }
      %while3A_382 = arith.constant 1 : i32
      %while3A_383 = scf.for %while3A_416 = %while3A_379 to %while3A_375 step %while3A_382 iter_args(%while3A_417 = %while3A_381) -> (vector<16xf32>)  : i32 {
        %broadcast_in_dim3A_418 = arith.constant 0.000000e+00 : f32
        %broadcast_in_dim3A_419 = vector.broadcast %broadcast_in_dim3A_418 : f32 to vector<16xf32>
        %broadcast_in_dim3A_420 = arith.constant 0.000000e+00 : f32
        %broadcast_in_dim3A_421 = vector.broadcast %broadcast_in_dim3A_420 : f32 to vector<16xf32>
        %get3A = arith.constant 0 : i32
        %get3A_422 = arith.index_cast %get3A : i32 to index
        %get3A_423 = arith.index_cast %while3A_416 : i32 to index
        %get3A_424 = arith.constant 0 : index
        %get3A_425 = tpu.vector_load %arg11[%get3A_422, %get3A_423, %get3A_424] {strides = array<i32>} : memref<2x128x128xf32, #tpu.memory_space<vmem>>, vector<16xf32>,
        %get3A_426 = arith.constant 0 : i32
        %get3A_427 = arith.index_cast %get3A_426 : i32 to index
        %get3A_428 = arith.index_cast %while3A_416 : i32 to index
        %get3A_429 = arith.constant 0 : index
        %get3A_430 = tpu.vector_load %arg12[%get3A_427, %get3A_428, %get3A_429] {strides = array<i32>} : memref<2x128x128xf32, #tpu.memory_space<vmem>>, vector<16xf32>,
        %get3A_431 = arith.constant 0 : i32
        %get3A_432 = arith.index_cast %get3A_431 : i32 to index
        %get3A_433 = arith.index_cast %while3A_416 : i32 to index
        %get3A_434 = arith.constant 0 : index
        %get3A_435 = tpu.vector_load %arg13[%get3A_432, %get3A_433, %get3A_434] {strides = array<i32>} : memref<2x128x128xf32, #tpu.memory_space<vmem>>, vector<16xf32>,
        %add3A_436 = arith.addf %get3A_425, %get3A_430 : vector<16xf32>
        %sub3A_437 = arith.subf %add3A_436, %get3A_435 : vector<16xf32>
        %mul3A_438 = arith.mulf %sub3A_437, %sub3A_437 : vector<16xf32>
        %add3A_439 = arith.addf %broadcast_in_dim3A_419, %mul3A_438 : vector<16xf32>
        %get3A_440 = arith.constant 0 : i32
        %get3A_441 = arith.index_cast %get3A_440 : i32 to index
        %get3A_442 = arith.index_cast %while3A_416 : i32 to index
        %get3A_443 = arith.constant 16 : index
        %get3A_444 = tpu.vector_load %arg11[%get3A_441, %get3A_442, %get3A_443] {strides = array<i32>} : memref<2x128x128xf32, #tpu.memory_space<vmem>>, vector<16xf32>,
        %get3A_445 = arith.constant 0 : i32
        %get3A_446 = arith.index_cast %get3A_445 : i32 to index
        %get3A_447 = arith.index_cast %while3A_416 : i32 to index
        %get3A_448 = arith.constant 16 : index
        %get3A_449 = tpu.vector_load %arg12[%get3A_446, %get3A_447, %get3A_448] {strides = array<i32>} : memref<2x128x128xf32, #tpu.memory_space<vmem>>, vector<16xf32>,
        %get3A_450 = arith.constant 0 : i32
        %get3A_451 = arith.index_cast %get3A_450 : i32 to index
        %get3A_452 = arith.index_cast %while3A_416 : i32 to index
        %get3A_453 = arith.constant 16 : index
        %get3A_454 = tpu.vector_load %arg13[%get3A_451, %get3A_452, %get3A_453] {strides = array<i32>} : memref<2x128x128xf32, #tpu.memory_space<vmem>>, vector<16xf32>,
        %add3A_455 = arith.addf %get3A_444, %get3A_449 : vector<16xf32>
        %sub3A_456 = arith.subf %add3A_455, %get3A_454 : vector<16xf32>
        %mul3A_457 = arith.mulf %sub3A_456, %sub3A_456 : vector<16xf32>
        %add3A_458 = arith.addf %broadcast_in_dim3A_421, %mul3A_457 : vector<16xf32>
        %get3A_459 = arith.constant 0 : i32
        %get3A_460 = arith.index_cast %get3A_459 : i32 to index
        %get3A_461 = arith.index_cast %while3A_416 : i32 to index
        %get3A_462 = arith.constant 32 : index
        %get3A_463 = tpu.vector_load %arg11[%get3A_460, %get3A_461, %get3A_462] {strides = array<i32>} : memref<2x128x128xf32, #tpu.memory_space<vmem>>, vector<16xf32>,
        %get3A_464 = arith.constant 0 : i32
        %get3A_465 = arith.index_cast %get3A_464 : i32 to index
        %get3A_466 = arith.index_cast %while3A_416 : i32 to index
        %get3A_467 = arith.constant 32 : index
        %get3A_468 = tpu.vector_load %arg12[%get3A_465, %get3A_466, %get3A_467] {strides = array<i32>} : memref<2x128x128xf32, #tpu.memory_space<vmem>>, vector<16xf32>,
        %get3A_469 = arith.constant 0 : i32
        %get3A_470 = arith.index_cast %get3A_469 : i32 to index
        %get3A_471 = arith.index_cast %while3A_416 : i32 to index
        %get3A_472 = arith.constant 32 : index
        %get3A_473 = tpu.vector_load %arg13[%get3A_470, %get3A_471, %get3A_472] {strides = array<i32>} : memref<2x128x128xf32, #tpu.memory_space<vmem>>, vector<16xf32>,
        %add3A_474 = arith.addf %get3A_463, %get3A_468 : vector<16xf32>
        %sub3A_475 = arith.subf %add3A_474, %get3A_473 : vector<16xf32>
        %mul3A_476 = arith.mulf %sub3A_475, %sub3A_475 : vector<16xf32>
        %add3A_477 = arith.addf %add3A_439, %mul3A_476 : vector<16xf32>
        %get3A_478 = arith.constant 0 : i32
        %get3A_479 = arith.index_cast %get3A_478 : i32 to index
        %get3A_480 = arith.index_cast %while3A_416 : i32 to index
        %get3A_481 = arith.constant 48 : index
        %get3A_482 = tpu.vector_load %arg11[%get3A_479, %get3A_480, %get3A_481] {strides = array<i32>} : memref<2x128x128xf32, #tpu.memory_space<vmem>>, vector<16xf32>,
        %get3A_483 = arith.constant 0 : i32
        %get3A_484 = arith.index_cast %get3A_483 : i32 to index
        %get3A_485 = arith.index_cast %while3A_416 : i32 to index
        %get3A_486 = arith.constant 48 : index
        %get3A_487 = tpu.vector_load %arg12[%get3A_484, %get3A_485, %get3A_486] {strides = array<i32>} : memref<2x128x128xf32, #tpu.memory_space<vmem>>, vector<16xf32>,
        %get3A_488 = arith.constant 0 : i32
        %get3A_489 = arith.index_cast %get3A_488 : i32 to index
        %get3A_490 = arith.index_cast %while3A_416 : i32 to index
        %get3A_491 = arith.constant 48 : index
        %get3A_492 = tpu.vector_load %arg13[%get3A_489, %get3A_490, %get3A_491] {strides = array<i32>} : memref<2x128x128xf32, #tpu.memory_space<vmem>>, vector<16xf32>,
        %add3A_493 = arith.addf %get3A_482, %get3A_487 : vector<16xf32>
        %sub3A_494 = arith.subf %add3A_493, %get3A_492 : vector<16xf32>
        %mul3A_495 = arith.mulf %sub3A_494, %sub3A_494 : vector<16xf32>
        %add3A_496 = arith.addf %add3A_458, %mul3A_495 : vector<16xf32>
        %get3A_497 = arith.constant 0 : i32
        %get3A_498 = arith.index_cast %get3A_497 : i32 to index
        %get3A_499 = arith.index_cast %while3A_416 : i32 to index
        %get3A_500 = arith.constant 64 : index
        %get3A_501 = tpu.vector_load %arg11[%get3A_498, %get3A_499, %get3A_500] {strides = array<i32>} : memref<2x128x128xf32, #tpu.memory_space<vmem>>, vector<16xf32>,
        %get3A_502 = arith.constant 0 : i32
        %get3A_503 = arith.index_cast %get3A_502 : i32 to index
        %get3A_504 = arith.index_cast %while3A_416 : i32 to index
        %get3A_505 = arith.constant 64 : index
        %get3A_506 = tpu.vector_load %arg12[%get3A_503, %get3A_504, %get3A_505] {strides = array<i32>} : memref<2x128x128xf32, #tpu.memory_space<vmem>>, vector<16xf32>,
        %get3A_507 = arith.constant 0 : i32
        %get3A_508 = arith.index_cast %get3A_507 : i32 to index
        %get3A_509 = arith.index_cast %while3A_416 : i32 to index
        %get3A_510 = arith.constant 64 : index
        %get3A_511 = tpu.vector_load %arg13[%get3A_508, %get3A_509, %get3A_510] {strides = array<i32>} : memref<2x128x128xf32, #tpu.memory_space<vmem>>, vector<16xf32>,
        %add3A_512 = arith.addf %get3A_501, %get3A_506 : vector<16xf32>
        %sub3A_513 = arith.subf %add3A_512, %get3A_511 : vector<16xf32>
        %mul3A_514 = arith.mulf %sub3A_513, %sub3A_513 : vector<16xf32>
        %add3A_515 = arith.addf %add3A_477, %mul3A_514 : vector<16xf32>
        %get3A_516 = arith.constant 0 : i32
        %get3A_517 = arith.index_cast %get3A_516 : i32 to index
        %get3A_518 = arith.index_cast %while3A_416 : i32 to index
        %get3A_519 = arith.constant 80 : index
        %get3A_520 = tpu.vector_load %arg11[%get3A_517, %get3A_518, %get3A_519] {strides = array<i32>} : memref<2x128x128xf32, #tpu.memory_space<vmem>>, vector<16xf32>,
        %get3A_521 = arith.constant 0 : i32
        %get3A_522 = arith.index_cast %get3A_521 : i32 to index
        %get3A_523 = arith.index_cast %while3A_416 : i32 to index
        %get3A_524 = arith.constant 80 : index
        %get3A_525 = tpu.vector_load %arg12[%get3A_522, %get3A_523, %get3A_524] {strides = array<i32>} : memref<2x128x128xf32, #tpu.memory_space<vmem>>, vector<16xf32>,
        %get3A_526 = arith.constant 0 : i32
        %get3A_527 = arith.index_cast %get3A_526 : i32 to index
        %get3A_528 = arith.index_cast %while3A_416 : i32 to index
        %get3A_529 = arith.constant 80 : index
        %get3A_530 = tpu.vector_load %arg13[%get3A_527, %get3A_528, %get3A_529] {strides = array<i32>} : memref<2x128x128xf32, #tpu.memory_space<vmem>>, vector<16xf32>,
        %add3A_531 = arith.addf %get3A_520, %get3A_525 : vector<16xf32>
        %sub3A_532 = arith.subf %add3A_531, %get3A_530 : vector<16xf32>
        %mul3A_533 = arith.mulf %sub3A_532, %sub3A_532 : vector<16xf32>
        %add3A_534 = arith.addf %add3A_496, %mul3A_533 : vector<16xf32>
        %get3A_535 = arith.constant 0 : i32
        %get3A_536 = arith.index_cast %get3A_535 : i32 to index
        %get3A_537 = arith.index_cast %while3A_416 : i32 to index
        %get3A_538 = arith.constant 96 : index
        %get3A_539 = tpu.vector_load %arg11[%get3A_536, %get3A_537, %get3A_538] {strides = array<i32>} : memref<2x128x128xf32, #tpu.memory_space<vmem>>, vector<16xf32>,
        %get3A_540 = arith.constant 0 : i32
        %get3A_541 = arith.index_cast %get3A_540 : i32 to index
        %get3A_542 = arith.index_cast %while3A_416 : i32 to index
        %get3A_543 = arith.constant 96 : index
        %get3A_544 = tpu.vector_load %arg12[%get3A_541, %get3A_542, %get3A_543] {strides = array<i32>} : memref<2x128x128xf32, #tpu.memory_space<vmem>>, vector<16xf32>,
        %get3A_545 = arith.constant 0 : i32
        %get3A_546 = arith.index_cast %get3A_545 : i32 to index
        %get3A_547 = arith.index_cast %while3A_416 : i32 to index
        %get3A_548 = arith.constant 96 : index
        %get3A_549 = tpu.vector_load %arg13[%get3A_546, %get3A_547, %get3A_548] {strides = array<i32>} : memref<2x128x128xf32, #tpu.memory_space<vmem>>, vector<16xf32>,
        %add3A_550 = arith.addf %get3A_539, %get3A_544 : vector<16xf32>
        %sub3A_551 = arith.subf %add3A_550, %get3A_549 : vector<16xf32>
        %mul3A_552 = arith.mulf %sub3A_551, %sub3A_551 : vector<16xf32>
        %add3A_553 = arith.addf %add3A_515, %mul3A_552 : vector<16xf32>
        %get3A_554 = arith.constant 0 : i32
        %get3A_555 = arith.index_cast %get3A_554 : i32 to index
        %get3A_556 = arith.index_cast %while3A_416 : i32 to index
        %get3A_557 = arith.constant 112 : index
        %get3A_558 = tpu.vector_load %arg11[%get3A_555, %get3A_556, %get3A_557] {strides = array<i32>} : memref<2x128x128xf32, #tpu.memory_space<vmem>>, vector<16xf32>,
        %get3A_559 = arith.constant 0 : i32
        %get3A_560 = arith.index_cast %get3A_559 : i32 to index
        %get3A_561 = arith.index_cast %while3A_416 : i32 to index
        %get3A_562 = arith.constant 112 : index
        %get3A_563 = tpu.vector_load %arg12[%get3A_560, %get3A_561, %get3A_562] {strides = array<i32>} : memref<2x128x128xf32, #tpu.memory_space<vmem>>, vector<16xf32>,
        %get3A_564 = arith.constant 0 : i32
        %get3A_565 = arith.index_cast %get3A_564 : i32 to index
        %get3A_566 = arith.index_cast %while3A_416 : i32 to index
        %get3A_567 = arith.constant 112 : index
        %get3A_568 = tpu.vector_load %arg13[%get3A_565, %get3A_566, %get3A_567] {strides = array<i32>} : memref<2x128x128xf32, #tpu.memory_space<vmem>>, vector<16xf32>,
        %add3A_569 = arith.addf %get3A_558, %get3A_563 : vector<16xf32>
        %sub3A_570 = arith.subf %add3A_569, %get3A_568 : vector<16xf32>
        %mul3A_571 = arith.mulf %sub3A_570, %sub3A_570 : vector<16xf32>
        %add3A_572 = arith.addf %add3A_534, %mul3A_571 : vector<16xf32>
        %add3A_573 = arith.addf %add3A_553, %add3A_572 : vector<16xf32>
        %reduce_sum3A = arith.constant true
        %reduce_sum3A_574 = vector.broadcast %reduce_sum3A : i1 to vector<16xi1>
        %reduce_sum3A_575 = tpu.scan <sum>, %add3A_573 masked %reduce_sum3A_574 : vector<16xf32>, vector<16xi1> -> vector<16xf32>
        %reduce_sum3A_576 = vector.extract %reduce_sum3A_575[15] : f32 from vector<16xf32>
        %rem3A = arith.constant 16 : i32
        %rem3A_577 = arith.remsi %while3A_416, %rem3A : i32
        %eq3A_578 = vector.broadcast %rem3A_577 : i32 to vector<16xi32>
        %eq3A_579 = arith.cmpi eq, %iota3A, %eq3A_578 : vector<16xi32>
        %broadcast_in_dim3A_580 = vector.broadcast %reduce_sum3A_576 : f32 to vector<16xf32>
        %select_n3A = arith.select %eq3A_579, %broadcast_in_dim3A_580, %while3A_417 : vector<16xi1>, vector<16xf32>
        scf.yield %select_n3A : vector<16xf32>
      }
      %max3A = arith.constant 1.000000e-30 : f32
      %max3A_384 = vector.broadcast %max3A : f32 to vector<16xf32>
      %max3A_385 = arith.maximumf %while3A_383, %max3A_384 : vector<16xf32>
      %bitcast_convert_type3A = tpu.bitcast %max3A_385 : vector<16xf32> -> vector<16xi32>
      %shift_right_arithmetic3A = arith.constant 1 : i32
      %shift_right_arithmetic3A_386 = vector.broadcast %shift_right_arithmetic3A : i32 to vector<16xi32>
      %shift_right_arithmetic3A_387 = arith.shrsi %bitcast_convert_type3A, %shift_right_arithmetic3A_386 : vector<16xi32>
      %sub3A = arith.constant 1597463007 : i32
      %sub3A_388 = vector.broadcast %sub3A : i32 to vector<16xi32>
      %sub3A_389 = arith.subi %sub3A_388, %shift_right_arithmetic3A_387 : vector<16xi32>
      %bitcast_convert_type3A_390 = tpu.bitcast %sub3A_389 : vector<16xi32> -> vector<16xf32>
      %mul3A_391 = arith.constant 5.000000e-01 : f32
      %mul3A_392 = vector.broadcast %mul3A_391 : f32 to vector<16xf32>
      %mul3A_393 = arith.mulf %mul3A_392, %max3A_385 : vector<16xf32>
      %mul3A_394 = arith.mulf %mul3A_393, %bitcast_convert_type3A_390 : vector<16xf32>
      %mul3A_395 = arith.mulf %mul3A_394, %bitcast_convert_type3A_390 : vector<16xf32>
      %sub3A_396 = arith.constant 1.500000e+00 : f32
      %sub3A_397 = vector.broadcast %sub3A_396 : f32 to vector<16xf32>
      %sub3A_398 = arith.subf %sub3A_397, %mul3A_395 : vector<16xf32>
      %mul3A_399 = arith.mulf %bitcast_convert_type3A_390, %sub3A_398 : vector<16xf32>
      %mul3A_400 = arith.constant 5.000000e-01 : f32
      %mul3A_401 = vector.broadcast %mul3A_400 : f32 to vector<16xf32>
      %mul3A_402 = arith.mulf %mul3A_401, %max3A_385 : vector<16xf32>
      %mul3A_403 = arith.mulf %mul3A_402, %mul3A_399 : vector<16xf32>
      %mul3A_404 = arith.mulf %mul3A_403, %mul3A_399 : vector<16xf32>
      %sub3A_405 = arith.constant 1.500000e+00 : f32
      %sub3A_406 = vector.broadcast %sub3A_405 : f32 to vector<16xf32>
      %sub3A_407 = arith.subf %sub3A_406, %mul3A_404 : vector<16xf32>
      %mul3A_408 = arith.mulf %mul3A_399, %sub3A_407 : vector<16xf32>
      %mul3A_409 = arith.mulf %max3A_385, %mul3A_408 : vector<16xf32>
      %mul3A_410 = arith.constant 16 : i32
      %mul3A_411 = arith.muli %scan3A_366, %mul3A_410 : i32
      %add3A_412 = arith.constant 256 : i32
      %add3A_413 = arith.addi %add3A_412, %mul3A_411 : i32
      %swap3A = arith.index_cast %add3A_413 : i32 to index
      %swap3A_414 = tpu.vector_load %arg14[%swap3A] {strides = array<i32>} : memref<512xf32, #tpu.memory_space<vmem>>, vector<16xf32>,
      tpu.vector_store %arg14[%swap3A], %mul3A_409 {strides = array<i32>} : memref<512xf32, #tpu.memory_space<vmem>>, vector<16xf32>,
      %scan3A_415 = arith.constant 0 : i32
      scf.yield %scan3A_415 : i32
    }
    %scan3A_320 = arith.constant 8 : i32
    %dma_wait3A_321 = arith.constant 3 : i32
    %dma_wait3A_322 = arith.constant 1 : i32
    %dma_wait3A_323 = arith.constant 0 : i32
    %dma_wait3A_324 = arith.constant 0 : i32
    %dma_wait3A_325 = tpu.memref_slice %arg11[%dma_wait3A_322, %dma_wait3A_323, %dma_wait3A_324] : memref<2x128x128xf32, #tpu.memory_space<vmem>> -> memref<1x128x128xf32, #tpu.memory_space<vmem>>
    %dma_wait3A_326 = tpu.memref_squeeze %dma_wait3A_325 : memref<1x128x128xf32, #tpu.memory_space<vmem>> -> memref<128x128xf32, #tpu.memory_space<vmem>>
    %dma_wait3A_327 = arith.constant 0 : i32
    %dma_wait3A_328 = tpu.memref_slice %arg8[%dma_wait3A_321, %dma_wait3A_327] : memref<4x128xi32, #tpu.memory_space<vmem>> -> memref<1x128xi32, #tpu.memory_space<vmem>>
    %dma_wait3A_329 = tpu.memref_squeeze %dma_wait3A_328 : memref<1x128xi32, #tpu.memory_space<vmem>> -> memref<128xi32, #tpu.memory_space<vmem>>
    %dma_wait3A_330 = arith.constant 0 : i32
    %dma_wait3A_331 = arith.constant 0 : i32
    %dma_wait3A_332 = tpu.memref_slice %arg5[%dma_wait3A_330, %dma_wait3A_331] : memref<1000000x128xf32, #tpu.memory_space<hbm>> -> memref<1000000x128xf32, #tpu.memory_space<hbm>>
    tpu.wait_indirect_dma semaphore(%arg17 : memref<!tpu.dma_semaphore, #tpu.memory_space<semaphore_mem>>) src(%dma_wait3A_332 : memref<1000000x128xf32, #tpu.memory_space<hbm>>) dst(%dma_wait3A_326 : memref<128x128xf32, #tpu.memory_space<vmem>>)
    %dma_wait3A_333 = arith.constant 3 : i32
    %dma_wait3A_334 = arith.constant 1 : i32
    %dma_wait3A_335 = arith.constant 0 : i32
    %dma_wait3A_336 = arith.constant 0 : i32
    %dma_wait3A_337 = tpu.memref_slice %arg12[%dma_wait3A_334, %dma_wait3A_335, %dma_wait3A_336] : memref<2x128x128xf32, #tpu.memory_space<vmem>> -> memref<1x128x128xf32, #tpu.memory_space<vmem>>
    %dma_wait3A_338 = tpu.memref_squeeze %dma_wait3A_337 : memref<1x128x128xf32, #tpu.memory_space<vmem>> -> memref<128x128xf32, #tpu.memory_space<vmem>>
    %dma_wait3A_339 = arith.constant 0 : i32
    %dma_wait3A_340 = tpu.memref_slice %arg9[%dma_wait3A_333, %dma_wait3A_339] : memref<4x128xi32, #tpu.memory_space<vmem>> -> memref<1x128xi32, #tpu.memory_space<vmem>>
    %dma_wait3A_341 = tpu.memref_squeeze %dma_wait3A_340 : memref<1x128xi32, #tpu.memory_space<vmem>> -> memref<128xi32, #tpu.memory_space<vmem>>
    %dma_wait3A_342 = arith.constant 0 : i32
    %dma_wait3A_343 = arith.constant 0 : i32
    %dma_wait3A_344 = tpu.memref_slice %arg15[%dma_wait3A_342, %dma_wait3A_343] : memref<1000x128xf32, #tpu.memory_space<vmem_shared>> -> memref<1000x128xf32, #tpu.memory_space<vmem_shared>>
    tpu.wait_indirect_dma semaphore(%arg19 : memref<!tpu.dma_semaphore, #tpu.memory_space<semaphore_mem>>) src(%dma_wait3A_344 : memref<1000x128xf32, #tpu.memory_space<vmem_shared>>) dst(%dma_wait3A_338 : memref<128x128xf32, #tpu.memory_space<vmem>>)
    %dma_wait3A_345 = arith.constant 3 : i32
    %dma_wait3A_346 = arith.constant 1 : i32
    %dma_wait3A_347 = arith.constant 0 : i32
    %dma_wait3A_348 = arith.constant 0 : i32
    %dma_wait3A_349 = tpu.memref_slice %arg13[%dma_wait3A_346, %dma_wait3A_347, %dma_wait3A_348] : memref<2x128x128xf32, #tpu.memory_space<vmem>> -> memref<1x128x128xf32, #tpu.memory_space<vmem>>
    %dma_wait3A_350 = tpu.memref_squeeze %dma_wait3A_349 : memref<1x128x128xf32, #tpu.memory_space<vmem>> -> memref<128x128xf32, #tpu.memory_space<vmem>>
    %dma_wait3A_351 = arith.constant 0 : i32
    %dma_wait3A_352 = tpu.memref_slice %arg10[%dma_wait3A_345, %dma_wait3A_351] : memref<4x128xi32, #tpu.memory_space<vmem>> -> memref<1x128xi32, #tpu.memory_space<vmem>>
    %dma_wait3A_353 = tpu.memref_squeeze %dma_wait3A_352 : memref<1x128xi32, #tpu.memory_space<vmem>> -> memref<128xi32, #tpu.memory_space<vmem>>
    %dma_wait3A_354 = arith.constant 0 : i32
    %dma_wait3A_355 = arith.constant 0 : i32
    %dma_wait3A_356 = tpu.memref_slice %arg5[%dma_wait3A_354, %dma_wait3A_355] : memref<1000000x128xf32, #tpu.memory_space<hbm>> -> memref<1000000x128xf32, #tpu.memory_space<hbm>>
    tpu.wait_indirect_dma semaphore(%arg21 : memref<!tpu.dma_semaphore, #tpu.memory_space<semaphore_mem>>) src(%dma_wait3A_356 : memref<1000000x128xf32, #tpu.memory_space<hbm>>) dst(%dma_wait3A_350 : memref<128x128xf32, #tpu.memory_space<vmem>>)
    %scan3A_357 = arith.constant 0 : i32
    %scan3A_358 = arith.constant 0 : i32
    %scan3A_359 = arith.constant 8 : i32
    %scan3A_360 = arith.addi %scan3A_358, %scan3A_359 : i32
    %scan3A_361 = arith.constant 1 : i32
    %scan3A_362 = scf.for %scan3A_366 = %scan3A_358 to %scan3A_360 step %scan3A_361 iter_args(%scan3A_367 = %scan3A_357) -> (i32)  : i32 {
      %mul3A_368 = arith.constant 16 : i32
      %mul3A_369 = arith.muli %scan3A_366, %mul3A_368 : i32
      %add3A_370 = arith.constant 1 : i32
      %add3A_371 = arith.addi %scan3A_366, %add3A_370 : i32
      %mul3A_372 = arith.constant 16 : i32
      %mul3A_373 = arith.muli %add3A_371, %mul3A_372 : i32
      %broadcast_in_dim3A = arith.constant 0.000000e+00 : f32
      %broadcast_in_dim3A_374 = vector.broadcast %broadcast_in_dim3A : f32 to vector<16xf32>
      %while3A = arith.subi %mul3A_373, %mul3A_369 : i32
      %while3A_375 = arith.addi %mul3A_369, %while3A : i32
      %while3A_376 = arith.constant 1 : i32
      %while3A_377 = arith.divsi %while3A, %while3A_376 : i32
      %while3A_378 = arith.muli %while3A_377, %while3A_376 : i32
      %while3A_379 = arith.addi %mul3A_369, %while3A_378 : i32
      %while3A_380 = arith.constant 1 : i32
      %while3A_381 = scf.for %while3A_416 = %mul3A_369 to %while3A_379 step %while3A_380 iter_args(%while3A_417 = %broadcast_in_dim3A_374) -> (vector<16xf32>)  : i32 {
        %broadcast_in_dim3A_418 = arith.constant 0.000000e+00 : f32
        %broadcast_in_dim3A_419 = vector.broadcast %broadcast_in_dim3A_418 : f32 to vector<16xf32>
        %broadcast_in_dim3A_420 = arith.constant 0.000000e+00 : f32
        %broadcast_in_dim3A_421 = vector.broadcast %broadcast_in_dim3A_420 : f32 to vector<16xf32>
        %get3A = arith.constant 1 : i32
        %get3A_422 = arith.index_cast %get3A : i32 to index
        %get3A_423 = arith.index_cast %while3A_416 : i32 to index
        %get3A_424 = arith.constant 0 : index
        %get3A_425 = tpu.vector_load %arg11[%get3A_422, %get3A_423, %get3A_424] {strides = array<i32>} : memref<2x128x128xf32, #tpu.memory_space<vmem>>, vector<16xf32>,
        %get3A_426 = arith.constant 1 : i32
        %get3A_427 = arith.index_cast %get3A_426 : i32 to index
        %get3A_428 = arith.index_cast %while3A_416 : i32 to index
        %get3A_429 = arith.constant 0 : index
        %get3A_430 = tpu.vector_load %arg12[%get3A_427, %get3A_428, %get3A_429] {strides = array<i32>} : memref<2x128x128xf32, #tpu.memory_space<vmem>>, vector<16xf32>,
        %get3A_431 = arith.constant 1 : i32
        %get3A_432 = arith.index_cast %get3A_431 : i32 to index
        %get3A_433 = arith.index_cast %while3A_416 : i32 to index
        %get3A_434 = arith.constant 0 : index
        %get3A_435 = tpu.vector_load %arg13[%get3A_432, %get3A_433, %get3A_434] {strides = array<i32>} : memref<2x128x128xf32, #tpu.memory_space<vmem>>, vector<16xf32>,
        %add3A_436 = arith.addf %get3A_425, %get3A_430 : vector<16xf32>
        %sub3A_437 = arith.subf %add3A_436, %get3A_435 : vector<16xf32>
        %mul3A_438 = arith.mulf %sub3A_437, %sub3A_437 : vector<16xf32>
        %add3A_439 = arith.addf %broadcast_in_dim3A_419, %mul3A_438 : vector<16xf32>
        %get3A_440 = arith.constant 1 : i32
        %get3A_441 = arith.index_cast %get3A_440 : i32 to index
        %get3A_442 = arith.index_cast %while3A_416 : i32 to index
        %get3A_443 = arith.constant 16 : index
        %get3A_444 = tpu.vector_load %arg11[%get3A_441, %get3A_442, %get3A_443] {strides = array<i32>} : memref<2x128x128xf32, #tpu.memory_space<vmem>>, vector<16xf32>,
        %get3A_445 = arith.constant 1 : i32
        %get3A_446 = arith.index_cast %get3A_445 : i32 to index
        %get3A_447 = arith.index_cast %while3A_416 : i32 to index
        %get3A_448 = arith.constant 16 : index
        %get3A_449 = tpu.vector_load %arg12[%get3A_446, %get3A_447, %get3A_448] {strides = array<i32>} : memref<2x128x128xf32, #tpu.memory_space<vmem>>, vector<16xf32>,
        %get3A_450 = arith.constant 1 : i32
        %get3A_451 = arith.index_cast %get3A_450 : i32 to index
        %get3A_452 = arith.index_cast %while3A_416 : i32 to index
        %get3A_453 = arith.constant 16 : index
        %get3A_454 = tpu.vector_load %arg13[%get3A_451, %get3A_452, %get3A_453] {strides = array<i32>} : memref<2x128x128xf32, #tpu.memory_space<vmem>>, vector<16xf32>,
        %add3A_455 = arith.addf %get3A_444, %get3A_449 : vector<16xf32>
        %sub3A_456 = arith.subf %add3A_455, %get3A_454 : vector<16xf32>
        %mul3A_457 = arith.mulf %sub3A_456, %sub3A_456 : vector<16xf32>
        %add3A_458 = arith.addf %broadcast_in_dim3A_421, %mul3A_457 : vector<16xf32>
        %get3A_459 = arith.constant 1 : i32
        %get3A_460 = arith.index_cast %get3A_459 : i32 to index
        %get3A_461 = arith.index_cast %while3A_416 : i32 to index
        %get3A_462 = arith.constant 32 : index
        %get3A_463 = tpu.vector_load %arg11[%get3A_460, %get3A_461, %get3A_462] {strides = array<i32>} : memref<2x128x128xf32, #tpu.memory_space<vmem>>, vector<16xf32>,
        %get3A_464 = arith.constant 1 : i32
        %get3A_465 = arith.index_cast %get3A_464 : i32 to index
        %get3A_466 = arith.index_cast %while3A_416 : i32 to index
        %get3A_467 = arith.constant 32 : index
        %get3A_468 = tpu.vector_load %arg12[%get3A_465, %get3A_466, %get3A_467] {strides = array<i32>} : memref<2x128x128xf32, #tpu.memory_space<vmem>>, vector<16xf32>,
        %get3A_469 = arith.constant 1 : i32
        %get3A_470 = arith.index_cast %get3A_469 : i32 to index
        %get3A_471 = arith.index_cast %while3A_416 : i32 to index
        %get3A_472 = arith.constant 32 : index
        %get3A_473 = tpu.vector_load %arg13[%get3A_470, %get3A_471, %get3A_472] {strides = array<i32>} : memref<2x128x128xf32, #tpu.memory_space<vmem>>, vector<16xf32>,
        %add3A_474 = arith.addf %get3A_463, %get3A_468 : vector<16xf32>
        %sub3A_475 = arith.subf %add3A_474, %get3A_473 : vector<16xf32>
        %mul3A_476 = arith.mulf %sub3A_475, %sub3A_475 : vector<16xf32>
        %add3A_477 = arith.addf %add3A_439, %mul3A_476 : vector<16xf32>
        %get3A_478 = arith.constant 1 : i32
        %get3A_479 = arith.index_cast %get3A_478 : i32 to index
        %get3A_480 = arith.index_cast %while3A_416 : i32 to index
        %get3A_481 = arith.constant 48 : index
        %get3A_482 = tpu.vector_load %arg11[%get3A_479, %get3A_480, %get3A_481] {strides = array<i32>} : memref<2x128x128xf32, #tpu.memory_space<vmem>>, vector<16xf32>,
        %get3A_483 = arith.constant 1 : i32
        %get3A_484 = arith.index_cast %get3A_483 : i32 to index
        %get3A_485 = arith.index_cast %while3A_416 : i32 to index
        %get3A_486 = arith.constant 48 : index
        %get3A_487 = tpu.vector_load %arg12[%get3A_484, %get3A_485, %get3A_486] {strides = array<i32>} : memref<2x128x128xf32, #tpu.memory_space<vmem>>, vector<16xf32>,
        %get3A_488 = arith.constant 1 : i32
        %get3A_489 = arith.index_cast %get3A_488 : i32 to index
        %get3A_490 = arith.index_cast %while3A_416 : i32 to index
        %get3A_491 = arith.constant 48 : index
        %get3A_492 = tpu.vector_load %arg13[%get3A_489, %get3A_490, %get3A_491] {strides = array<i32>} : memref<2x128x128xf32, #tpu.memory_space<vmem>>, vector<16xf32>,
        %add3A_493 = arith.addf %get3A_482, %get3A_487 : vector<16xf32>
        %sub3A_494 = arith.subf %add3A_493, %get3A_492 : vector<16xf32>
        %mul3A_495 = arith.mulf %sub3A_494, %sub3A_494 : vector<16xf32>
        %add3A_496 = arith.addf %add3A_458, %mul3A_495 : vector<16xf32>
        %get3A_497 = arith.constant 1 : i32
        %get3A_498 = arith.index_cast %get3A_497 : i32 to index
        %get3A_499 = arith.index_cast %while3A_416 : i32 to index
        %get3A_500 = arith.constant 64 : index
        %get3A_501 = tpu.vector_load %arg11[%get3A_498, %get3A_499, %get3A_500] {strides = array<i32>} : memref<2x128x128xf32, #tpu.memory_space<vmem>>, vector<16xf32>,
        %get3A_502 = arith.constant 1 : i32
        %get3A_503 = arith.index_cast %get3A_502 : i32 to index
        %get3A_504 = arith.index_cast %while3A_416 : i32 to index
        %get3A_505 = arith.constant 64 : index
        %get3A_506 = tpu.vector_load %arg12[%get3A_503, %get3A_504, %get3A_505] {strides = array<i32>} : memref<2x128x128xf32, #tpu.memory_space<vmem>>, vector<16xf32>,
        %get3A_507 = arith.constant 1 : i32
        %get3A_508 = arith.index_cast %get3A_507 : i32 to index
        %get3A_509 = arith.index_cast %while3A_416 : i32 to index
        %get3A_510 = arith.constant 64 : index
        %get3A_511 = tpu.vector_load %arg13[%get3A_508, %get3A_509, %get3A_510] {strides = array<i32>} : memref<2x128x128xf32, #tpu.memory_space<vmem>>, vector<16xf32>,
        %add3A_512 = arith.addf %get3A_501, %get3A_506 : vector<16xf32>
        %sub3A_513 = arith.subf %add3A_512, %get3A_511 : vector<16xf32>
        %mul3A_514 = arith.mulf %sub3A_513, %sub3A_513 : vector<16xf32>
        %add3A_515 = arith.addf %add3A_477, %mul3A_514 : vector<16xf32>
        %get3A_516 = arith.constant 1 : i32
        %get3A_517 = arith.index_cast %get3A_516 : i32 to index
        %get3A_518 = arith.index_cast %while3A_416 : i32 to index
        %get3A_519 = arith.constant 80 : index
        %get3A_520 = tpu.vector_load %arg11[%get3A_517, %get3A_518, %get3A_519] {strides = array<i32>} : memref<2x128x128xf32, #tpu.memory_space<vmem>>, vector<16xf32>,
        %get3A_521 = arith.constant 1 : i32
        %get3A_522 = arith.index_cast %get3A_521 : i32 to index
        %get3A_523 = arith.index_cast %while3A_416 : i32 to index
        %get3A_524 = arith.constant 80 : index
        %get3A_525 = tpu.vector_load %arg12[%get3A_522, %get3A_523, %get3A_524] {strides = array<i32>} : memref<2x128x128xf32, #tpu.memory_space<vmem>>, vector<16xf32>,
        %get3A_526 = arith.constant 1 : i32
        %get3A_527 = arith.index_cast %get3A_526 : i32 to index
        %get3A_528 = arith.index_cast %while3A_416 : i32 to index
        %get3A_529 = arith.constant 80 : index
        %get3A_530 = tpu.vector_load %arg13[%get3A_527, %get3A_528, %get3A_529] {strides = array<i32>} : memref<2x128x128xf32, #tpu.memory_space<vmem>>, vector<16xf32>,
        %add3A_531 = arith.addf %get3A_520, %get3A_525 : vector<16xf32>
        %sub3A_532 = arith.subf %add3A_531, %get3A_530 : vector<16xf32>
        %mul3A_533 = arith.mulf %sub3A_532, %sub3A_532 : vector<16xf32>
        %add3A_534 = arith.addf %add3A_496, %mul3A_533 : vector<16xf32>
        %get3A_535 = arith.constant 1 : i32
        %get3A_536 = arith.index_cast %get3A_535 : i32 to index
        %get3A_537 = arith.index_cast %while3A_416 : i32 to index
        %get3A_538 = arith.constant 96 : index
        %get3A_539 = tpu.vector_load %arg11[%get3A_536, %get3A_537, %get3A_538] {strides = array<i32>} : memref<2x128x128xf32, #tpu.memory_space<vmem>>, vector<16xf32>,
        %get3A_540 = arith.constant 1 : i32
        %get3A_541 = arith.index_cast %get3A_540 : i32 to index
        %get3A_542 = arith.index_cast %while3A_416 : i32 to index
        %get3A_543 = arith.constant 96 : index
        %get3A_544 = tpu.vector_load %arg12[%get3A_541, %get3A_542, %get3A_543] {strides = array<i32>} : memref<2x128x128xf32, #tpu.memory_space<vmem>>, vector<16xf32>,
        %get3A_545 = arith.constant 1 : i32
        %get3A_546 = arith.index_cast %get3A_545 : i32 to index
        %get3A_547 = arith.index_cast %while3A_416 : i32 to index
        %get3A_548 = arith.constant 96 : index
        %get3A_549 = tpu.vector_load %arg13[%get3A_546, %get3A_547, %get3A_548] {strides = array<i32>} : memref<2x128x128xf32, #tpu.memory_space<vmem>>, vector<16xf32>,
        %add3A_550 = arith.addf %get3A_539, %get3A_544 : vector<16xf32>
        %sub3A_551 = arith.subf %add3A_550, %get3A_549 : vector<16xf32>
        %mul3A_552 = arith.mulf %sub3A_551, %sub3A_551 : vector<16xf32>
        %add3A_553 = arith.addf %add3A_515, %mul3A_552 : vector<16xf32>
        %get3A_554 = arith.constant 1 : i32
        %get3A_555 = arith.index_cast %get3A_554 : i32 to index
        %get3A_556 = arith.index_cast %while3A_416 : i32 to index
        %get3A_557 = arith.constant 112 : index
        %get3A_558 = tpu.vector_load %arg11[%get3A_555, %get3A_556, %get3A_557] {strides = array<i32>} : memref<2x128x128xf32, #tpu.memory_space<vmem>>, vector<16xf32>,
        %get3A_559 = arith.constant 1 : i32
        %get3A_560 = arith.index_cast %get3A_559 : i32 to index
        %get3A_561 = arith.index_cast %while3A_416 : i32 to index
        %get3A_562 = arith.constant 112 : index
        %get3A_563 = tpu.vector_load %arg12[%get3A_560, %get3A_561, %get3A_562] {strides = array<i32>} : memref<2x128x128xf32, #tpu.memory_space<vmem>>, vector<16xf32>,
        %get3A_564 = arith.constant 1 : i32
        %get3A_565 = arith.index_cast %get3A_564 : i32 to index
        %get3A_566 = arith.index_cast %while3A_416 : i32 to index
        %get3A_567 = arith.constant 112 : index
        %get3A_568 = tpu.vector_load %arg13[%get3A_565, %get3A_566, %get3A_567] {strides = array<i32>} : memref<2x128x128xf32, #tpu.memory_space<vmem>>, vector<16xf32>,
        %add3A_569 = arith.addf %get3A_558, %get3A_563 : vector<16xf32>
        %sub3A_570 = arith.subf %add3A_569, %get3A_568 : vector<16xf32>
        %mul3A_571 = arith.mulf %sub3A_570, %sub3A_570 : vector<16xf32>
        %add3A_572 = arith.addf %add3A_534, %mul3A_571 : vector<16xf32>
        %add3A_573 = arith.addf %add3A_553, %add3A_572 : vector<16xf32>
        %reduce_sum3A = arith.constant true
        %reduce_sum3A_574 = vector.broadcast %reduce_sum3A : i1 to vector<16xi1>
        %reduce_sum3A_575 = tpu.scan <sum>, %add3A_573 masked %reduce_sum3A_574 : vector<16xf32>, vector<16xi1> -> vector<16xf32>
        %reduce_sum3A_576 = vector.extract %reduce_sum3A_575[15] : f32 from vector<16xf32>
        %rem3A = arith.constant 16 : i32
        %rem3A_577 = arith.remsi %while3A_416, %rem3A : i32
        %eq3A_578 = vector.broadcast %rem3A_577 : i32 to vector<16xi32>
        %eq3A_579 = arith.cmpi eq, %iota3A, %eq3A_578 : vector<16xi32>
        %broadcast_in_dim3A_580 = vector.broadcast %reduce_sum3A_576 : f32 to vector<16xf32>
        %select_n3A = arith.select %eq3A_579, %broadcast_in_dim3A_580, %while3A_417 : vector<16xi1>, vector<16xf32>
        scf.yield %select_n3A : vector<16xf32>
      }
      %while3A_382 = arith.constant 1 : i32
      %while3A_383 = scf.for %while3A_416 = %while3A_379 to %while3A_375 step %while3A_382 iter_args(%while3A_417 = %while3A_381) -> (vector<16xf32>)  : i32 {
        %broadcast_in_dim3A_418 = arith.constant 0.000000e+00 : f32
        %broadcast_in_dim3A_419 = vector.broadcast %broadcast_in_dim3A_418 : f32 to vector<16xf32>
        %broadcast_in_dim3A_420 = arith.constant 0.000000e+00 : f32
        %broadcast_in_dim3A_421 = vector.broadcast %broadcast_in_dim3A_420 : f32 to vector<16xf32>
        %get3A = arith.constant 1 : i32
        %get3A_422 = arith.index_cast %get3A : i32 to index
        %get3A_423 = arith.index_cast %while3A_416 : i32 to index
        %get3A_424 = arith.constant 0 : index
        %get3A_425 = tpu.vector_load %arg11[%get3A_422, %get3A_423, %get3A_424] {strides = array<i32>} : memref<2x128x128xf32, #tpu.memory_space<vmem>>, vector<16xf32>,
        %get3A_426 = arith.constant 1 : i32
        %get3A_427 = arith.index_cast %get3A_426 : i32 to index
        %get3A_428 = arith.index_cast %while3A_416 : i32 to index
        %get3A_429 = arith.constant 0 : index
        %get3A_430 = tpu.vector_load %arg12[%get3A_427, %get3A_428, %get3A_429] {strides = array<i32>} : memref<2x128x128xf32, #tpu.memory_space<vmem>>, vector<16xf32>,
        %get3A_431 = arith.constant 1 : i32
        %get3A_432 = arith.index_cast %get3A_431 : i32 to index
        %get3A_433 = arith.index_cast %while3A_416 : i32 to index
        %get3A_434 = arith.constant 0 : index
        %get3A_435 = tpu.vector_load %arg13[%get3A_432, %get3A_433, %get3A_434] {strides = array<i32>} : memref<2x128x128xf32, #tpu.memory_space<vmem>>, vector<16xf32>,
        %add3A_436 = arith.addf %get3A_425, %get3A_430 : vector<16xf32>
        %sub3A_437 = arith.subf %add3A_436, %get3A_435 : vector<16xf32>
        %mul3A_438 = arith.mulf %sub3A_437, %sub3A_437 : vector<16xf32>
        %add3A_439 = arith.addf %broadcast_in_dim3A_419, %mul3A_438 : vector<16xf32>
        %get3A_440 = arith.constant 1 : i32
        %get3A_441 = arith.index_cast %get3A_440 : i32 to index
        %get3A_442 = arith.index_cast %while3A_416 : i32 to index
        %get3A_443 = arith.constant 16 : index
        %get3A_444 = tpu.vector_load %arg11[%get3A_441, %get3A_442, %get3A_443] {strides = array<i32>} : memref<2x128x128xf32, #tpu.memory_space<vmem>>, vector<16xf32>,
        %get3A_445 = arith.constant 1 : i32
        %get3A_446 = arith.index_cast %get3A_445 : i32 to index
        %get3A_447 = arith.index_cast %while3A_416 : i32 to index
        %get3A_448 = arith.constant 16 : index
        %get3A_449 = tpu.vector_load %arg12[%get3A_446, %get3A_447, %get3A_448] {strides = array<i32>} : memref<2x128x128xf32, #tpu.memory_space<vmem>>, vector<16xf32>,
        %get3A_450 = arith.constant 1 : i32
        %get3A_451 = arith.index_cast %get3A_450 : i32 to index
        %get3A_452 = arith.index_cast %while3A_416 : i32 to index
        %get3A_453 = arith.constant 16 : index
        %get3A_454 = tpu.vector_load %arg13[%get3A_451, %get3A_452, %get3A_453] {strides = array<i32>} : memref<2x128x128xf32, #tpu.memory_space<vmem>>, vector<16xf32>,
        %add3A_455 = arith.addf %get3A_444, %get3A_449 : vector<16xf32>
        %sub3A_456 = arith.subf %add3A_455, %get3A_454 : vector<16xf32>
        %mul3A_457 = arith.mulf %sub3A_456, %sub3A_456 : vector<16xf32>
        %add3A_458 = arith.addf %broadcast_in_dim3A_421, %mul3A_457 : vector<16xf32>
        %get3A_459 = arith.constant 1 : i32
        %get3A_460 = arith.index_cast %get3A_459 : i32 to index
        %get3A_461 = arith.index_cast %while3A_416 : i32 to index
        %get3A_462 = arith.constant 32 : index
        %get3A_463 = tpu.vector_load %arg11[%get3A_460, %get3A_461, %get3A_462] {strides = array<i32>} : memref<2x128x128xf32, #tpu.memory_space<vmem>>, vector<16xf32>,
        %get3A_464 = arith.constant 1 : i32
        %get3A_465 = arith.index_cast %get3A_464 : i32 to index
        %get3A_466 = arith.index_cast %while3A_416 : i32 to index
        %get3A_467 = arith.constant 32 : index
        %get3A_468 = tpu.vector_load %arg12[%get3A_465, %get3A_466, %get3A_467] {strides = array<i32>} : memref<2x128x128xf32, #tpu.memory_space<vmem>>, vector<16xf32>,
        %get3A_469 = arith.constant 1 : i32
        %get3A_470 = arith.index_cast %get3A_469 : i32 to index
        %get3A_471 = arith.index_cast %while3A_416 : i32 to index
        %get3A_472 = arith.constant 32 : index
        %get3A_473 = tpu.vector_load %arg13[%get3A_470, %get3A_471, %get3A_472] {strides = array<i32>} : memref<2x128x128xf32, #tpu.memory_space<vmem>>, vector<16xf32>,
        %add3A_474 = arith.addf %get3A_463, %get3A_468 : vector<16xf32>
        %sub3A_475 = arith.subf %add3A_474, %get3A_473 : vector<16xf32>
        %mul3A_476 = arith.mulf %sub3A_475, %sub3A_475 : vector<16xf32>
        %add3A_477 = arith.addf %add3A_439, %mul3A_476 : vector<16xf32>
        %get3A_478 = arith.constant 1 : i32
        %get3A_479 = arith.index_cast %get3A_478 : i32 to index
        %get3A_480 = arith.index_cast %while3A_416 : i32 to index
        %get3A_481 = arith.constant 48 : index
        %get3A_482 = tpu.vector_load %arg11[%get3A_479, %get3A_480, %get3A_481] {strides = array<i32>} : memref<2x128x128xf32, #tpu.memory_space<vmem>>, vector<16xf32>,
        %get3A_483 = arith.constant 1 : i32
        %get3A_484 = arith.index_cast %get3A_483 : i32 to index
        %get3A_485 = arith.index_cast %while3A_416 : i32 to index
        %get3A_486 = arith.constant 48 : index
        %get3A_487 = tpu.vector_load %arg12[%get3A_484, %get3A_485, %get3A_486] {strides = array<i32>} : memref<2x128x128xf32, #tpu.memory_space<vmem>>, vector<16xf32>,
        %get3A_488 = arith.constant 1 : i32
        %get3A_489 = arith.index_cast %get3A_488 : i32 to index
        %get3A_490 = arith.index_cast %while3A_416 : i32 to index
        %get3A_491 = arith.constant 48 : index
        %get3A_492 = tpu.vector_load %arg13[%get3A_489, %get3A_490, %get3A_491] {strides = array<i32>} : memref<2x128x128xf32, #tpu.memory_space<vmem>>, vector<16xf32>,
        %add3A_493 = arith.addf %get3A_482, %get3A_487 : vector<16xf32>
        %sub3A_494 = arith.subf %add3A_493, %get3A_492 : vector<16xf32>
        %mul3A_495 = arith.mulf %sub3A_494, %sub3A_494 : vector<16xf32>
        %add3A_496 = arith.addf %add3A_458, %mul3A_495 : vector<16xf32>
        %get3A_497 = arith.constant 1 : i32
        %get3A_498 = arith.index_cast %get3A_497 : i32 to index
        %get3A_499 = arith.index_cast %while3A_416 : i32 to index
        %get3A_500 = arith.constant 64 : index
        %get3A_501 = tpu.vector_load %arg11[%get3A_498, %get3A_499, %get3A_500] {strides = array<i32>} : memref<2x128x128xf32, #tpu.memory_space<vmem>>, vector<16xf32>,
        %get3A_502 = arith.constant 1 : i32
        %get3A_503 = arith.index_cast %get3A_502 : i32 to index
        %get3A_504 = arith.index_cast %while3A_416 : i32 to index
        %get3A_505 = arith.constant 64 : index
        %get3A_506 = tpu.vector_load %arg12[%get3A_503, %get3A_504, %get3A_505] {strides = array<i32>} : memref<2x128x128xf32, #tpu.memory_space<vmem>>, vector<16xf32>,
        %get3A_507 = arith.constant 1 : i32
        %get3A_508 = arith.index_cast %get3A_507 : i32 to index
        %get3A_509 = arith.index_cast %while3A_416 : i32 to index
        %get3A_510 = arith.constant 64 : index
        %get3A_511 = tpu.vector_load %arg13[%get3A_508, %get3A_509, %get3A_510] {strides = array<i32>} : memref<2x128x128xf32, #tpu.memory_space<vmem>>, vector<16xf32>,
        %add3A_512 = arith.addf %get3A_501, %get3A_506 : vector<16xf32>
        %sub3A_513 = arith.subf %add3A_512, %get3A_511 : vector<16xf32>
        %mul3A_514 = arith.mulf %sub3A_513, %sub3A_513 : vector<16xf32>
        %add3A_515 = arith.addf %add3A_477, %mul3A_514 : vector<16xf32>
        %get3A_516 = arith.constant 1 : i32
        %get3A_517 = arith.index_cast %get3A_516 : i32 to index
        %get3A_518 = arith.index_cast %while3A_416 : i32 to index
        %get3A_519 = arith.constant 80 : index
        %get3A_520 = tpu.vector_load %arg11[%get3A_517, %get3A_518, %get3A_519] {strides = array<i32>} : memref<2x128x128xf32, #tpu.memory_space<vmem>>, vector<16xf32>,
        %get3A_521 = arith.constant 1 : i32
        %get3A_522 = arith.index_cast %get3A_521 : i32 to index
        %get3A_523 = arith.index_cast %while3A_416 : i32 to index
        %get3A_524 = arith.constant 80 : index
        %get3A_525 = tpu.vector_load %arg12[%get3A_522, %get3A_523, %get3A_524] {strides = array<i32>} : memref<2x128x128xf32, #tpu.memory_space<vmem>>, vector<16xf32>,
        %get3A_526 = arith.constant 1 : i32
        %get3A_527 = arith.index_cast %get3A_526 : i32 to index
        %get3A_528 = arith.index_cast %while3A_416 : i32 to index
        %get3A_529 = arith.constant 80 : index
        %get3A_530 = tpu.vector_load %arg13[%get3A_527, %get3A_528, %get3A_529] {strides = array<i32>} : memref<2x128x128xf32, #tpu.memory_space<vmem>>, vector<16xf32>,
        %add3A_531 = arith.addf %get3A_520, %get3A_525 : vector<16xf32>
        %sub3A_532 = arith.subf %add3A_531, %get3A_530 : vector<16xf32>
        %mul3A_533 = arith.mulf %sub3A_532, %sub3A_532 : vector<16xf32>
        %add3A_534 = arith.addf %add3A_496, %mul3A_533 : vector<16xf32>
        %get3A_535 = arith.constant 1 : i32
        %get3A_536 = arith.index_cast %get3A_535 : i32 to index
        %get3A_537 = arith.index_cast %while3A_416 : i32 to index
        %get3A_538 = arith.constant 96 : index
        %get3A_539 = tpu.vector_load %arg11[%get3A_536, %get3A_537, %get3A_538] {strides = array<i32>} : memref<2x128x128xf32, #tpu.memory_space<vmem>>, vector<16xf32>,
        %get3A_540 = arith.constant 1 : i32
        %get3A_541 = arith.index_cast %get3A_540 : i32 to index
        %get3A_542 = arith.index_cast %while3A_416 : i32 to index
        %get3A_543 = arith.constant 96 : index
        %get3A_544 = tpu.vector_load %arg12[%get3A_541, %get3A_542, %get3A_543] {strides = array<i32>} : memref<2x128x128xf32, #tpu.memory_space<vmem>>, vector<16xf32>,
        %get3A_545 = arith.constant 1 : i32
        %get3A_546 = arith.index_cast %get3A_545 : i32 to index
        %get3A_547 = arith.index_cast %while3A_416 : i32 to index
        %get3A_548 = arith.constant 96 : index
        %get3A_549 = tpu.vector_load %arg13[%get3A_546, %get3A_547, %get3A_548] {strides = array<i32>} : memref<2x128x128xf32, #tpu.memory_space<vmem>>, vector<16xf32>,
        %add3A_550 = arith.addf %get3A_539, %get3A_544 : vector<16xf32>
        %sub3A_551 = arith.subf %add3A_550, %get3A_549 : vector<16xf32>
        %mul3A_552 = arith.mulf %sub3A_551, %sub3A_551 : vector<16xf32>
        %add3A_553 = arith.addf %add3A_515, %mul3A_552 : vector<16xf32>
        %get3A_554 = arith.constant 1 : i32
        %get3A_555 = arith.index_cast %get3A_554 : i32 to index
        %get3A_556 = arith.index_cast %while3A_416 : i32 to index
        %get3A_557 = arith.constant 112 : index
        %get3A_558 = tpu.vector_load %arg11[%get3A_555, %get3A_556, %get3A_557] {strides = array<i32>} : memref<2x128x128xf32, #tpu.memory_space<vmem>>, vector<16xf32>,
        %get3A_559 = arith.constant 1 : i32
        %get3A_560 = arith.index_cast %get3A_559 : i32 to index
        %get3A_561 = arith.index_cast %while3A_416 : i32 to index
        %get3A_562 = arith.constant 112 : index
        %get3A_563 = tpu.vector_load %arg12[%get3A_560, %get3A_561, %get3A_562] {strides = array<i32>} : memref<2x128x128xf32, #tpu.memory_space<vmem>>, vector<16xf32>,
        %get3A_564 = arith.constant 1 : i32
        %get3A_565 = arith.index_cast %get3A_564 : i32 to index
        %get3A_566 = arith.index_cast %while3A_416 : i32 to index
        %get3A_567 = arith.constant 112 : index
        %get3A_568 = tpu.vector_load %arg13[%get3A_565, %get3A_566, %get3A_567] {strides = array<i32>} : memref<2x128x128xf32, #tpu.memory_space<vmem>>, vector<16xf32>,
        %add3A_569 = arith.addf %get3A_558, %get3A_563 : vector<16xf32>
        %sub3A_570 = arith.subf %add3A_569, %get3A_568 : vector<16xf32>
        %mul3A_571 = arith.mulf %sub3A_570, %sub3A_570 : vector<16xf32>
        %add3A_572 = arith.addf %add3A_534, %mul3A_571 : vector<16xf32>
        %add3A_573 = arith.addf %add3A_553, %add3A_572 : vector<16xf32>
        %reduce_sum3A = arith.constant true
        %reduce_sum3A_574 = vector.broadcast %reduce_sum3A : i1 to vector<16xi1>
        %reduce_sum3A_575 = tpu.scan <sum>, %add3A_573 masked %reduce_sum3A_574 : vector<16xf32>, vector<16xi1> -> vector<16xf32>
        %reduce_sum3A_576 = vector.extract %reduce_sum3A_575[15] : f32 from vector<16xf32>
        %rem3A = arith.constant 16 : i32
        %rem3A_577 = arith.remsi %while3A_416, %rem3A : i32
        %eq3A_578 = vector.broadcast %rem3A_577 : i32 to vector<16xi32>
        %eq3A_579 = arith.cmpi eq, %iota3A, %eq3A_578 : vector<16xi32>
        %broadcast_in_dim3A_580 = vector.broadcast %reduce_sum3A_576 : f32 to vector<16xf32>
        %select_n3A = arith.select %eq3A_579, %broadcast_in_dim3A_580, %while3A_417 : vector<16xi1>, vector<16xf32>
        scf.yield %select_n3A : vector<16xf32>
      }
      %max3A = arith.constant 1.000000e-30 : f32
      %max3A_384 = vector.broadcast %max3A : f32 to vector<16xf32>
      %max3A_385 = arith.maximumf %while3A_383, %max3A_384 : vector<16xf32>
      %bitcast_convert_type3A = tpu.bitcast %max3A_385 : vector<16xf32> -> vector<16xi32>
      %shift_right_arithmetic3A = arith.constant 1 : i32
      %shift_right_arithmetic3A_386 = vector.broadcast %shift_right_arithmetic3A : i32 to vector<16xi32>
      %shift_right_arithmetic3A_387 = arith.shrsi %bitcast_convert_type3A, %shift_right_arithmetic3A_386 : vector<16xi32>
      %sub3A = arith.constant 1597463007 : i32
      %sub3A_388 = vector.broadcast %sub3A : i32 to vector<16xi32>
      %sub3A_389 = arith.subi %sub3A_388, %shift_right_arithmetic3A_387 : vector<16xi32>
      %bitcast_convert_type3A_390 = tpu.bitcast %sub3A_389 : vector<16xi32> -> vector<16xf32>
      %mul3A_391 = arith.constant 5.000000e-01 : f32
      %mul3A_392 = vector.broadcast %mul3A_391 : f32 to vector<16xf32>
      %mul3A_393 = arith.mulf %mul3A_392, %max3A_385 : vector<16xf32>
      %mul3A_394 = arith.mulf %mul3A_393, %bitcast_convert_type3A_390 : vector<16xf32>
      %mul3A_395 = arith.mulf %mul3A_394, %bitcast_convert_type3A_390 : vector<16xf32>
      %sub3A_396 = arith.constant 1.500000e+00 : f32
      %sub3A_397 = vector.broadcast %sub3A_396 : f32 to vector<16xf32>
      %sub3A_398 = arith.subf %sub3A_397, %mul3A_395 : vector<16xf32>
      %mul3A_399 = arith.mulf %bitcast_convert_type3A_390, %sub3A_398 : vector<16xf32>
      %mul3A_400 = arith.constant 5.000000e-01 : f32
      %mul3A_401 = vector.broadcast %mul3A_400 : f32 to vector<16xf32>
      %mul3A_402 = arith.mulf %mul3A_401, %max3A_385 : vector<16xf32>
      %mul3A_403 = arith.mulf %mul3A_402, %mul3A_399 : vector<16xf32>
      %mul3A_404 = arith.mulf %mul3A_403, %mul3A_399 : vector<16xf32>
      %sub3A_405 = arith.constant 1.500000e+00 : f32
      %sub3A_406 = vector.broadcast %sub3A_405 : f32 to vector<16xf32>
      %sub3A_407 = arith.subf %sub3A_406, %mul3A_404 : vector<16xf32>
      %mul3A_408 = arith.mulf %mul3A_399, %sub3A_407 : vector<16xf32>
      %mul3A_409 = arith.mulf %max3A_385, %mul3A_408 : vector<16xf32>
      %mul3A_410 = arith.constant 16 : i32
      %mul3A_411 = arith.muli %scan3A_366, %mul3A_410 : i32
      %add3A_412 = arith.constant 384 : i32
      %add3A_413 = arith.addi %add3A_412, %mul3A_411 : i32
      %swap3A = arith.index_cast %add3A_413 : i32 to index
      %swap3A_414 = tpu.vector_load %arg14[%swap3A] {strides = array<i32>} : memref<512xf32, #tpu.memory_space<vmem>>, vector<16xf32>,
      tpu.vector_store %arg14[%swap3A], %mul3A_409 {strides = array<i32>} : memref<512xf32, #tpu.memory_space<vmem>>, vector<16xf32>,
      %scan3A_415 = arith.constant 0 : i32
      scf.yield %scan3A_415 : i32
    }
    %scan3A_363 = arith.constant 8 : i32
    %mul3A_364 = arith.constant 512 : i32
    %mul3A_365 = arith.muli %add3A, %mul3A_364 : i32
    "tpu.region"() ({
      %run_scoped3A = tpu.sem_alloc : memref<!tpu.dma_semaphore, #tpu.memory_space<semaphore_mem>>
      %dma_start3A_366 = tpu.memref_slice %arg7[%mul3A_365] : memref<16384xf32, #tpu.memory_space<hbm>> -> memref<512xf32, #tpu.memory_space<hbm>>
      %dma_start3A_367 = tpu.memref_slice %arg7[%mul3A_365] : memref<16384xf32, #tpu.memory_space<hbm>> -> memref<512xf32, #tpu.memory_space<hbm>>
      tpu.enqueue_dma source(%arg14 : memref<512xf32, #tpu.memory_space<vmem>>) target(%dma_start3A_367 : memref<512xf32, #tpu.memory_space<hbm>>) target_semaphore(%run_scoped3A : memref<!tpu.dma_semaphore, #tpu.memory_space<semaphore_mem>>)
      %dma_wait3A_368 = tpu.memref_slice %arg7[%mul3A_365] : memref<16384xf32, #tpu.memory_space<hbm>> -> memref<512xf32, #tpu.memory_space<hbm>>
      %dma_wait3A_369 = tpu.memref_slice %arg7[%mul3A_365] : memref<16384xf32, #tpu.memory_space<hbm>> -> memref<512xf32, #tpu.memory_space<hbm>>
      tpu.wait_dma2 semaphore(%run_scoped3A : memref<!tpu.dma_semaphore, #tpu.memory_space<semaphore_mem>>) src(%arg14 : memref<512xf32, #tpu.memory_space<vmem>>) dst(%dma_wait3A_369 : memref<512xf32, #tpu.memory_space<hbm>>)
      tpu.yield
    }) : () -> ()
    return
  }
}

</mosaic_0001>

<sc_bundles>
// kernel: kernel.3.cloned.1.call-start
scs
__scs_entry_jumppad:
0x0: {  	(pc) =	sbr.rel $0x88, $3  }
0x1: {  	(tag) =	ssettag $0x0;
	lr =	simm.s32 $0x1  }
0x2: {  	[smem:$0x3F9C] =	sst lr;
	_ =	strace $0xD0000000  }
0x3: {  	_ = 	snop  }
0x4: {  	_ = 	snop  }
0x5: {  	_ = 	snop  }
0x6: {  	_ = 	snop  }
0x7: {  	_ = 	snop  }
__scs_overlays_trampoline_lowered:
0x8: {  	[smem:$0x3FAB] =	sst s0  }
0x9: {  	[smem:$0x3FAC] =	sst s1  }
0xa: {  	[smem:$0x3FAD] =	sst s2  }
0xb: {  	[smem:$0x3FAE] =	sst s3  }
0xc: {  	[smem:$0x3FAF] =	sst s4  }
0xd: {  	[smem:$0x3FB0] =	sst s5  }
0xe: {  	[smem:$0x3FB1] =	sst s6  }
0xf: {  	[smem:$0x3FB2] =	sst s7  }
0x10: {  	[smem:$0x3FB3] =	sst s8  }
0x11: {  	[smem:$0x3FB4] =	sst s9;
	s0 =	simm.s32 @!p0 $0x0  }
0x12: {  	s1 =	sld [smem:$0x3F9A];
	s0 =	simm.s32 @p0 $0x1  }
0x13: {  	[smem:$0x3FB5] =	sst s0;
	s0 =	simm.s32 @!p1 $0x0  }
0x14: {  	s2 =	sld [smem:$0x3F99];
	s0 =	simm.s32 @p1 $0x1  }
0x15: {  	[smem:$0x3FB6] =	sst s0;
	s0 =	simm.s32 @!p2 $0x0  }
0x16: {  	s3 =	sld [smem:$0x3FDB];
	s0 =	simm.s32 @p2 $0x1  }
0x17: {  	s4 =	simm.s32 $0x1BF5;
	[smem:$0x3FB8] =	sst s0  }
0x18: {  	s0 =	sld [smem:$0x3F9B];
	_ =	swait.ge [sflag:s4], $0x0  }
0x19: {  	s7 =	sld [smem:$0x3F9C]  }
0x1a: {  	s8 =	sadd.s32 $0xFFFFE003, lr  }
0x1b: {  	s9 =	sadd.s32 $0xFFFFFEF7, lr;
	s5 =	simm.s32 $0xFFFFFFFF;
	p2 =	slt.u32 s8, $0xFFFFF086  }
0x1c: {  	p1 =	slt.u32 s9, $0xF7A;
	s5 =	simm.s32 @!p2 $0x0  }
0x1d: {  	s5 =	simm.s32 @p1 $0x1;
	p0 =	seq.s32 s7, s2  }
0x1e: {  	s7 =	smul.u32 @!p0 $0xF7A, s2;
	p2 =	seq.s32 @!p0 s5, $0x0  }
0x1f: {  	s9 =	smul.u32 $0xF7A, s1;
	s8 =	simm.s32 @!p0 $0x1BF5;
	p2 =	por !p2, p0  }
0x20: {  	[sflag:s8] =	ssyncset.s32 @!p0 $0xFFFFF086;
	s6 =	sadd.s32 @!p0 s3, s7;
	s7 =	simm.s32 @!p0 $0x108  }
0x21: {  	s3 =	sadd.s32 s3, s9;
	s6 =	sadd.s32 @!p0 $0x88, s6;
	s7 =	simm.s32 @p2 $0x1082  }
0x22: {  	[simem:s7], [sflag:s8] =	dma.local @!p0 [hbm:s6], $0xF7A  }
0x23: {  	s9 =	sor.u32 $0xD0000000, s2;
	s6 =	simm.s32 $0x108;
	_ =	swait.ge @!p0 [sflag:s8], $0x0  }
0x24: {  	s3 =	sadd.s32 $0x88, s3;
	s6 =	simm.s32 @!p1 $0x1082;
	[sflag:s4] =	ssyncset.s32 $0xFFFFF086  }
0x25: {  	[simem:s6], [sflag:s4] =	dma.local [hbm:s3], $0xF7A  }
0x26: {  	[smem:$0x3F9C] =	sst s1;
	(tag) =	ssettag s2;
	_ =	strace s9  }
0x27: {  	s1 =	sld [smem:$0x3FAC]  }
0x28: {  	s2 =	sld [smem:$0x3FAD]  }
0x29: {  	s4 =	sld [smem:$0x3FAF]  }
0x2a: {  	p0 =	seq.s32 s5, $0x0;
	s5 =	sld [smem:$0x3FB0]  }
0x2b: {  	s6 =	sld [smem:$0x3FB1]  }
0x2c: {  	s7 =	sld [smem:$0x3FB2]  }
0x2d: {  	s3 =	simm.s32 $0x108;
	s8 =	sld [smem:$0x3FB3]  }
0x2e: {  	s3 =	simm.s32 @!p0 $0x1082;
	s9 =	sld [smem:$0x3FB4]  }
0x2f: {  	lr =	sadd.s32 s0, s3;
	s0 =	sld [smem:$0x3FAB]  }
0x30: {  	s3 =	sld [smem:$0x3FAE]  }
0x31: {  	[smem:$0x3FB7] =	sst s10  }
0x32: {  	s10 =	sld [smem:$0x3FB5];
	_ =	sdelay $0x3  }
0x33: {  	p0 =	seq.s32 s10, $0x1;
	s10 =	sld [smem:$0x3FB7];
	_ =	sdelay $0x3  }
0x34: {  	[smem:$0x3FB7] =	sst s10  }
0x35: {  	s10 =	sld [smem:$0x3FB6];
	_ =	sdelay $0x3  }
0x36: {  	p1 =	seq.s32 s10, $0x1;
	s10 =	sld [smem:$0x3FB7];
	_ =	sdelay $0x3  }
0x37: {  	[smem:$0x3FB7] =	sst s10  }
0x38: {  	s10 =	sld [smem:$0x3FB8]  }
0x39: {  	_ = 	snop;
	(pc) =	sbr.ind lr, $3  }
0x3a: {  	_ = 	snop  }
0x3b: {  	_ = 	snop  }
0x3c: {  	p2 =	seq.s32 s10, $0x1;
	s10 =	sld [smem:$0x3FB7]  }
0x3d: {  	_ =	shalt  }
0x3e: {  	_ =	shalt  }
0x3f: {  	_ =	shalt  }
0x40: {  	_ =	shalt  }
0x41: {  	_ =	shalt  }
0x42: {  	_ =	shalt  }
0x43: {  	_ =	shalt  }
0x44: {  	_ =	shalt  }
0x45: {  	_ =	shalt  }
0x46: {  	_ =	shalt  }
0x47: {  	_ =	shalt  }
0x48: {  	_ =	shalt  }
0x49: {  	_ =	shalt  }
0x4a: {  	_ =	shalt  }
0x4b: {  	_ =	shalt  }
0x4c: {  	_ =	shalt  }
0x4d: {  	_ =	shalt  }
0x4e: {  	_ =	shalt  }
0x4f: {  	_ =	shalt  }
0x50: {  	_ =	shalt  }
0x51: {  	_ =	shalt  }
0x52: {  	_ =	shalt  }
0x53: {  	_ =	shalt  }
0x54: {  	_ =	shalt  }
0x55: {  	_ =	shalt  }
0x56: {  	_ =	shalt  }
0x57: {  	_ =	shalt  }
0x58: {  	_ =	shalt  }
0x59: {  	_ =	shalt  }
0x5a: {  	_ =	shalt  }
0x5b: {  	_ =	shalt  }
0x5c: {  	_ =	shalt  }
0x5d: {  	_ =	shalt  }
0x5e: {  	_ =	shalt  }
0x5f: {  	_ =	shalt  }
0x60: {  	_ =	shalt  }
0x61: {  	_ =	shalt  }
0x62: {  	_ =	shalt  }
0x63: {  	_ =	shalt  }
0x64: {  	_ =	shalt  }
0x65: {  	_ =	shalt  }
0x66: {  	_ =	shalt  }
0x67: {  	_ =	shalt  }
0x68: {  	_ =	shalt  }
0x69: {  	_ =	shalt  }
0x6a: {  	_ =	shalt  }
0x6b: {  	_ =	shalt  }
0x6c: {  	_ =	shalt  }
0x6d: {  	_ =	shalt  }
0x6e: {  	_ =	shalt  }
0x6f: {  	_ =	shalt  }
0x70: {  	_ =	shalt  }
0x71: {  	_ =	shalt  }
0x72: {  	_ =	shalt  }
0x73: {  	_ =	shalt  }
0x74: {  	_ =	shalt  }
0x75: {  	_ =	shalt  }
0x76: {  	_ =	shalt  }
0x77: {  	_ =	shalt  }
0x78: {  	_ =	shalt  }
0x79: {  	_ =	shalt  }
0x7a: {  	_ =	shalt  }
0x7b: {  	_ =	shalt  }
0x7c: {  	_ =	shalt  }
0x7d: {  	_ =	shalt  }
0x7e: {  	_ =	shalt  }
0x7f: {  	_ =	shalt  }
0x80: {  	_ =	shalt  }
0x81: {  	_ =	shalt  }
0x82: {  	_ =	shalt  }
0x83: {  	_ =	shalt  }
0x84: {  	_ =	shalt  }
0x85: {  	_ =	shalt  }
0x86: {  	_ =	shalt  }
0x87: {  	_ =	shalt  }
.Lfunc_end0:
.L_simem_size_0:
called_computation_lowered:
.L_overlay_start_0:
0x88: {  	s2 =	sld [smem:$0x3FD9]  }
0x89: {  	s3 =	sld [smem:$0x3FFE];
	_ =	sdelay $0x1  }
0x8a: {  	s1 =	srdreg.scid  }
0x8b: {  	s0 =	sand.u32 $0x1, s1  }
0x8c: {  	s18 =	sshll.u32 s0, $0xA;
	s2 =	sadd.s32 s3, s2  }
0x8d: {  	s2 =	sadd.s32 s2, s18  }
0x8e: {  	[smem:$0x3FC3] =	sst s2  }
0x8f: {  	_ = 	snop  }
0x90: {  	s2 =	sld [smem:$0x3FC9]  }
0x91: {  	s19 =	sld [smem:$0x3FC8]  }
0x92: {  	s4 =	sld [smem:$0x3FC7]  }
0x93: {  	s5 =	sld [smem:$0x3FC6]  }
0x94: {  	s6 =	sld [smem:$0x3FC5]  }
0x95: {  	s7 =	sld [smem:$0x3FD0];
	(tm) =	ssettm $0x1  }
0x96: {  	s8 =	sld [smem:$0x3FFB];
	_ =	sdelay $0x3  }
0x97: {  	_ =	strace s8  }
0x98: {  	s8 =	sld [smem:$0x3FFC];
	_ =	sdelay $0x3  }
0x99: {  	_ =	strace s8  }
0x9a: {  	s8 =	sld [smem:$0x3FFD];
	_ =	sdelay $0x3  }
0x9b: {  	_ =	strace s8  }
0x9c: {  	_ =	strace $0x8FFFFFFF  }
0x9d: {  	s20 =	sld [smem:$0x3FDB];
	_ =	sdelay $0x1  }
0x9e: {  	s9 =	simm.s32 $_scs_section_size  }
0x9f: {  	s10 =	simm.s32 $_size__tile_overlayer_lowered;
	s11 =	simm.s32 $_tile_overlayer_lowered  }
0xa0: {  	s23 =	simm.s32 $0x1BFF;
	s22 =	sshll.u32 s11, $0x1;
	s8 =	sadd.s32 s9, s20  }
0xa1: {  	s12 =	simm.s32 $0x0;
	s21 =	sshll.u32 s10, $0x1;
	s10 =	sadd.s32 s22, s8  }
0xa2: {  	[timem:s12], [sflag:s23] =	dma.local [hbm:s10], s21  }
0xa3: {  	_ =	swait.ge [sflag:s23], s21  }
0xa4: {  	s9 =	ssub.s32 $0x0, s21;
	[sflag:s23] =	ssyncset.done $0x0  }
0xa5: {  	[sflag:s23] =	ssyncadd.s32 s9;
	_ =	sdelay $0x1  }
0xa6: {  	s24 =	simm.s32 $0x1B8B  }
0xa7: {  	_ =	swait.ge [sflag:s24], $0x1  }
0xa8: {  	[sflag:s24] =	ssyncset.done $0x0  }
0xa9: {  	s25 =	simm.s32 $0x1B8E;
	[sflag:s24] =	ssyncadd.s32 $0xFFFFFFFF  }
0xaa: {  	s26 =	simm.s32 $execute0_lowered;
	[smem:$0x3FD2] =	sst s25  }
0xab: {  	s9 =	sshll.u32 s26, $0x1;
	_ =	strace $0x80000046;
	[dreg:$0x1] =	wrdreg $0xFFFFFFFF  }
0xac: {  	s28 =	simm.s32 $_size_execute0_lowered;
	s8 =	sadd.s32 s8, s9;
	[dreg:$0x0] =	wrdreg $0x0  }
0xad: {  	s9 =	sshll.u32 s28, $0x1;
	[dreg:$0x2] =	wrdreg s8  }
0xae: {  	[dreg:$0x3] =	wrdreg s9  }
0xaf: {  	[dreg:$0x4] =	wrdreg $0xC0  }
0xb0: {  	_ =	task [dreg:s12], $0x5FFFF  }
0xb1: {  	[dreg:$0x1] =	wrdreg $0xFFFFFFFF  }
0xb2: {  	[dreg:$0x0] =	wrdreg $0x60  }
0xb3: {  	[dreg:$0x2] =	wrdreg s2  }
0xb4: {  	[dreg:$0x3] =	wrdreg s19  }
0xb5: {  	[dreg:$0x4] =	wrdreg s4  }
0xb6: {  	[dreg:$0x5] =	wrdreg s5  }
0xb7: {  	[dreg:$0x6] =	wrdreg s6  }
0xb8: {  	[dreg:$0x7] =	wrdreg s7  }
0xb9: {  	[dreg:$0x8] =	wrdreg $0x188000  }
0xba: {  	[dreg:$0x9] =	wrdreg $0x9  }
0xbb: {  	_ =	task.clear_ibuf [dreg:s12], $0xAFFFF;
	_ =	strace $0x90000046  }
0xbc: {  	s29 =	simm.s32 $0x9;
	_ =	strace $0x80000048  }
0xbd: {  	_ =	swait.ge [sflag:s29], $0x1  }
0xbe: {  	[sflag:s29] =	ssyncadd.s32 $0xFFFFFFFF  }
0xbf: {  	_ =	strace $0x90000048  }
0xc0: {  	_ =	sfence  }
0xc1: {  	s30 =	sld [smem:$0x0];
	_ =	sdelay $0x2  }
0xc2: {  	s31 =	sshll.u32 s1, $0xD;
	s1 =	sshrl.u32 s1, $0x2  }
0xc3: {  	s3 =	sand.u32 $0x4000, s31;
	s1 =	sadd.s32 s1, s30  }
0xc4: {  	s0 =	sor.u32 s3, s0;
	s1 =	sshll.u32 s1, $0x11  }
0xc5: {  	s0 =	sor.u32 s1, s0  }
0xc6: {  	s0 =	sadd.s32 $0x8F2B, s0  }
0xc7: {  	[sflag:s0] =	ssyncadd.remote.s32 $0x1  }
0xc8: {  	_ =	sfence.sel $0xFFFF  }
0xc9: {  	[dreg:$0x0] =	wrdreg $0xFFFFFFFF;
	(pc) =	sbr.abs _section_cstart, $3  }
0xca: {  	[dreg:$0x1] =	wrdreg $0xFFFFFFFF  }
0xcb: {  	_ =	task.clear_ibuf [dreg:s12], $0x2FFFF;
	_ =	strace $0x9FFFFFFF  }
0xcc: {  	(tm) =	ssettm $0x7FFFFFFF  }
0xcd: {  	_ =	shalt  }
tec
execute0_lowered:
.L_overlay_start_1:
0x0: {  	(tag) =	ssettag $0x1  }
0x1: {  	s0 =	rddreg [dreg:$0x0]  }
0x2: {  	s2 =	rddreg [dreg:$0x1]  }
0x3: {  	s7 =	rddreg [dreg:$0x2]  }
0x4: {  	s1 =	rddreg [dreg:$0x3]  }
0x5: {  	s8 =	rddreg [dreg:$0x5]  }
0x6: {  	s3 =	rddreg [dreg:$0x6]  }
0x7: {  	s5 =	srdreg.scid;
	s4 =	simm.s32 $0x0;
	s10 =	stileid.u32  }
0x8: {  	s13 =	simm.s32 $0x1;
	s14 =	simm.s32 $0x3;
	s15 =	simm.s32 $0x5  }
0x9: {  	s16 =	simm.s32 $0x80;
	s22 =	simm.s32 $0xC600;
	s24 =	simm.s32 $0x14600  }
0xa: {  	s29 =	simm.s32 $0x2;
	s30 =	simm.s32 $0x4;
	s31 =	simm.s32 $0x6  }
0xb: {  	s19 =	simm.s32 $0x7;
	s21 =	simm.s32 $0x0;
	s5 =	sand.u32 $0x1, s5  }
0xc: {  	[smem:$0x7FF] =	sst s4;
	s11 =	sshll.u32 s10, $0x7;
	p0 =	sne.s32 s10, $0x0  }
0xd: {  	s6 =	ssub.s32 $0x2, s5;
	s5 =	sshll.u32 s5, $0x6;
	_ =	strace $0x80000047  }
0xe: {  	s12 =	sshrl.u32 @!p0 s3, $0x3;
	s9 =	sshrl.u32 s6, $0x1;
	s11 =	sor.u32 s5, s11  }
0xf: {  	s9 =	ssub.s32 s6, s9;
	s5 =	sadd.s32 s0, s11;
	s6 =	sadd.s32 s2, s11  }
0x10: {  	v0 =	vlaneseq.u32;
	s7 =	sadd.s32 s7, s11;
	s8 =	sadd.s32 s8, s11;
	s9 =	smax.u32 s9, $0x1  }
.LBB2_1:
0x11: {  	[tilespmem:s4], [sflag:$0x1] =	stream.linear.gather [hbm4b:s5+s4], $0x200, $0x38;
	[tilespmem:$0x1A740] =	vst v63  }
0x12: {  	s10 =	simm.s32 $0x200  }
0x13: {  	[tilespmem:s10], [sflag:$0x3] =	stream.linear.gather [hbm4b:s6+s4], $0x200, $0x38;
	[tilespmem:$0x1A740] =	vst v63  }
0x14: {  	s11 =	simm.s32 $0x400;
	s0 =	simm.s32 @!p0 $0x1C07;
	s2 =	rddreg [dreg:$0x4]  }
0x15: {  	[tilespmem:s11], [sflag:$0x5] =	stream.linear.gather [hbm4b:s7+s4], $0x200, $0x38;
	[tilespmem:$0x1A740] =	vst v63  }
0x16: {  	[spmem:s12], [sflag:s0] =	dma.local @!p0 [hbm:s2], $0x3E80  }
0x17: {  	s0 =	simm.s32 @!p0 $0x7  }
0x18: {  	_ =	swait.ge @!p0 [sflag:s0], $0x3E80  }
0x19: {  	[sflag:s0] =	ssyncset.done @!p0 $0x0  }
0x1a: {  	[sflag:s0] =	ssyncadd.s32 @!p0 $0xFFFFC180  }
0x1b: {  	_ =	swait.ge [sflag:s13], $0x200  }
0x1c: {  	[sflag:s13] =	ssyncset.done $0x0  }
0x1d: {  	[sflag:s13] =	ssyncadd.s32 $0xFFFFFE00  }
0x1e: {  	_ =	swait.ge [sflag:s14], $0x200  }
0x1f: {  	[sflag:s14] =	ssyncset.done $0x0  }
0x20: {  	[sflag:s14] =	ssyncadd.s32 $0xFFFFFE00  }
0x21: {  	_ =	swait.ge [sflag:s15], $0x200  }
0x22: {  	[sflag:s15] =	ssyncset.done $0x0  }
0x23: {  	[sflag:s15] =	ssyncadd.s32 $0xFFFFFE00  }
0x24: {  	s18 =	simm.s32 $0x600;
	[bflag:$0x0] =	sbarrier.arrive $0xFFFF  }
0x25: {  	[tilespmem:s18], [sflag:$0x1] =	stream.indirect.gather [hbm4b:s1+s16], $0x80, s4, s16, $0xb8;
	[tilespmem:$0x1A740] =	vst v63  }
0x26: {  	s20 =	simm.s32 $0x8600  }
0x27: {  	[tilespmem:s20], [sflag:$0x3] =	stream.indirect.gather [spmem:s3], $0x80, s10, s16, $0xb8;
	[tilespmem:$0x1A740] =	vst v63  }
0x28: {  	s23 =	simm.s32 $0x10600  }
0x29: {  	[tilespmem:s23], [sflag:$0x5] =	stream.indirect.gather [hbm4b:s1+s16], $0x80, s11, s16, $0xb8;
	[tilespmem:$0x1A740] =	vst v63  }
0x2a: {  	s25 =	simm.s32 $0x4600  }
0x2b: {  	[tilespmem:s25], [sflag:$0x2] =	stream.indirect.gather [hbm4b:s1+s16], $0x80, s16, s16, $0xb8;
	[tilespmem:$0x1A740] =	vst v63  }
0x2c: {  	s26 =	simm.s32 $0x280  }
0x2d: {  	[tilespmem:s22], [sflag:$0x4] =	stream.indirect.gather [spmem:s3], $0x80, s26, s16, $0xb8;
	[tilespmem:$0x1A740] =	vst v63  }
0x2e: {  	s28 =	simm.s32 $0x480  }
0x2f: {  	[tilespmem:s24], [sflag:$0x6] =	stream.indirect.gather [hbm4b:s1+s16], $0x80, s28, s16, $0xb8;
	[tilespmem:$0x1A740] =	vst v63  }
0x30: {  	_ =	swait.ge [sflag:s13], $0x4000  }
0x31: {  	[sflag:s13] =	ssyncset.done $0x0  }
0x32: {  	[sflag:s13] =	ssyncadd.s32 $0xFFFFC000  }
0x33: {  	_ =	swait.ge [sflag:s14], $0x4000  }
0x34: {  	[sflag:s14] =	ssyncset.done $0x0  }
0x35: {  	[sflag:s14] =	ssyncadd.s32 $0xFFFFC000  }
0x36: {  	_ =	swait.ge [sflag:s15], $0x4000  }
0x37: {  	s0 =	simm.s32 $0x8640;
	s23 =	simm.s32 $0x10640;
	[sflag:s15] =	ssyncset.done $0x0  }
0x38: {  	s25 =	simm.s32 $0x640;
	s26 =	simm.s32 $0x0;
	[sflag:s15] =	ssyncadd.s32 $0xFFFFC000  }
.LBB2_2:
0x39: {  	v2 =	vld [tilespmem:s23+$0x0]  }
0x3a: {  	v3 =	vld [tilespmem:s25+$0x20]  }
0x3b: {  	v4 =	vld [tilespmem:s0+$0x20]  }
0x3c: {  	v5 =	vld [tilespmem:s25+$0x30]  }
0x3d: {  	v6 =	vld [tilespmem:s0+$0x30]  }
0x3e: {  	v9 =	vld [tilespmem:s23+$0xFFFFFFC0]  }
0x3f: {  	v10 =	vld [tilespmem:s23+$0xFFFFFFD0]  }
0x40: {  	v7 =	vld [tilespmem:s25+$0x0]  }
0x41: {  	v8 =	vld [tilespmem:s0+$0x0]  }
0x42: {  	v11 =	vld [tilespmem:s25+$0x10]  }
0x43: {  	v12 =	vld [tilespmem:s0+$0x10]  }
0x44: {  	v13 =	vld [tilespmem:s25+$0xFFFFFFC0]  }
0x45: {  	v14 =	vld [tilespmem:s0+$0xFFFFFFC0]  }
0x46: {  	v15 =	vld [tilespmem:s25+$0xFFFFFFD0]  }
0x47: {  	v16 =	vld [tilespmem:s0+$0xFFFFFFD0]  }
0x48: {  	v17 =	vld [tilespmem:s25+$0xFFFFFFE0]  }
0x49: {  	v18 =	vld [tilespmem:s0+$0xFFFFFFE0]  }
0x4a: {  	v19 =	vld [tilespmem:s25+$0xFFFFFFF0]  }
0x4b: {  	v20 =	vld [tilespmem:s0+$0xFFFFFFF0]  }
0x4c: {  	v21 =	vld [tilespmem:s23+$0xFFFFFFE0]  }
0x4d: {  	v22 =	vld [tilespmem:s23+$0xFFFFFFF0];
	v26 =	vadd.f32 v4, v3;
	v27 =	vadd.f32 v8, v7  }
0x4e: {  	v23 =	vld [tilespmem:s23+$0x20];
	v28 =	vadd.f32 v6, v5;
	v3 =	vadd.f32 v14, v13  }
0x4f: {  	v24 =	vld [tilespmem:s23+$0x10];
	v11 =	vadd.f32 v12, v11;
	v5 =	vadd.f32 v16, v15  }
0x50: {  	v25 =	vld [tilespmem:s23+$0x30];
	s28 =	sadd.s32 $0x80, s23;
	v12 =	vadd.f32 v18, v17;
	v13 =	vadd.f32 v20, v19  }
0x51: {  	s17 =	sadd.s32 $0x80, s25;
	v1 =	vld [tilespmem:s28+$0x0];
	v9 =	vsub.f32 v3, v9;
	v10 =	vsub.f32 v5, v10  }
0x52: {  	s18 =	sadd.s32 $0x80, s0;
	v4 =	vld [tilespmem:s17+$0x20];
	v12 =	vsub.f32 v12, v21;
	v13 =	vsub.f32 v13, v22  }
0x53: {  	v6 =	vld [tilespmem:s18+$0x20];
	v2 =	vsub.f32 v27, v2;
	v14 =	vmul.f32 v9, v9;
	v15 =	vmul.f32 v10, v10  }
0x54: {  	v7 =	vld [tilespmem:s17+$0x30];
	v16 =	vsub.f32 v11, v24;
	v12 =	vmul.f32 v12, v12;
	v13 =	vmul.f32 v13, v13  }
0x55: {  	v8 =	vld [tilespmem:s18+$0x30];
	v17 =	vsub.f32 v26, v23;
	v18 =	vsub.f32 v28, v25;
	v2 =	vmul.f32 v2, v2  }
0x56: {  	v19 =	vld [tilespmem:s17+$0xFFFFFFF0];
	v16 =	vmul.f32 v16, v16;
	v14 =	vadd.f32 v12, v14;
	v15 =	vadd.f32 v13, v15  }
0x57: {  	v3 =	vld [tilespmem:s28+$0xFFFFFFC0];
	v17 =	vmul.f32 v17, v17  }
0x58: {  	v5 =	vld [tilespmem:s28+$0xFFFFFFD0];
	v18 =	vmul.f32 v18, v18;
	v2 =	vadd.f32 v2, v14;
	v16 =	vadd.f32 v16, v15  }
0x59: {  	v11 =	vld [tilespmem:s18+$0x0]  }
0x5a: {  	v9 =	vld [tilespmem:s17+$0x0];
	v2 =	vadd.f32 v17, v2;
	v18 =	vadd.f32 v18, v16  }
0x5b: {  	v10 =	vld [tilespmem:s17+$0x10]  }
0x5c: {  	v12 =	vld [tilespmem:s18+$0x10];
	v20 =	vadd.f32 v18, v2  }
0x5d: {  	v13 =	vld [tilespmem:s17+$0xFFFFFFC0]  }
0x5e: {  	v15 =	vld [tilespmem:s18+$0xFFFFFFC0];
	(xrf2) =	vadd.scan.msk.f32 $0xffff, v20  }
0x5f: {  	v14 =	vld [tilespmem:s17+$0xFFFFFFD0]  }
0x60: {  	v16 =	vld [tilespmem:s18+$0xFFFFFFD0]  }
0x61: {  	v17 =	vld [tilespmem:s17+$0xFFFFFFE0]  }
0x62: {  	s2 =	sshll.u32 s26, $0x4;
	v18 =	vld [tilespmem:s18+$0xFFFFFFE0]  }
0x63: {  	s11 =	simm.s32 $0x0;
	s10 =	simm.s32 $0x1;
	s20 =	simm.s32 $0x2;
	v2 =	vimm.f32 $0.0e+00;
	v20 =	vld [tilespmem:s18+$0xFFFFFFF0]  }
.LBB2_3:
0x64: {  	p1 =	sne.s32 s20, $0xF;
	v21 =	vld [tilespmem:s28+$0xFFFFFFE0];
	v22 =	vadd.f32 v6, v4  }
0x65: {  	v23 =	vadd.f32 v11, v9;
	v9 =	vadd.f32 v8, v7;
	v6 =	vld [tilespmem:s28+$0xFFFFFFF0]  }
0x66: {  	v7 =	vadd.f32 v15, v13;
	v8 =	vadd.f32 v12, v10;
	v10 =	vld [tilespmem:s28+$0x20]  }
0x67: {  	v11 =	vadd.f32 v16, v14;
	v12 =	vadd.f32 v18, v17;
	v13 =	vld [tilespmem:s28+$0x10]  }
0x68: {  	v15 =	vsub.f32 v23, v1;
	v17 =	vmov s11;
	s11 =	smov.u32 s10;
	s10 =	smov.u32 s20;
	v14 =	vadd.f32 v20, v19;
	v16 =	vld [tilespmem:s28+$0x30];
	s28 =	sadd.s32 $0x80, s28;
	v4, _, _ =	vpop (xrf2)  }
0x69: {  	s17 =	sadd.s32 $0x80, s17;
	v3 =	vsub.f32 v7, v3;
	v5 =	vsub.f32 v11, v5;
	v1 =	vld [tilespmem:s28+$0x0];
	v7 =	vbroadcast v4, $0xF  }
0x6a: {  	s18 =	sadd.s32 $0x80, s18;
	vm0 =	veq.s32 v17, v0;
	v11 =	vsub.f32 v12, v21;
	v4 =	vld [tilespmem:s17+$0x20];
	v12 =	vsub.f32 v14, v6  }
0x6b: {  	v5 =	vmul.f32 v5, v5;
	v14 =	vmul.f32 v3, v3;
	v6 =	vld [tilespmem:s18+$0x20];
	v2 =	vsel vm0, v7, v2  }
0x6c: {  	v11 =	vmul.f32 v11, v11;
	v7 =	vld [tilespmem:s17+$0x30];
	v12 =	vmul.f32 v12, v12;
	v13 =	vsub.f32 v8, v13  }
0x6d: {  	v15 =	vmul.f32 v15, v15;
	v10 =	vsub.f32 v22, v10;
	v8 =	vld [tilespmem:s18+$0x30];
	v16 =	vsub.f32 v9, v16  }
0x6e: {  	v11 =	vadd.f32 v11, v14;
	v3 =	vld [tilespmem:s28+$0xFFFFFFC0];
	v12 =	vadd.f32 v12, v5;
	v13 =	vmul.f32 v13, v13  }
0x6f: {  	v14 =	vmul.f32 v10, v10;
	v5 =	vld [tilespmem:s28+$0xFFFFFFD0]  }
0x70: {  	v15 =	vadd.f32 v15, v11;
	v9 =	vld [tilespmem:s17+$0x0];
	v12 =	vadd.f32 v13, v12;
	v13 =	vmul.f32 v16, v16  }
0x71: {  	v11 =	vld [tilespmem:s18+$0x0]  }
0x72: {  	v14 =	vadd.f32 v14, v15;
	v10 =	vld [tilespmem:s17+$0x10];
	v15 =	vadd.f32 v13, v12  }
0x73: {  	v12 =	vld [tilespmem:s18+$0x10]  }
0x74: {  	v13 =	vld [tilespmem:s17+$0xFFFFFFC0];
	v16 =	vadd.f32 v15, v14  }
0x75: {  	v15 =	vld [tilespmem:s18+$0xFFFFFFC0]  }
0x76: {  	v14 =	vld [tilespmem:s17+$0xFFFFFFD0];
	(xrf2) =	vadd.scan.msk.f32 $0xffff, v16  }
.Ltmp0:
0x77: {  	v16 =	vld [tilespmem:s18+$0xFFFFFFD0];
	(pc) =	sbr.rel @p1 .LBB2_3-.Ltmp0, $4  }
0x78: {  	v17 =	vld [tilespmem:s17+$0xFFFFFFE0]  }
0x79: {  	v18 =	vld [tilespmem:s18+$0xFFFFFFE0]  }
0x7a: {  	v19 =	vld [tilespmem:s17+$0xFFFFFFF0]  }
0x7b: {  	s20 =	sadd.s32 $0x1, s20;
	v20 =	vld [tilespmem:s18+$0xFFFFFFF0]  }
0x7c: {  	v21 =	vld [tilespmem:s28+$0xFFFFFFE0]  }
0x7d: {  	v4 =	vadd.f32 v6, v4;
	v50 =	vld [tilespmem:s28+$0xFFFFFFF0];
	v9 =	vadd.f32 v11, v9  }
0x7e: {  	v7 =	vadd.f32 v8, v7;
	v51 =	vadd.f32 v15, v13;
	v52 =	vld [tilespmem:s28+$0x20]  }
0x7f: {  	v10 =	vadd.f32 v12, v10;
	v53 =	vadd.f32 v16, v14;
	v54 =	vld [tilespmem:s28+$0x10]  }
0x80: {  	v57 =	vld [tilespmem:s28+$0x30];
	v55 =	vadd.f32 v18, v17;
	v56 =	vadd.f32 v20, v19  }
0x81: {  	v3 =	vsub.f32 v51, v3;
	v5 =	vsub.f32 v53, v5  }
0x82: {  	v58 =	vsub.f32 v55, v21;
	v6 =	vsub.f32 v56, v50  }
0x83: {  	v1 =	vsub.f32 v9, v1;
	v3 =	vmul.f32 v3, v3;
	v5 =	vmul.f32 v5, v5  }
0x84: {  	v59 =	vsub.f32 v10, v54;
	v8 =	vmul.f32 v58, v58;
	v6 =	vmul.f32 v6, v6  }
0x85: {  	v1 =	vmul.f32 v1, v1;
	v4 =	vsub.f32 v4, v52;
	v7 =	vsub.f32 v7, v57  }
0x86: {  	v60 =	vmul.f32 v59, v59;
	v3 =	vadd.f32 v8, v3;
	v5 =	vadd.f32 v6, v5  }
0x87: {  	v4 =	vmul.f32 v4, v4  }
0x88: {  	v61 =	vmul.f32 v7, v7;
	v1 =	vadd.f32 v1, v3;
	v3 =	vadd.f32 v60, v5;
	_ =	sdelay $0x1  }
0x89: {  	v1 =	vadd.f32 v4, v1;
	v3 =	vadd.f32 v61, v3;
	_ =	sdelay $0x1  }
0x8a: {  	v1 =	vadd.f32 v3, v1;
	_ =	sdelay $0x1  }
0x8b: {  	(xrf2) =	vadd.scan.msk.f32 $0xffff, v1;
	_ =	sdelay $0x8  }
0x8c: {  	v1, _, _ =	vpop (xrf2)  }
0x8d: {  	v3 =	vmov s11;
	v1 =	vbroadcast v1, $0xF;
	v62, _, _ =	vpop (xrf2)  }
0x8e: {  	vm0 =	veq.s32 v3, v0;
	v3 =	vmov s10;
	v4 =	vbroadcast v62, $0xF  }
0x8f: {  	vm15 =	veq.s32 v3, v0;
	v1 =	vsel vm0, v1, v2  }
0x90: {  	v1 =	vsel vm15, v4, v1  }
0x91: {  	v1 =	vmax.f32 v1, $1.000000000e-30  }
0x92: {  	v2 =	vshra.s32 v1, $0x1;
	v3 =	vmul.f32 $5.000000000e-01, v1  }
0x93: {  	v2 =	vsub.s32 $0x5F3759DF, v2  }
0x94: {  	v63 =	vmul.f32 v2, v3;
	_ =	sdelay $0x1  }
0x95: {  	v4 =	vmul.f32 v2, v63;
	_ =	sdelay $0x1  }
0x96: {  	v4 =	vsub.f32 $1.500000000e+00, v4;
	_ =	sdelay $0x1  }
0x97: {  	v2 =	vmul.f32 v2, v4;
	_ =	sdelay $0x1  }
0x98: {  	v3 =	vmul.f32 v2, v3;
	_ =	sdelay $0x1  }
0x99: {  	v3 =	vmul.f32 v3, v2;
	_ =	sdelay $0x1  }
0x9a: {  	s26 =	sadd.s32 $0x1, s26;
	v3 =	vsub.f32 $1.500000000e+00, v3  }
0x9b: {  	p1 =	sne.s32 s26, $0x8  }
.Ltmp1:
0x9c: {  	v2 =	vmul.f32 v3, v2;
	(pc) =	sbr.rel @p1 .LBB2_2-.Ltmp1, $3  }
0x9d: {  	_ = 	snop  }
0x9e: {  	v1 =	vmul.f32 v2, v1;
	_ =	sdelay $0x1  }
0x9f: {  	s0 =	sadd.s32 $0x800, s0;
	s23 =	sadd.s32 $0x800, s23;
	s25 =	sadd.s32 $0x800, s25;
	[tilespmem:s2+$0x18600] =	vst v1  }
0xa0: {  	s23 =	simm.s32 $0x600;
	s0 =	simm.s32 $0x100  }
0xa1: {  	[tilespmem:s23], [sflag:$0x1] =	stream.indirect.gather [hbm4b:s1+s16], $0x80, s0, s16, $0xb8;
	[tilespmem:$0x1A740] =	vst v63  }
0xa2: {  	s25 =	simm.s32 $0x8600;
	s18 =	simm.s32 $0x300  }
0xa3: {  	[tilespmem:s25], [sflag:$0x3] =	stream.indirect.gather [spmem:s3], $0x80, s18, s16, $0xb8;
	[tilespmem:$0x1A740] =	vst v63  }
0xa4: {  	s26 =	simm.s32 $0x10600;
	s20 =	simm.s32 $0x500  }
0xa5: {  	[tilespmem:s26], [sflag:$0x5] =	stream.indirect.gather [hbm4b:s1+s16], $0x80, s20, s16, $0xb8;
	[tilespmem:$0x1A740] =	vst v63  }
0xa6: {  	_ =	swait.ge [sflag:s29], $0x4000  }
0xa7: {  	[sflag:s29] =	ssyncset.done $0x0  }
0xa8: {  	[sflag:s29] =	ssyncadd.s32 $0xFFFFC000  }
0xa9: {  	_ =	swait.ge [sflag:s30], $0x4000  }
0xaa: {  	[sflag:s30] =	ssyncset.done $0x0  }
0xab: {  	[sflag:s30] =	ssyncadd.s32 $0xFFFFC000  }
0xac: {  	_ =	swait.ge [sflag:s31], $0x4000  }
0xad: {  	[sflag:s31] =	ssyncset.done $0x0  }
0xae: {  	s28 =	simm.s32 $0x0;
	s0 =	simm.s32 $0x0;
	[sflag:s31] =	ssyncadd.s32 $0xFFFFC000  }
.LBB2_6:
0xaf: {  	v1 =	vmov s26  }
0xb0: {  	v3 =	vmov s23  }
0xb1: {  	v2 =	vmov s25;
	_ =	sdelay $0x1  }
0xb2: {  	s2 =	simm.s32 $0x0  }
0xb3: {  	v4 =	vld.idx.msk [tilespmem:v1+s2+$0x4040 ss:$0x1], $0xffff  }
0xb4: {  	v5 =	vld.idx.msk [tilespmem:v3+s2+$0x4060 ss:$0x1], $0xffff  }
0xb5: {  	v6 =	vld.idx.msk [tilespmem:v2+s2+$0x4060 ss:$0x1], $0xffff  }
0xb6: {  	v7 =	vld.idx.msk [tilespmem:v3+s2+$0x4070 ss:$0x1], $0xffff  }
0xb7: {  	v8 =	vld.idx.msk [tilespmem:v2+s2+$0x4070 ss:$0x1], $0xffff  }
0xb8: {  	v9 =	vld.idx.msk [tilespmem:v1+s2+$0x4000 ss:$0x1], $0xffff  }
0xb9: {  	v10 =	vld.idx.msk [tilespmem:v1+s2+$0x4010 ss:$0x1], $0xffff  }
0xba: {  	v11 =	vld.idx.msk [tilespmem:v3+s2+$0x4040 ss:$0x1], $0xffff  }
0xbb: {  	v12 =	vld.idx.msk [tilespmem:v2+s2+$0x4040 ss:$0x1], $0xffff  }
0xbc: {  	v13 =	vld.idx.msk [tilespmem:v3+s2+$0x4050 ss:$0x1], $0xffff  }
0xbd: {  	v14 =	vld.idx.msk [tilespmem:v2+s2+$0x4050 ss:$0x1], $0xffff  }
0xbe: {  	v15 =	vld.idx.msk [tilespmem:v3+s2+$0x4000 ss:$0x1], $0xffff  }
0xbf: {  	v16 =	vld.idx.msk [tilespmem:v2+s2+$0x4000 ss:$0x1], $0xffff  }
0xc0: {  	v17 =	vld.idx.msk [tilespmem:v3+s2+$0x4010 ss:$0x1], $0xffff  }
0xc1: {  	v18 =	vld.idx.msk [tilespmem:v2+s2+$0x4010 ss:$0x1], $0xffff  }
0xc2: {  	v19 =	vld.idx.msk [tilespmem:v3+s2+$0x4020 ss:$0x1], $0xffff  }
0xc3: {  	v20 =	vld.idx.msk [tilespmem:v2+s2+$0x4020 ss:$0x1], $0xffff  }
0xc4: {  	v21 =	vld.idx.msk [tilespmem:v3+s2+$0x4030 ss:$0x1], $0xffff  }
0xc5: {  	v22 =	vld.idx.msk [tilespmem:v2+s2+$0x4030 ss:$0x1], $0xffff  }
0xc6: {  	v23 =	vld.idx.msk [tilespmem:v1+s2+$0x4020 ss:$0x1], $0xffff  }
0xc7: {  	v24 =	vld.idx.msk [tilespmem:v1+s2+$0x4030 ss:$0x1], $0xffff  }
0xc8: {  	v25 =	vld.idx.msk [tilespmem:v1+s2+$0x4060 ss:$0x1], $0xffff  }
0xc9: {  	v26 =	vld.idx.msk [tilespmem:v1+s2+$0x4050 ss:$0x1], $0xffff  }
0xca: {  	s10 =	simm.s32 $0x80;
	v27 =	vld.idx.msk [tilespmem:v1+s2+$0x4070 ss:$0x1], $0xffff  }
0xcb: {  	v28 =	vld.idx.msk [tilespmem:v1+s10+$0x4040 ss:$0x1], $0xffff  }
0xcc: {  	v29 =	vld.idx.msk [tilespmem:v3+s10+$0x4060 ss:$0x1], $0xffff  }
0xcd: {  	v30 =	vld.idx.msk [tilespmem:v2+s10+$0x4060 ss:$0x1], $0xffff  }
0xce: {  	v31 =	vld.idx.msk [tilespmem:v3+s10+$0x4070 ss:$0x1], $0xffff  }
0xcf: {  	v32 =	vld.idx.msk [tilespmem:v2+s10+$0x4070 ss:$0x1], $0xffff  }
0xd0: {  	v33 =	vld.idx.msk [tilespmem:v1+s10+$0x4000 ss:$0x1], $0xffff  }
0xd1: {  	v34 =	vld.idx.msk [tilespmem:v1+s10+$0x4010 ss:$0x1], $0xffff  }
0xd2: {  	v35 =	vld.idx.msk [tilespmem:v3+s10+$0x4040 ss:$0x1], $0xffff  }
0xd3: {  	v5 =	vadd.f32 v6, v5;
	v6 =	vadd.f32 v12, v11;
	v11 =	vld.idx.msk [tilespmem:v2+s10+$0x4040 ss:$0x1], $0xffff  }
0xd4: {  	v7 =	vadd.f32 v8, v7;
	v8 =	vadd.f32 v16, v15;
	v12 =	vld.idx.msk [tilespmem:v3+s10+$0x4050 ss:$0x1], $0xffff  }
0xd5: {  	v13 =	vadd.f32 v14, v13;
	v14 =	vadd.f32 v18, v17;
	v15 =	vld.idx.msk [tilespmem:v2+s10+$0x4050 ss:$0x1], $0xffff  }
0xd6: {  	v16 =	vadd.f32 v20, v19;
	v17 =	vadd.f32 v22, v21;
	v18 =	vld.idx.msk [tilespmem:v3+s10+$0x4000 ss:$0x1], $0xffff  }
0xd7: {  	v19 =	vld.idx.msk [tilespmem:v3+s10+$0x4020 ss:$0x1], $0xffff;
	v61 =	vadd.f32 v30, v29;
	v63 =	vadd.f32 v32, v31  }
0xd8: {  	v20 =	vld.idx.msk [tilespmem:v2+s10+$0x4020 ss:$0x1], $0xffff;
	v8 =	vsub.f32 v8, v9;
	v9 =	vsub.f32 v14, v10  }
0xd9: {  	v22 =	vld.idx.msk [tilespmem:v1+s10+$0x4050 ss:$0x1], $0xffff;
	v14 =	vsub.f32 v16, v23;
	v16 =	vsub.f32 v17, v24  }
0xda: {  	v17 =	vld.idx.msk [tilespmem:v3+s10+$0x4010 ss:$0x1], $0xffff;
	v4 =	vsub.f32 v6, v4;
	v6 =	vmul.f32 v8, v8;
	v8 =	vmul.f32 v9, v9  }
0xdb: {  	v13 =	vsub.f32 v13, v26;
	v9 =	vld.idx.msk [tilespmem:v2+s10+$0x4010 ss:$0x1], $0xffff;
	v14 =	vmul.f32 v14, v14;
	v16 =	vmul.f32 v16, v16  }
0xdc: {  	v10 =	vld.idx.msk [tilespmem:v2+s10+$0x4000 ss:$0x1], $0xffff;
	v5 =	vsub.f32 v5, v25;
	v7 =	vsub.f32 v7, v27;
	v4 =	vmul.f32 v4, v4  }
0xdd: {  	v13 =	vmul.f32 v13, v13;
	v6 =	vadd.f32 v14, v6;
	v8 =	vadd.f32 v16, v8;
	v14 =	vld.idx.msk [tilespmem:v3+s10+$0x4030 ss:$0x1], $0xffff  }
0xde: {  	v5 =	vmul.f32 v5, v5;
	v62 =	vadd.f32 v11, v35;
	v12 =	vadd.f32 v15, v12;
	v16 =	vld.idx.msk [tilespmem:v2+s10+$0x4030 ss:$0x1], $0xffff  }
0xdf: {  	v7 =	vmul.f32 v7, v7;
	v4 =	vadd.f32 v4, v6;
	v6 =	vadd.f32 v13, v8;
	v8 =	vld.idx.msk [tilespmem:v1+s10+$0x4020 ss:$0x1], $0xffff  }
0xe0: {  	v15 =	vadd.f32 v20, v19;
	v13 =	vld.idx.msk [tilespmem:v1+s10+$0x4030 ss:$0x1], $0xffff;
	v11 =	vadd.f32 v9, v17  }
0xe1: {  	v21 =	vld.idx.msk [tilespmem:v1+s10+$0x4060 ss:$0x1], $0xffff;
	v4 =	vadd.f32 v5, v4;
	v5 =	vadd.f32 v7, v6  }
0xe2: {  	s2 =	simm.s32 $0x100;
	v23 =	vld.idx.msk [tilespmem:v1+s10+$0x4070 ss:$0x1], $0xffff;
	v17 =	vsub.f32 v12, v22;
	v6 =	vadd.f32 v10, v18  }
0xe3: {  	v9 =	vld.idx.msk [tilespmem:v2+s2+$0x4060 ss:$0x1], $0xffff;
	v14 =	vadd.f32 v16, v14;
	v5 =	vadd.f32 v5, v4  }
0xe4: {  	v12 =	vld.idx.msk [tilespmem:v3+s2+$0x4040 ss:$0x1], $0xffff;
	v16 =	vsub.f32 v11, v34;
	v15 =	vsub.f32 v15, v8  }
0xe5: {  	v22 =	vmov s28;
	v7 =	vld.idx.msk [tilespmem:v3+s2+$0x4060 ss:$0x1], $0xffff;
	v13 =	vsub.f32 v14, v13;
	(xrf2) =	vadd.scan.msk.f32 $0xffff, v5;
	v5 =	vsub.f32 v6, v33  }
0xe6: {  	v10 =	vld.idx.msk [tilespmem:v3+s2+$0x4070 ss:$0x1], $0xffff;
	vm0 =	veq.s32 v22, v0;
	v16 =	vmul.f32 v16, v16;
	v15 =	vmul.f32 v15, v15  }
0xe7: {  	v22 =	vld.idx.msk [tilespmem:v2+s2+$0x4020 ss:$0x1], $0xffff;
	v14 =	vsub.f32 v62, v28;
	v13 =	vmul.f32 v13, v13;
	v5 =	vmul.f32 v5, v5  }
0xe8: {  	v19 =	vsub.f32 v61, v21;
	v20 =	vsub.f32 v63, v23;
	v11 =	vld.idx.msk [tilespmem:v2+s2+$0x4070 ss:$0x1], $0xffff;
	v17 =	vmul.f32 v17, v17  }
0xe9: {  	v4 =	vld.idx.msk [tilespmem:v1+s2+$0x4040 ss:$0x1], $0xffff;
	v18 =	vmul.f32 v14, v14;
	v16 =	vadd.f32 v13, v16;
	v5 =	vadd.f32 v15, v5  }
0xea: {  	v19 =	vmul.f32 v19, v19;
	v8 =	vld.idx.msk [tilespmem:v1+s2+$0x4010 ss:$0x1], $0xffff  }
0xeb: {  	v20 =	vmul.f32 v20, v20;
	v6 =	vld.idx.msk [tilespmem:v1+s2+$0x4000 ss:$0x1], $0xffff;
	v17 =	vadd.f32 v17, v16;
	v5 =	vadd.f32 v18, v5  }
0xec: {  	v14 =	vld.idx.msk [tilespmem:v2+s2+$0x4040 ss:$0x1], $0xffff  }
0xed: {  	v13 =	vld.idx.msk [tilespmem:v3+s2+$0x4050 ss:$0x1], $0xffff;
	v20 =	vadd.f32 v20, v17;
	v5 =	vadd.f32 v19, v5  }
0xee: {  	v15 =	vld.idx.msk [tilespmem:v2+s2+$0x4050 ss:$0x1], $0xffff  }
0xef: {  	v16 =	vld.idx.msk [tilespmem:v3+s2+$0x4000 ss:$0x1], $0xffff;
	v23 =	vadd.f32 v20, v5  }
0xf0: {  	v18 =	vld.idx.msk [tilespmem:v2+s2+$0x4000 ss:$0x1], $0xffff  }
0xf1: {  	v17 =	vld.idx.msk [tilespmem:v3+s2+$0x4010 ss:$0x1], $0xffff;
	v21, _, _ =	vpop (xrf2);
	(xrf2) =	vadd.scan.msk.f32 $0xffff, v23  }
0xf2: {  	v19 =	vld.idx.msk [tilespmem:v2+s2+$0x4010 ss:$0x1], $0xffff;
	v21 =	vbroadcast v21, $0xF  }
0xf3: {  	v20 =	vld.idx.msk [tilespmem:v3+s2+$0x4020 ss:$0x1], $0xffff;
	v5 =	vimm.f32 $0.0e+00  }
0xf4: {  	s17 =	sshll.u32 s0, $0x4;
	s11 =	simm.s32 $0x600;
	s10 =	simm.s32 $0x0;
	v5 =	vsel vm0, v21, v5;
	v21 =	vld.idx.msk [tilespmem:v3+s2+$0x4030 ss:$0x1], $0xffff  }
.LBB2_7:
0xf5: {  	p1 =	sne.s32 s11, $0x1E00;
	v23 =	vld.idx.msk [tilespmem:v2+s2+$0x4030 ss:$0x1], $0xffff  }
0xf6: {  	v24 =	vld.idx.msk [tilespmem:v1+s2+$0x4020 ss:$0x1], $0xffff  }
0xf7: {  	v26 =	vadd.f32 v9, v7;
	v25 =	vld.idx.msk [tilespmem:v1+s2+$0x4030 ss:$0x1], $0xffff  }
0xf8: {  	v7 =	vadd.f32 v14, v12;
	v14 =	vadd.f32 v11, v10;
	v12 =	vld.idx.msk [tilespmem:v1+s2+$0x4060 ss:$0x1], $0xffff  }
0xf9: {  	v9 =	vadd.f32 v18, v16;
	v13 =	vadd.f32 v15, v13;
	v16 =	vld.idx.msk [tilespmem:v1+s2+$0x4050 ss:$0x1], $0xffff  }
0xfa: {  	s10 =	sadd.s32 $0x1, s10;
	v10 =	vadd.f32 v19, v17;
	v11 =	vadd.f32 v22, v20;
	v15 =	vld.idx.msk [tilespmem:v1+s2+$0x4070 ss:$0x1], $0xffff;
	s2 =	sshra.s32 s11, $0x2  }
0xfb: {  	v19 =	vmov s10;
	v18 =	vsub.f32 v7, v4;
	v17 =	vadd.f32 v23, v21;
	v4 =	vld.idx.msk [tilespmem:v1+s2+$0x4040 ss:$0x1], $0xffff;
	v20, _, _ =	vpop (xrf2)  }
0xfc: {  	v6 =	vsub.f32 v9, v6;
	v8 =	vsub.f32 v10, v8;
	v7 =	vld.idx.msk [tilespmem:v3+s2+$0x4060 ss:$0x1], $0xffff;
	v20 =	vbroadcast v20, $0xF  }
0xfd: {  	vm0 =	veq.s32 v19, v0;
	v21 =	vsub.f32 v11, v24;
	v17 =	vsub.f32 v17, v25;
	v9 =	vld.idx.msk [tilespmem:v2+s2+$0x4060 ss:$0x1], $0xffff  }
0xfe: {  	v19 =	vmul.f32 v6, v6;
	v22 =	vmul.f32 v8, v8;
	v10 =	vld.idx.msk [tilespmem:v3+s2+$0x4070 ss:$0x1], $0xffff;
	v5 =	vsel vm0, v20, v5  }
0xff: {  	v20 =	vmul.f32 v21, v21;
	v17 =	vmul.f32 v17, v17;
	v13 =	vsub.f32 v13, v16;
	v11 =	vld.idx.msk [tilespmem:v2+s2+$0x4070 ss:$0x1], $0xffff  }
0x100: {  	v16 =	vmul.f32 v18, v18;
	v18 =	vsub.f32 v26, v12;
	v15 =	vsub.f32 v14, v15;
	v6 =	vld.idx.msk [tilespmem:v1+s2+$0x4000 ss:$0x1], $0xffff  }
0x101: {  	v19 =	vadd.f32 v20, v19;
	v17 =	vadd.f32 v17, v22;
	v13 =	vmul.f32 v13, v13;
	v8 =	vld.idx.msk [tilespmem:v1+s2+$0x4010 ss:$0x1], $0xffff  }
0x102: {  	v18 =	vmul.f32 v18, v18;
	v12 =	vld.idx.msk [tilespmem:v3+s2+$0x4040 ss:$0x1], $0xffff  }
0x103: {  	v16 =	vadd.f32 v16, v19;
	v17 =	vadd.f32 v13, v17;
	v19 =	vmul.f32 v15, v15;
	v14 =	vld.idx.msk [tilespmem:v2+s2+$0x4040 ss:$0x1], $0xffff  }
0x104: {  	v13 =	vld.idx.msk [tilespmem:v3+s2+$0x4050 ss:$0x1], $0xffff  }
0x105: {  	v20 =	vadd.f32 v18, v16;
	v17 =	vadd.f32 v19, v17;
	v15 =	vld.idx.msk [tilespmem:v2+s2+$0x4050 ss:$0x1], $0xffff  }
0x106: {  	v16 =	vld.idx.msk [tilespmem:v3+s2+$0x4000 ss:$0x1], $0xffff  }
0x107: {  	v20 =	vadd.f32 v17, v20;
	v18 =	vld.idx.msk [tilespmem:v2+s2+$0x4000 ss:$0x1], $0xffff  }
.Ltmp2:
0x108: {  	v17 =	vld.idx.msk [tilespmem:v3+s2+$0x4010 ss:$0x1], $0xffff;
	(pc) =	sbr.rel @p1 .LBB2_7-.Ltmp2, $4  }
0x109: {  	v19 =	vld.idx.msk [tilespmem:v2+s2+$0x4010 ss:$0x1], $0xffff;
	(xrf2) =	vadd.scan.msk.f32 $0xffff, v20  }
0x10a: {  	v20 =	vld.idx.msk [tilespmem:v3+s2+$0x4020 ss:$0x1], $0xffff  }
0x10b: {  	v22 =	vld.idx.msk [tilespmem:v2+s2+$0x4020 ss:$0x1], $0xffff  }
0x10c: {  	s11 =	sadd.s32 $0x200, s11;
	v21 =	vld.idx.msk [tilespmem:v3+s2+$0x4030 ss:$0x1], $0xffff  }
0x10d: {  	_ =	sdelay $0x3  }
0x10e: {  	v2 =	vld.idx.msk [tilespmem:v2+s2+$0x4030 ss:$0x1], $0xffff  }
0x10f: {  	v3 =	vld.idx.msk [tilespmem:v1+s2+$0x4020 ss:$0x1], $0xffff  }
0x110: {  	v23 =	vld.idx.msk [tilespmem:v1+s2+$0x4030 ss:$0x1], $0xffff;
	v7 =	vadd.f32 v9, v7;
	v55 =	vadd.f32 v14, v12  }
0x111: {  	v56 =	vld.idx.msk [tilespmem:v1+s2+$0x4060 ss:$0x1], $0xffff;
	v10 =	vadd.f32 v11, v10;
	v57 =	vadd.f32 v18, v16  }
0x112: {  	v58 =	vld.idx.msk [tilespmem:v1+s2+$0x4050 ss:$0x1], $0xffff;
	v13 =	vadd.f32 v15, v13;
	v59 =	vadd.f32 v19, v17  }
0x113: {  	v1 =	vld.idx.msk [tilespmem:v1+s2+$0x4070 ss:$0x1], $0xffff;
	v60 =	vadd.f32 v22, v20;
	v2 =	vadd.f32 v2, v21  }
0x114: {  	v6 =	vsub.f32 v57, v6;
	v8 =	vsub.f32 v59, v8  }
0x115: {  	v3 =	vsub.f32 v60, v3;
	v2 =	vsub.f32 v2, v23  }
0x116: {  	v4 =	vsub.f32 v55, v4;
	v6 =	vmul.f32 v6, v6;
	v8 =	vmul.f32 v8, v8  }
0x117: {  	v61 =	vsub.f32 v13, v58;
	v3 =	vmul.f32 v3, v3;
	v2 =	vmul.f32 v2, v2  }
0x118: {  	v4 =	vmul.f32 v4, v4;
	v7 =	vsub.f32 v7, v56;
	v1 =	vsub.f32 v10, v1  }
0x119: {  	v62 =	vmul.f32 v61, v61;
	v3 =	vadd.f32 v3, v6;
	v2 =	vadd.f32 v2, v8  }
0x11a: {  	v7 =	vmul.f32 v7, v7  }
0x11b: {  	v1 =	vmul.f32 v1, v1;
	v3 =	vadd.f32 v4, v3;
	v2 =	vadd.f32 v62, v2;
	_ =	sdelay $0x1  }
0x11c: {  	v3 =	vadd.f32 v7, v3;
	v1 =	vadd.f32 v1, v2;
	_ =	sdelay $0x1  }
0x11d: {  	v1 =	vadd.f32 v1, v3;
	_ =	sdelay $0x1  }
0x11e: {  	(xrf2) =	vadd.scan.msk.f32 $0xffff, v1;
	_ =	sdelay $0x8  }
0x11f: {  	s20 =	sadd.s32 $0x1, s10;
	v1, _, _ =	vpop (xrf2)  }
0x120: {  	s2 =	sadd.s32 $0x1, s20;
	v2 =	vmov s20;
	v1 =	vbroadcast v1, $0xF;
	v3, _, _ =	vpop (xrf2)  }
0x121: {  	vm0 =	veq.s32 v2, v0;
	v2 =	vmov s2;
	v3 =	vbroadcast v3, $0xF  }
0x122: {  	vm15 =	veq.s32 v2, v0;
	v1 =	vsel vm0, v1, v5  }
0x123: {  	v1 =	vsel vm15, v3, v1  }
0x124: {  	v1 =	vmax.f32 v1, $1.000000000e-30  }
0x125: {  	v2 =	vshra.s32 v1, $0x1;
	v3 =	vmul.f32 $5.000000000e-01, v1  }
0x126: {  	v2 =	vsub.s32 $0x5F3759DF, v2  }
0x127: {  	v63 =	vmul.f32 v2, v3;
	_ =	sdelay $0x1  }
0x128: {  	v4 =	vmul.f32 v2, v63;
	_ =	sdelay $0x1  }
0x129: {  	v4 =	vsub.f32 $1.500000000e+00, v4;
	_ =	sdelay $0x1  }
0x12a: {  	v2 =	vmul.f32 v2, v4;
	_ =	sdelay $0x1  }
0x12b: {  	v3 =	vmul.f32 v2, v3;
	_ =	sdelay $0x1  }
0x12c: {  	v3 =	vmul.f32 v3, v2;
	_ =	sdelay $0x1  }
0x12d: {  	s0 =	sadd.s32 $0x1, s0;
	v3 =	vsub.f32 $1.500000000e+00, v3  }
0x12e: {  	p1 =	sne.s32 s0, $0x8  }
.Ltmp3:
0x12f: {  	v2 =	vmul.f32 v3, v2;
	(pc) =	sbr.rel @p1 .LBB2_6-.Ltmp3, $3  }
0x130: {  	_ = 	snop  }
0x131: {  	v1 =	vmul.f32 v2, v1;
	_ =	sdelay $0x1  }
0x132: {  	s26 =	sadd.s32 $0x800, s26;
	s25 =	sadd.s32 $0x800, s25;
	s23 =	sadd.s32 $0x800, s23;
	[tilespmem:s17+$0x18680] =	vst v1  }
0x133: {  	s0 =	simm.s32 $0x4600;
	s2 =	simm.s32 $0x180  }
0x134: {  	[tilespmem:s0], [sflag:$0x2] =	stream.indirect.gather [hbm4b:s1+s16], $0x80, s2, s16, $0xb8;
	[tilespmem:$0x1A740] =	vst v63  }
0x135: {  	s26 =	simm.s32 $0x380  }
0x136: {  	[tilespmem:s22], [sflag:$0x4] =	stream.indirect.gather [spmem:s3], $0x80, s26, s16, $0xb8;
	[tilespmem:$0x1A740] =	vst v63  }
0x137: {  	s28 =	simm.s32 $0x580  }
0x138: {  	[tilespmem:s24], [sflag:$0x6] =	stream.indirect.gather [hbm4b:s1+s16], $0x80, s28, s16, $0xb8;
	[tilespmem:$0x1A740] =	vst v63  }
0x139: {  	_ =	swait.ge [sflag:s13], $0x4000  }
0x13a: {  	[sflag:s13] =	ssyncset.done $0x0  }
0x13b: {  	[sflag:s13] =	ssyncadd.s32 $0xFFFFC000  }
0x13c: {  	_ =	swait.ge [sflag:s14], $0x4000  }
0x13d: {  	[sflag:s14] =	ssyncset.done $0x0  }
0x13e: {  	[sflag:s14] =	ssyncadd.s32 $0xFFFFC000  }
0x13f: {  	_ =	swait.ge [sflag:s15], $0x4000  }
0x140: {  	s23 =	simm.s32 $0x8640;
	s25 =	simm.s32 $0x10640;
	[sflag:s15] =	ssyncset.done $0x0  }
0x141: {  	s0 =	simm.s32 $0x0;
	s26 =	simm.s32 $0x640;
	[sflag:s15] =	ssyncadd.s32 $0xFFFFC000  }
.LBB2_10:
0x142: {  	v2 =	vld [tilespmem:s25+$0x0]  }
0x143: {  	v3 =	vld [tilespmem:s26+$0x20]  }
0x144: {  	v4 =	vld [tilespmem:s23+$0x20]  }
0x145: {  	v5 =	vld [tilespmem:s26+$0x30]  }
0x146: {  	v6 =	vld [tilespmem:s23+$0x30]  }
0x147: {  	v9 =	vld [tilespmem:s25+$0xFFFFFFC0]  }
0x148: {  	v10 =	vld [tilespmem:s25+$0xFFFFFFD0]  }
0x149: {  	v7 =	vld [tilespmem:s26+$0x0]  }
0x14a: {  	v8 =	vld [tilespmem:s23+$0x0]  }
0x14b: {  	v11 =	vld [tilespmem:s26+$0x10]  }
0x14c: {  	v12 =	vld [tilespmem:s23+$0x10]  }
0x14d: {  	v13 =	vld [tilespmem:s26+$0xFFFFFFC0]  }
0x14e: {  	v14 =	vld [tilespmem:s23+$0xFFFFFFC0]  }
0x14f: {  	v15 =	vld [tilespmem:s26+$0xFFFFFFD0]  }
0x150: {  	v16 =	vld [tilespmem:s23+$0xFFFFFFD0]  }
0x151: {  	v17 =	vld [tilespmem:s26+$0xFFFFFFE0]  }
0x152: {  	v18 =	vld [tilespmem:s23+$0xFFFFFFE0]  }
0x153: {  	v19 =	vld [tilespmem:s26+$0xFFFFFFF0]  }
0x154: {  	v20 =	vld [tilespmem:s23+$0xFFFFFFF0]  }
0x155: {  	v21 =	vld [tilespmem:s25+$0xFFFFFFE0]  }
0x156: {  	v22 =	vld [tilespmem:s25+$0xFFFFFFF0];
	v26 =	vadd.f32 v4, v3;
	v27 =	vadd.f32 v8, v7  }
0x157: {  	v23 =	vld [tilespmem:s25+$0x20];
	v28 =	vadd.f32 v6, v5;
	v3 =	vadd.f32 v14, v13  }
0x158: {  	v24 =	vld [tilespmem:s25+$0x10];
	v11 =	vadd.f32 v12, v11;
	v5 =	vadd.f32 v16, v15  }
0x159: {  	v25 =	vld [tilespmem:s25+$0x30];
	s28 =	sadd.s32 $0x80, s25;
	v12 =	vadd.f32 v18, v17;
	v13 =	vadd.f32 v20, v19  }
0x15a: {  	s17 =	sadd.s32 $0x80, s26;
	v1 =	vld [tilespmem:s28+$0x0];
	v9 =	vsub.f32 v3, v9;
	v10 =	vsub.f32 v5, v10  }
0x15b: {  	s18 =	sadd.s32 $0x80, s23;
	v4 =	vld [tilespmem:s17+$0x20];
	v12 =	vsub.f32 v12, v21;
	v13 =	vsub.f32 v13, v22  }
0x15c: {  	v6 =	vld [tilespmem:s18+$0x20];
	v2 =	vsub.f32 v27, v2;
	v14 =	vmul.f32 v9, v9;
	v15 =	vmul.f32 v10, v10  }
0x15d: {  	v7 =	vld [tilespmem:s17+$0x30];
	v16 =	vsub.f32 v11, v24;
	v12 =	vmul.f32 v12, v12;
	v13 =	vmul.f32 v13, v13  }
0x15e: {  	v8 =	vld [tilespmem:s18+$0x30];
	v17 =	vsub.f32 v26, v23;
	v18 =	vsub.f32 v28, v25;
	v2 =	vmul.f32 v2, v2  }
0x15f: {  	v19 =	vld [tilespmem:s17+$0xFFFFFFF0];
	v16 =	vmul.f32 v16, v16;
	v14 =	vadd.f32 v12, v14;
	v15 =	vadd.f32 v13, v15  }
0x160: {  	v3 =	vld [tilespmem:s28+$0xFFFFFFC0];
	v17 =	vmul.f32 v17, v17  }
0x161: {  	v5 =	vld [tilespmem:s28+$0xFFFFFFD0];
	v18 =	vmul.f32 v18, v18;
	v2 =	vadd.f32 v2, v14;
	v16 =	vadd.f32 v16, v15  }
0x162: {  	v11 =	vld [tilespmem:s18+$0x0]  }
0x163: {  	v9 =	vld [tilespmem:s17+$0x0];
	v2 =	vadd.f32 v17, v2;
	v18 =	vadd.f32 v18, v16  }
0x164: {  	v10 =	vld [tilespmem:s17+$0x10]  }
0x165: {  	v12 =	vld [tilespmem:s18+$0x10];
	v20 =	vadd.f32 v18, v2  }
0x166: {  	v13 =	vld [tilespmem:s17+$0xFFFFFFC0]  }
0x167: {  	v15 =	vld [tilespmem:s18+$0xFFFFFFC0];
	(xrf2) =	vadd.scan.msk.f32 $0xffff, v20  }
0x168: {  	v14 =	vld [tilespmem:s17+$0xFFFFFFD0]  }
0x169: {  	v16 =	vld [tilespmem:s18+$0xFFFFFFD0]  }
0x16a: {  	v17 =	vld [tilespmem:s17+$0xFFFFFFE0]  }
0x16b: {  	s2 =	sshll.u32 s0, $0x4;
	v18 =	vld [tilespmem:s18+$0xFFFFFFE0]  }
0x16c: {  	s10 =	simm.s32 $0x1;
	s20 =	simm.s32 $0x2;
	s11 =	simm.s32 $0x0;
	v2 =	vimm.f32 $0.0e+00;
	v20 =	vld [tilespmem:s18+$0xFFFFFFF0]  }
.LBB2_11:
0x16d: {  	p1 =	sne.s32 s20, $0xF;
	v21 =	vld [tilespmem:s28+$0xFFFFFFE0];
	v22 =	vadd.f32 v6, v4  }
0x16e: {  	v23 =	vadd.f32 v11, v9;
	v9 =	vadd.f32 v8, v7;
	v6 =	vld [tilespmem:s28+$0xFFFFFFF0]  }
0x16f: {  	v7 =	vadd.f32 v15, v13;
	v8 =	vadd.f32 v12, v10;
	v10 =	vld [tilespmem:s28+$0x20]  }
0x170: {  	v11 =	vadd.f32 v16, v14;
	v12 =	vadd.f32 v18, v17;
	v13 =	vld [tilespmem:s28+$0x10]  }
0x171: {  	v15 =	vsub.f32 v23, v1;
	v17 =	vmov s11;
	s11 =	smov.u32 s10;
	s10 =	smov.u32 s20;
	v14 =	vadd.f32 v20, v19;
	v16 =	vld [tilespmem:s28+$0x30];
	s28 =	sadd.s32 $0x80, s28;
	v4, _, _ =	vpop (xrf2)  }
0x172: {  	s17 =	sadd.s32 $0x80, s17;
	v3 =	vsub.f32 v7, v3;
	v5 =	vsub.f32 v11, v5;
	v1 =	vld [tilespmem:s28+$0x0];
	v7 =	vbroadcast v4, $0xF  }
0x173: {  	s18 =	sadd.s32 $0x80, s18;
	vm0 =	veq.s32 v17, v0;
	v11 =	vsub.f32 v12, v21;
	v4 =	vld [tilespmem:s17+$0x20];
	v12 =	vsub.f32 v14, v6  }
0x174: {  	v5 =	vmul.f32 v5, v5;
	v14 =	vmul.f32 v3, v3;
	v6 =	vld [tilespmem:s18+$0x20];
	v2 =	vsel vm0, v7, v2  }
0x175: {  	v11 =	vmul.f32 v11, v11;
	v7 =	vld [tilespmem:s17+$0x30];
	v12 =	vmul.f32 v12, v12;
	v13 =	vsub.f32 v8, v13  }
0x176: {  	v15 =	vmul.f32 v15, v15;
	v10 =	vsub.f32 v22, v10;
	v8 =	vld [tilespmem:s18+$0x30];
	v16 =	vsub.f32 v9, v16  }
0x177: {  	v11 =	vadd.f32 v11, v14;
	v3 =	vld [tilespmem:s28+$0xFFFFFFC0];
	v12 =	vadd.f32 v12, v5;
	v13 =	vmul.f32 v13, v13  }
0x178: {  	v14 =	vmul.f32 v10, v10;
	v5 =	vld [tilespmem:s28+$0xFFFFFFD0]  }
0x179: {  	v15 =	vadd.f32 v15, v11;
	v9 =	vld [tilespmem:s17+$0x0];
	v12 =	vadd.f32 v13, v12;
	v13 =	vmul.f32 v16, v16  }
0x17a: {  	v11 =	vld [tilespmem:s18+$0x0]  }
0x17b: {  	v14 =	vadd.f32 v14, v15;
	v10 =	vld [tilespmem:s17+$0x10];
	v15 =	vadd.f32 v13, v12  }
0x17c: {  	v12 =	vld [tilespmem:s18+$0x10]  }
0x17d: {  	v13 =	vld [tilespmem:s17+$0xFFFFFFC0];
	v16 =	vadd.f32 v15, v14  }
0x17e: {  	v15 =	vld [tilespmem:s18+$0xFFFFFFC0]  }
0x17f: {  	v14 =	vld [tilespmem:s17+$0xFFFFFFD0];
	(xrf2) =	vadd.scan.msk.f32 $0xffff, v16  }
.Ltmp4:
0x180: {  	v16 =	vld [tilespmem:s18+$0xFFFFFFD0];
	(pc) =	sbr.rel @p1 .LBB2_11-.Ltmp4, $4  }
0x181: {  	v17 =	vld [tilespmem:s17+$0xFFFFFFE0]  }
0x182: {  	v18 =	vld [tilespmem:s18+$0xFFFFFFE0]  }
0x183: {  	v19 =	vld [tilespmem:s17+$0xFFFFFFF0]  }
0x184: {  	s20 =	sadd.s32 $0x1, s20;
	v20 =	vld [tilespmem:s18+$0xFFFFFFF0]  }
0x185: {  	v21 =	vld [tilespmem:s28+$0xFFFFFFE0]  }
0x186: {  	v4 =	vadd.f32 v6, v4;
	v50 =	vld [tilespmem:s28+$0xFFFFFFF0];
	v9 =	vadd.f32 v11, v9  }
0x187: {  	v7 =	vadd.f32 v8, v7;
	v51 =	vadd.f32 v15, v13;
	v52 =	vld [tilespmem:s28+$0x20]  }
0x188: {  	v10 =	vadd.f32 v12, v10;
	v53 =	vadd.f32 v16, v14;
	v54 =	vld [tilespmem:s28+$0x10]  }
0x189: {  	v57 =	vld [tilespmem:s28+$0x30];
	v55 =	vadd.f32 v18, v17;
	v56 =	vadd.f32 v20, v19  }
0x18a: {  	v3 =	vsub.f32 v51, v3;
	v5 =	vsub.f32 v53, v5  }
0x18b: {  	v58 =	vsub.f32 v55, v21;
	v6 =	vsub.f32 v56, v50  }
0x18c: {  	v1 =	vsub.f32 v9, v1;
	v3 =	vmul.f32 v3, v3;
	v5 =	vmul.f32 v5, v5  }
0x18d: {  	v59 =	vsub.f32 v10, v54;
	v8 =	vmul.f32 v58, v58;
	v6 =	vmul.f32 v6, v6  }
0x18e: {  	v1 =	vmul.f32 v1, v1;
	v4 =	vsub.f32 v4, v52;
	v7 =	vsub.f32 v7, v57  }
0x18f: {  	v60 =	vmul.f32 v59, v59;
	v3 =	vadd.f32 v8, v3;
	v5 =	vadd.f32 v6, v5  }
0x190: {  	v4 =	vmul.f32 v4, v4  }
0x191: {  	v61 =	vmul.f32 v7, v7;
	v1 =	vadd.f32 v1, v3;
	v3 =	vadd.f32 v60, v5;
	_ =	sdelay $0x1  }
0x192: {  	v1 =	vadd.f32 v4, v1;
	v3 =	vadd.f32 v61, v3;
	_ =	sdelay $0x1  }
0x193: {  	v1 =	vadd.f32 v3, v1;
	_ =	sdelay $0x1  }
0x194: {  	(xrf2) =	vadd.scan.msk.f32 $0xffff, v1;
	_ =	sdelay $0x8  }
0x195: {  	v1, _, _ =	vpop (xrf2)  }
0x196: {  	v3 =	vmov s11;
	v1 =	vbroadcast v1, $0xF;
	v62, _, _ =	vpop (xrf2)  }
0x197: {  	vm0 =	veq.s32 v3, v0;
	v3 =	vmov s10;
	v4 =	vbroadcast v62, $0xF  }
0x198: {  	vm15 =	veq.s32 v3, v0;
	v1 =	vsel vm0, v1, v2  }
0x199: {  	v1 =	vsel vm15, v4, v1  }
0x19a: {  	v1 =	vmax.f32 v1, $1.000000000e-30  }
0x19b: {  	v2 =	vshra.s32 v1, $0x1;
	v3 =	vmul.f32 $5.000000000e-01, v1  }
0x19c: {  	v2 =	vsub.s32 $0x5F3759DF, v2  }
0x19d: {  	v63 =	vmul.f32 v2, v3;
	_ =	sdelay $0x1  }
0x19e: {  	v4 =	vmul.f32 v2, v63;
	_ =	sdelay $0x1  }
0x19f: {  	v4 =	vsub.f32 $1.500000000e+00, v4;
	_ =	sdelay $0x1  }
0x1a0: {  	v2 =	vmul.f32 v2, v4;
	_ =	sdelay $0x1  }
0x1a1: {  	v3 =	vmul.f32 v2, v3;
	_ =	sdelay $0x1  }
0x1a2: {  	v3 =	vmul.f32 v3, v2;
	_ =	sdelay $0x1  }
0x1a3: {  	s0 =	sadd.s32 $0x1, s0;
	v3 =	vsub.f32 $1.500000000e+00, v3  }
0x1a4: {  	p1 =	sne.s32 s0, $0x8  }
.Ltmp5:
0x1a5: {  	v2 =	vmul.f32 v3, v2;
	(pc) =	sbr.rel @p1 .LBB2_10-.Ltmp5, $3  }
0x1a6: {  	_ = 	snop  }
0x1a7: {  	v1 =	vmul.f32 v2, v1;
	_ =	sdelay $0x1  }
0x1a8: {  	s23 =	sadd.s32 $0x800, s23;
	s25 =	sadd.s32 $0x800, s25;
	s26 =	sadd.s32 $0x800, s26;
	[tilespmem:s2+$0x18700] =	vst v1  }
0x1a9: {  	_ =	swait.ge [sflag:s29], $0x4000  }
0x1aa: {  	[sflag:s29] =	ssyncset.done $0x0  }
0x1ab: {  	[sflag:s29] =	ssyncadd.s32 $0xFFFFC000  }
0x1ac: {  	_ =	swait.ge [sflag:s30], $0x4000  }
0x1ad: {  	[sflag:s30] =	ssyncset.done $0x0  }
0x1ae: {  	[sflag:s30] =	ssyncadd.s32 $0xFFFFC000  }
0x1af: {  	s23 =	simm.s32 $0x0;
	_ =	swait.ge [sflag:s31], $0x4000  }
0x1b0: {  	s25 =	simm.s32 $0x10600;
	s26 =	simm.s32 $0x8600;
	[sflag:s31] =	ssyncset.done $0x0  }
0x1b1: {  	s28 =	simm.s32 $0x600;
	s0 =	simm.s32 $0x0;
	[sflag:s31] =	ssyncadd.s32 $0xFFFFC000  }
.LBB2_14:
0x1b2: {  	v1 =	vmov s25  }
0x1b3: {  	v3 =	vmov s28  }
0x1b4: {  	v2 =	vmov s26;
	_ =	sdelay $0x1  }
0x1b5: {  	s2 =	simm.s32 $0x0  }
0x1b6: {  	v4 =	vld.idx.msk [tilespmem:v1+s2+$0x4040 ss:$0x1], $0xffff  }
0x1b7: {  	v5 =	vld.idx.msk [tilespmem:v3+s2+$0x4060 ss:$0x1], $0xffff  }
0x1b8: {  	v6 =	vld.idx.msk [tilespmem:v2+s2+$0x4060 ss:$0x1], $0xffff  }
0x1b9: {  	v7 =	vld.idx.msk [tilespmem:v3+s2+$0x4070 ss:$0x1], $0xffff  }
0x1ba: {  	v8 =	vld.idx.msk [tilespmem:v2+s2+$0x4070 ss:$0x1], $0xffff  }
0x1bb: {  	v9 =	vld.idx.msk [tilespmem:v1+s2+$0x4000 ss:$0x1], $0xffff  }
0x1bc: {  	v10 =	vld.idx.msk [tilespmem:v1+s2+$0x4010 ss:$0x1], $0xffff  }
0x1bd: {  	v11 =	vld.idx.msk [tilespmem:v3+s2+$0x4040 ss:$0x1], $0xffff  }
0x1be: {  	v12 =	vld.idx.msk [tilespmem:v2+s2+$0x4040 ss:$0x1], $0xffff  }
0x1bf: {  	v13 =	vld.idx.msk [tilespmem:v3+s2+$0x4050 ss:$0x1], $0xffff  }
0x1c0: {  	v14 =	vld.idx.msk [tilespmem:v2+s2+$0x4050 ss:$0x1], $0xffff  }
0x1c1: {  	v15 =	vld.idx.msk [tilespmem:v3+s2+$0x4000 ss:$0x1], $0xffff  }
0x1c2: {  	v16 =	vld.idx.msk [tilespmem:v2+s2+$0x4000 ss:$0x1], $0xffff  }
0x1c3: {  	v17 =	vld.idx.msk [tilespmem:v3+s2+$0x4010 ss:$0x1], $0xffff  }
0x1c4: {  	v18 =	vld.idx.msk [tilespmem:v2+s2+$0x4010 ss:$0x1], $0xffff  }
0x1c5: {  	v19 =	vld.idx.msk [tilespmem:v3+s2+$0x4020 ss:$0x1], $0xffff  }
0x1c6: {  	v20 =	vld.idx.msk [tilespmem:v2+s2+$0x4020 ss:$0x1], $0xffff  }
0x1c7: {  	v21 =	vld.idx.msk [tilespmem:v3+s2+$0x4030 ss:$0x1], $0xffff  }
0x1c8: {  	v22 =	vld.idx.msk [tilespmem:v2+s2+$0x4030 ss:$0x1], $0xffff  }
0x1c9: {  	v23 =	vld.idx.msk [tilespmem:v1+s2+$0x4020 ss:$0x1], $0xffff  }
0x1ca: {  	v24 =	vld.idx.msk [tilespmem:v1+s2+$0x4030 ss:$0x1], $0xffff  }
0x1cb: {  	v25 =	vld.idx.msk [tilespmem:v1+s2+$0x4060 ss:$0x1], $0xffff  }
0x1cc: {  	v26 =	vld.idx.msk [tilespmem:v1+s2+$0x4050 ss:$0x1], $0xffff  }
0x1cd: {  	s10 =	simm.s32 $0x80;
	v27 =	vld.idx.msk [tilespmem:v1+s2+$0x4070 ss:$0x1], $0xffff  }
0x1ce: {  	v28 =	vld.idx.msk [tilespmem:v1+s10+$0x4040 ss:$0x1], $0xffff  }
0x1cf: {  	v29 =	vld.idx.msk [tilespmem:v3+s10+$0x4060 ss:$0x1], $0xffff  }
0x1d0: {  	v30 =	vld.idx.msk [tilespmem:v2+s10+$0x4060 ss:$0x1], $0xffff  }
0x1d1: {  	v31 =	vld.idx.msk [tilespmem:v3+s10+$0x4070 ss:$0x1], $0xffff  }
0x1d2: {  	v32 =	vld.idx.msk [tilespmem:v2+s10+$0x4070 ss:$0x1], $0xffff  }
0x1d3: {  	v33 =	vld.idx.msk [tilespmem:v1+s10+$0x4000 ss:$0x1], $0xffff  }
0x1d4: {  	v34 =	vld.idx.msk [tilespmem:v1+s10+$0x4010 ss:$0x1], $0xffff  }
0x1d5: {  	v35 =	vld.idx.msk [tilespmem:v3+s10+$0x4040 ss:$0x1], $0xffff  }
0x1d6: {  	v5 =	vadd.f32 v6, v5;
	v6 =	vadd.f32 v12, v11;
	v11 =	vld.idx.msk [tilespmem:v2+s10+$0x4040 ss:$0x1], $0xffff  }
0x1d7: {  	v7 =	vadd.f32 v8, v7;
	v8 =	vadd.f32 v16, v15;
	v12 =	vld.idx.msk [tilespmem:v3+s10+$0x4050 ss:$0x1], $0xffff  }
0x1d8: {  	v13 =	vadd.f32 v14, v13;
	v14 =	vadd.f32 v18, v17;
	v15 =	vld.idx.msk [tilespmem:v2+s10+$0x4050 ss:$0x1], $0xffff  }
0x1d9: {  	v16 =	vadd.f32 v20, v19;
	v17 =	vadd.f32 v22, v21;
	v18 =	vld.idx.msk [tilespmem:v3+s10+$0x4000 ss:$0x1], $0xffff  }
0x1da: {  	v19 =	vld.idx.msk [tilespmem:v3+s10+$0x4020 ss:$0x1], $0xffff;
	v61 =	vadd.f32 v30, v29;
	v63 =	vadd.f32 v32, v31  }
0x1db: {  	v20 =	vld.idx.msk [tilespmem:v2+s10+$0x4020 ss:$0x1], $0xffff;
	v8 =	vsub.f32 v8, v9;
	v9 =	vsub.f32 v14, v10  }
0x1dc: {  	v22 =	vld.idx.msk [tilespmem:v1+s10+$0x4050 ss:$0x1], $0xffff;
	v14 =	vsub.f32 v16, v23;
	v16 =	vsub.f32 v17, v24  }
0x1dd: {  	v17 =	vld.idx.msk [tilespmem:v3+s10+$0x4010 ss:$0x1], $0xffff;
	v4 =	vsub.f32 v6, v4;
	v6 =	vmul.f32 v8, v8;
	v8 =	vmul.f32 v9, v9  }
0x1de: {  	v13 =	vsub.f32 v13, v26;
	v9 =	vld.idx.msk [tilespmem:v2+s10+$0x4010 ss:$0x1], $0xffff;
	v14 =	vmul.f32 v14, v14;
	v16 =	vmul.f32 v16, v16  }
0x1df: {  	v10 =	vld.idx.msk [tilespmem:v2+s10+$0x4000 ss:$0x1], $0xffff;
	v5 =	vsub.f32 v5, v25;
	v7 =	vsub.f32 v7, v27;
	v4 =	vmul.f32 v4, v4  }
0x1e0: {  	v13 =	vmul.f32 v13, v13;
	v6 =	vadd.f32 v14, v6;
	v8 =	vadd.f32 v16, v8;
	v14 =	vld.idx.msk [tilespmem:v3+s10+$0x4030 ss:$0x1], $0xffff  }
0x1e1: {  	v5 =	vmul.f32 v5, v5;
	v62 =	vadd.f32 v11, v35;
	v12 =	vadd.f32 v15, v12;
	v16 =	vld.idx.msk [tilespmem:v2+s10+$0x4030 ss:$0x1], $0xffff  }
0x1e2: {  	v7 =	vmul.f32 v7, v7;
	v4 =	vadd.f32 v4, v6;
	v6 =	vadd.f32 v13, v8;
	v8 =	vld.idx.msk [tilespmem:v1+s10+$0x4020 ss:$0x1], $0xffff  }
0x1e3: {  	v15 =	vadd.f32 v20, v19;
	v13 =	vld.idx.msk [tilespmem:v1+s10+$0x4030 ss:$0x1], $0xffff;
	v11 =	vadd.f32 v9, v17  }
0x1e4: {  	v21 =	vld.idx.msk [tilespmem:v1+s10+$0x4060 ss:$0x1], $0xffff;
	v4 =	vadd.f32 v5, v4;
	v5 =	vadd.f32 v7, v6  }
0x1e5: {  	s2 =	simm.s32 $0x100;
	v23 =	vld.idx.msk [tilespmem:v1+s10+$0x4070 ss:$0x1], $0xffff;
	v17 =	vsub.f32 v12, v22;
	v6 =	vadd.f32 v10, v18  }
0x1e6: {  	v9 =	vld.idx.msk [tilespmem:v2+s2+$0x4060 ss:$0x1], $0xffff;
	v14 =	vadd.f32 v16, v14;
	v5 =	vadd.f32 v5, v4  }
0x1e7: {  	v12 =	vld.idx.msk [tilespmem:v3+s2+$0x4040 ss:$0x1], $0xffff;
	v16 =	vsub.f32 v11, v34;
	v15 =	vsub.f32 v15, v8  }
0x1e8: {  	v22 =	vmov s23;
	v7 =	vld.idx.msk [tilespmem:v3+s2+$0x4060 ss:$0x1], $0xffff;
	v13 =	vsub.f32 v14, v13;
	(xrf2) =	vadd.scan.msk.f32 $0xffff, v5;
	v5 =	vsub.f32 v6, v33  }
0x1e9: {  	v10 =	vld.idx.msk [tilespmem:v3+s2+$0x4070 ss:$0x1], $0xffff;
	vm0 =	veq.s32 v22, v0;
	v16 =	vmul.f32 v16, v16;
	v15 =	vmul.f32 v15, v15  }
0x1ea: {  	v22 =	vld.idx.msk [tilespmem:v2+s2+$0x4020 ss:$0x1], $0xffff;
	v14 =	vsub.f32 v62, v28;
	v13 =	vmul.f32 v13, v13;
	v5 =	vmul.f32 v5, v5  }
0x1eb: {  	v19 =	vsub.f32 v61, v21;
	v20 =	vsub.f32 v63, v23;
	v11 =	vld.idx.msk [tilespmem:v2+s2+$0x4070 ss:$0x1], $0xffff;
	v17 =	vmul.f32 v17, v17  }
0x1ec: {  	v4 =	vld.idx.msk [tilespmem:v1+s2+$0x4040 ss:$0x1], $0xffff;
	v18 =	vmul.f32 v14, v14;
	v16 =	vadd.f32 v13, v16;
	v5 =	vadd.f32 v15, v5  }
0x1ed: {  	v19 =	vmul.f32 v19, v19;
	v8 =	vld.idx.msk [tilespmem:v1+s2+$0x4010 ss:$0x1], $0xffff  }
0x1ee: {  	v20 =	vmul.f32 v20, v20;
	v6 =	vld.idx.msk [tilespmem:v1+s2+$0x4000 ss:$0x1], $0xffff;
	v17 =	vadd.f32 v17, v16;
	v5 =	vadd.f32 v18, v5  }
0x1ef: {  	v14 =	vld.idx.msk [tilespmem:v2+s2+$0x4040 ss:$0x1], $0xffff  }
0x1f0: {  	v13 =	vld.idx.msk [tilespmem:v3+s2+$0x4050 ss:$0x1], $0xffff;
	v20 =	vadd.f32 v20, v17;
	v5 =	vadd.f32 v19, v5  }
0x1f1: {  	v15 =	vld.idx.msk [tilespmem:v2+s2+$0x4050 ss:$0x1], $0xffff  }
0x1f2: {  	v16 =	vld.idx.msk [tilespmem:v3+s2+$0x4000 ss:$0x1], $0xffff;
	v23 =	vadd.f32 v20, v5  }
0x1f3: {  	v18 =	vld.idx.msk [tilespmem:v2+s2+$0x4000 ss:$0x1], $0xffff  }
0x1f4: {  	v17 =	vld.idx.msk [tilespmem:v3+s2+$0x4010 ss:$0x1], $0xffff;
	v21, _, _ =	vpop (xrf2);
	(xrf2) =	vadd.scan.msk.f32 $0xffff, v23  }
0x1f5: {  	v19 =	vld.idx.msk [tilespmem:v2+s2+$0x4010 ss:$0x1], $0xffff;
	v21 =	vbroadcast v21, $0xF  }
0x1f6: {  	v20 =	vld.idx.msk [tilespmem:v3+s2+$0x4020 ss:$0x1], $0xffff;
	v5 =	vimm.f32 $0.0e+00  }
0x1f7: {  	s17 =	sshll.u32 s0, $0x4;
	s11 =	simm.s32 $0x600;
	s10 =	simm.s32 $0x0;
	v5 =	vsel vm0, v21, v5;
	v21 =	vld.idx.msk [tilespmem:v3+s2+$0x4030 ss:$0x1], $0xffff  }
.LBB2_15:
0x1f8: {  	p1 =	sne.s32 s11, $0x1E00;
	v23 =	vld.idx.msk [tilespmem:v2+s2+$0x4030 ss:$0x1], $0xffff  }
0x1f9: {  	v24 =	vld.idx.msk [tilespmem:v1+s2+$0x4020 ss:$0x1], $0xffff  }
0x1fa: {  	v26 =	vadd.f32 v9, v7;
	v25 =	vld.idx.msk [tilespmem:v1+s2+$0x4030 ss:$0x1], $0xffff  }
0x1fb: {  	v7 =	vadd.f32 v14, v12;
	v14 =	vadd.f32 v11, v10;
	v12 =	vld.idx.msk [tilespmem:v1+s2+$0x4060 ss:$0x1], $0xffff  }
0x1fc: {  	v9 =	vadd.f32 v18, v16;
	v13 =	vadd.f32 v15, v13;
	v16 =	vld.idx.msk [tilespmem:v1+s2+$0x4050 ss:$0x1], $0xffff  }
0x1fd: {  	s10 =	sadd.s32 $0x1, s10;
	v10 =	vadd.f32 v19, v17;
	v11 =	vadd.f32 v22, v20;
	v15 =	vld.idx.msk [tilespmem:v1+s2+$0x4070 ss:$0x1], $0xffff;
	s2 =	sshra.s32 s11, $0x2  }
0x1fe: {  	v19 =	vmov s10;
	v18 =	vsub.f32 v7, v4;
	v17 =	vadd.f32 v23, v21;
	v4 =	vld.idx.msk [tilespmem:v1+s2+$0x4040 ss:$0x1], $0xffff;
	v20, _, _ =	vpop (xrf2)  }
0x1ff: {  	v6 =	vsub.f32 v9, v6;
	v8 =	vsub.f32 v10, v8;
	v7 =	vld.idx.msk [tilespmem:v3+s2+$0x4060 ss:$0x1], $0xffff;
	v20 =	vbroadcast v20, $0xF  }
0x200: {  	vm0 =	veq.s32 v19, v0;
	v21 =	vsub.f32 v11, v24;
	v17 =	vsub.f32 v17, v25;
	v9 =	vld.idx.msk [tilespmem:v2+s2+$0x4060 ss:$0x1], $0xffff  }
0x201: {  	v19 =	vmul.f32 v6, v6;
	v22 =	vmul.f32 v8, v8;
	v10 =	vld.idx.msk [tilespmem:v3+s2+$0x4070 ss:$0x1], $0xffff;
	v5 =	vsel vm0, v20, v5  }
0x202: {  	v20 =	vmul.f32 v21, v21;
	v17 =	vmul.f32 v17, v17;
	v13 =	vsub.f32 v13, v16;
	v11 =	vld.idx.msk [tilespmem:v2+s2+$0x4070 ss:$0x1], $0xffff  }
0x203: {  	v16 =	vmul.f32 v18, v18;
	v18 =	vsub.f32 v26, v12;
	v15 =	vsub.f32 v14, v15;
	v6 =	vld.idx.msk [tilespmem:v1+s2+$0x4000 ss:$0x1], $0xffff  }
0x204: {  	v19 =	vadd.f32 v20, v19;
	v17 =	vadd.f32 v17, v22;
	v13 =	vmul.f32 v13, v13;
	v8 =	vld.idx.msk [tilespmem:v1+s2+$0x4010 ss:$0x1], $0xffff  }
0x205: {  	v18 =	vmul.f32 v18, v18;
	v12 =	vld.idx.msk [tilespmem:v3+s2+$0x4040 ss:$0x1], $0xffff  }
0x206: {  	v16 =	vadd.f32 v16, v19;
	v17 =	vadd.f32 v13, v17;
	v19 =	vmul.f32 v15, v15;
	v14 =	vld.idx.msk [tilespmem:v2+s2+$0x4040 ss:$0x1], $0xffff  }
0x207: {  	v13 =	vld.idx.msk [tilespmem:v3+s2+$0x4050 ss:$0x1], $0xffff  }
0x208: {  	v20 =	vadd.f32 v18, v16;
	v17 =	vadd.f32 v19, v17;
	v15 =	vld.idx.msk [tilespmem:v2+s2+$0x4050 ss:$0x1], $0xffff  }
0x209: {  	v16 =	vld.idx.msk [tilespmem:v3+s2+$0x4000 ss:$0x1], $0xffff  }
0x20a: {  	v20 =	vadd.f32 v17, v20;
	v18 =	vld.idx.msk [tilespmem:v2+s2+$0x4000 ss:$0x1], $0xffff  }
.Ltmp6:
0x20b: {  	v17 =	vld.idx.msk [tilespmem:v3+s2+$0x4010 ss:$0x1], $0xffff;
	(pc) =	sbr.rel @p1 .LBB2_15-.Ltmp6, $4  }
0x20c: {  	v19 =	vld.idx.msk [tilespmem:v2+s2+$0x4010 ss:$0x1], $0xffff;
	(xrf2) =	vadd.scan.msk.f32 $0xffff, v20  }
0x20d: {  	v20 =	vld.idx.msk [tilespmem:v3+s2+$0x4020 ss:$0x1], $0xffff  }
0x20e: {  	v22 =	vld.idx.msk [tilespmem:v2+s2+$0x4020 ss:$0x1], $0xffff  }
0x20f: {  	s11 =	sadd.s32 $0x200, s11;
	v21 =	vld.idx.msk [tilespmem:v3+s2+$0x4030 ss:$0x1], $0xffff  }
0x210: {  	_ =	sdelay $0x3  }
0x211: {  	v2 =	vld.idx.msk [tilespmem:v2+s2+$0x4030 ss:$0x1], $0xffff  }
0x212: {  	v3 =	vld.idx.msk [tilespmem:v1+s2+$0x4020 ss:$0x1], $0xffff  }
0x213: {  	v23 =	vld.idx.msk [tilespmem:v1+s2+$0x4030 ss:$0x1], $0xffff;
	v7 =	vadd.f32 v9, v7;
	v55 =	vadd.f32 v14, v12  }
0x214: {  	v56 =	vld.idx.msk [tilespmem:v1+s2+$0x4060 ss:$0x1], $0xffff;
	v10 =	vadd.f32 v11, v10;
	v57 =	vadd.f32 v18, v16  }
0x215: {  	v58 =	vld.idx.msk [tilespmem:v1+s2+$0x4050 ss:$0x1], $0xffff;
	v13 =	vadd.f32 v15, v13;
	v59 =	vadd.f32 v19, v17  }
0x216: {  	v1 =	vld.idx.msk [tilespmem:v1+s2+$0x4070 ss:$0x1], $0xffff;
	v60 =	vadd.f32 v22, v20;
	v2 =	vadd.f32 v2, v21  }
0x217: {  	v6 =	vsub.f32 v57, v6;
	v8 =	vsub.f32 v59, v8  }
0x218: {  	v3 =	vsub.f32 v60, v3;
	v2 =	vsub.f32 v2, v23  }
0x219: {  	v4 =	vsub.f32 v55, v4;
	v6 =	vmul.f32 v6, v6;
	v8 =	vmul.f32 v8, v8  }
0x21a: {  	v61 =	vsub.f32 v13, v58;
	v3 =	vmul.f32 v3, v3;
	v2 =	vmul.f32 v2, v2  }
0x21b: {  	v4 =	vmul.f32 v4, v4;
	v7 =	vsub.f32 v7, v56;
	v1 =	vsub.f32 v10, v1  }
0x21c: {  	v62 =	vmul.f32 v61, v61;
	v3 =	vadd.f32 v3, v6;
	v2 =	vadd.f32 v2, v8  }
0x21d: {  	v7 =	vmul.f32 v7, v7  }
0x21e: {  	v1 =	vmul.f32 v1, v1;
	v3 =	vadd.f32 v4, v3;
	v2 =	vadd.f32 v62, v2;
	_ =	sdelay $0x1  }
0x21f: {  	v3 =	vadd.f32 v7, v3;
	v1 =	vadd.f32 v1, v2;
	_ =	sdelay $0x1  }
0x220: {  	v1 =	vadd.f32 v1, v3;
	_ =	sdelay $0x1  }
0x221: {  	(xrf2) =	vadd.scan.msk.f32 $0xffff, v1;
	_ =	sdelay $0x8  }
0x222: {  	s20 =	sadd.s32 $0x1, s10;
	v1, _, _ =	vpop (xrf2)  }
0x223: {  	s2 =	sadd.s32 $0x1, s20;
	v2 =	vmov s20;
	v1 =	vbroadcast v1, $0xF;
	v3, _, _ =	vpop (xrf2)  }
0x224: {  	vm0 =	veq.s32 v2, v0;
	v2 =	vmov s2;
	v3 =	vbroadcast v3, $0xF  }
0x225: {  	vm15 =	veq.s32 v2, v0;
	v1 =	vsel vm0, v1, v5  }
0x226: {  	v1 =	vsel vm15, v3, v1  }
0x227: {  	v1 =	vmax.f32 v1, $1.000000000e-30  }
0x228: {  	v2 =	vshra.s32 v1, $0x1;
	v3 =	vmul.f32 $5.000000000e-01, v1  }
0x229: {  	v2 =	vsub.s32 $0x5F3759DF, v2  }
0x22a: {  	v63 =	vmul.f32 v2, v3;
	_ =	sdelay $0x1  }
0x22b: {  	v4 =	vmul.f32 v2, v63;
	_ =	sdelay $0x1  }
0x22c: {  	v4 =	vsub.f32 $1.500000000e+00, v4;
	_ =	sdelay $0x1  }
0x22d: {  	v2 =	vmul.f32 v2, v4;
	_ =	sdelay $0x1  }
0x22e: {  	v3 =	vmul.f32 v2, v3;
	_ =	sdelay $0x1  }
0x22f: {  	v3 =	vmul.f32 v3, v2;
	_ =	sdelay $0x1  }
0x230: {  	s0 =	sadd.s32 $0x1, s0;
	v3 =	vsub.f32 $1.500000000e+00, v3  }
0x231: {  	p1 =	sne.s32 s0, $0x8  }
.Ltmp7:
0x232: {  	v2 =	vmul.f32 v3, v2;
	(pc) =	sbr.rel @p1 .LBB2_14-.Ltmp7, $3  }
0x233: {  	_ = 	snop  }
0x234: {  	v1 =	vmul.f32 v2, v1;
	_ =	sdelay $0x1  }
0x235: {  	s25 =	sadd.s32 $0x800, s25;
	s26 =	sadd.s32 $0x800, s26;
	s28 =	sadd.s32 $0x800, s28;
	[tilespmem:s17+$0x18780] =	vst v1  }
0x236: {  	s21 =	sadd.s32 $0x1, s21  }
0x237: {  	p1 =	sne.s32 s21, s9  }
.Ltmp8:
0x238: {  	s0 =	simm.s32 $0x18600;
	(pc) =	sbr.rel @p1 .LBB2_1-.Ltmp8, $4  }
0x239: {  	[hbm4b:s8+s4] =	stream.linear.scatter [tilespmem:s0], [sflag:$0x7], $0x200, $0x38;
	[tilespmem:$0x1A740] =	vst v63  }
0x23a: {  	_ =	swait.ge [sflag:s19], $0x200  }
0x23b: {  	[sflag:s19] =	ssyncset.done $0x0  }
0x23c: {  	[sflag:s19] =	ssyncadd.s32 $0xFFFFFE00  }
0x23d: {  	_ =	sfence.sel $0x180000  }
0x23e: {  	[bflag:$0x0] =	sbarrier.arrive $0xFFFF  }
0x23f: {  	_ =	strace $0x90000047  }
0x240: {  	[bflag:$0x2] =	sbarrier.arrive $0xFFFF  }
0x241: {  	s0 =	rddreg [dreg:$0x7]  }
0x242: {  	s0 =	sadd.s32 @!p0 $0x100000, s0  }
0x243: {  	[sflag:s0] =	ssyncadd.tile.s32 @!p0 $0x1;
	_ =	shalt  }
.Lfunc_end2:
_tile_overlayer_lowered:
.L_overlay_start_2:
0x244: {  	(tag) =	ssettag $0x2  }
0x245: {  	s0 =	rddreg [dreg:$0x0];
	s2 =	stileid.u32  }
0x246: {  	s1 =	rddreg [dreg:$0x1];
	p0 =	sne.s32 s2, $0x0  }
0x247: {  	s3 =	rddreg [dreg:$0x2];
	[bflag:$0x3] =	sbarrier.arrive $0xFFFF;
	s2 =	simm.s32 @!p0 $0x1C07  }
0x248: {  	[timem:s3], [sflag:s2] =	dma.local @!p0 [hbm:s0], s1  }
0x249: {  	s0 =	simm.s32 @!p0 $0x7  }
0x24a: {  	_ =	swait.ge @!p0 [sflag:s0], s1  }
0x24b: {  	s1 =	ssub.s32 @!p0 $0x0, s1;
	[sflag:s0] =	ssyncset.done @!p0 $0x0  }
0x24c: {  	[sflag:s0] =	ssyncadd.s32 @!p0 s1  }
0x24d: {  	[bflag:$0x3] =	sbarrier.arrive $0xFFFF  }
0x24e: {  	_ =	shalt  }

</sc_bundles>
